<compile_context>
chip_gen: v7x
topology: tpu7x:2x2x1
jax: 0.10.2.dev20260603
libtpu: 0.0.44.dev20260713+nightly
codegen_flags: <defaults>
</compile_context>

<pallas_src>
import functools

import jax
import jax.numpy as jnp
from jax import lax
from jax.experimental import pallas as pl
from jax.experimental.pallas import tpu as pltpu
from jax.experimental.pallas import tpu_sc as plsc

N = 10000
E = 320000
D = 128
DEPTH = 3

NC = 2
NS = 16
NW = NC * NS
EPT = E // NS
K = 80
CHUNKS = EPT // K
H = N // 2
HPAD = 5120
HPT = HPAD // NS
EPW = E // NW

_MESH = plsc.VectorSubcoreMesh(core_axis_name="c", subcore_axis_name="s")


@functools.partial(
    pl.kernel,
    mesh=_MESH,
    out_type=jax.ShapeDtypeStruct((NC, NS, N), jnp.float32),
    compiler_params=pltpu.CompilerParams(needs_layout_passes=False),
    scratch_types=[
        pltpu.VMEM((N,), jnp.float32),
        pltpu.VMEM((EPW,), jnp.int32),
    ],
)
def _sc_deg(col_hbm, zeros_hbm, out_hbm, hist_v, col_v):
    cid = lax.axis_index("c")
    sid = lax.axis_index("s")

    pltpu.sync_copy(zeros_hbm, hist_v)
    pltpu.sync_copy(col_hbm.at[cid, sid], col_v)

    ones = jnp.ones((16,), jnp.float32)

    def body(i, _):
        idx = col_v[pl.ds(i * 16, 16)]
        plsc.addupdate_scatter(hist_v, [idx], ones)
        return _

    lax.fori_loop(0, EPW // 16, body, None)
    pltpu.sync_copy(hist_v, out_hbm.at[cid, sid])


@functools.partial(
    pl.kernel,
    mesh=_MESH,
    out_type=jax.ShapeDtypeStruct((E,), jnp.float32),
    compiler_params=pltpu.CompilerParams(needs_layout_passes=False),
    scratch_types=[
        pltpu.VMEM((N,), jnp.float32),
        pltpu.VMEM((EPW,), jnp.int32),
        pltpu.VMEM((EPW,), jnp.float32),
    ],
)
def _sc_gather_dis(dis_hbm, row_hbm, out_hbm, dis_v, row_v, s_v):
    cid = lax.axis_index("c")
    sid = lax.axis_index("s")
    wid = cid * NS + sid

    pltpu.sync_copy(dis_hbm, dis_v)
    pltpu.sync_copy(row_hbm.at[pl.ds(wid * EPW, EPW)], row_v)

    def body(i, _):
        idx = row_v[pl.ds(i * 16, 16)]
        s_v[pl.ds(i * 16, 16)] = plsc.load_gather(dis_v, [idx])
        return _

    lax.fori_loop(0, EPW // 16, body, None)
    pltpu.sync_copy(s_v, out_hbm.at[pl.ds(wid * EPW, EPW)])


def _make_sc_scatter(linear_src):

    scratch = [
        pltpu.VMEM((CHUNKS, K), jnp.int32),
        pltpu.VMEM((K, D), jnp.float32),
        pltpu.VMEM((K, D), jnp.float32),
        pltpu.VMEM((8, D), jnp.float32),
        pltpu.VMEM_SHARED((HPAD, D), jnp.float32),
        pltpu.SemaphoreType.DMA,
        pltpu.SemaphoreType.DMA,
    ]
    if not linear_src:
        scratch = [pltpu.VMEM((CHUNKS, K), jnp.int32)] + scratch

    @functools.partial(
        pl.kernel,
        mesh=_MESH,
        out_type=jax.ShapeDtypeStruct((NC, HPAD, D), jnp.float32),
        scratch_types=scratch,
    )
    def scat(*args):
        if linear_src:
            (table_hbm, didx_hbm, zeros_hbm, dep_hbm, out_hbm,
             didx_v, buf0, buf1, dep_v, acc, sem0, sem1) = args
            sidx_hbm = sidx_v = None
        else:
            (table_hbm, sidx_hbm, didx_hbm, zeros_hbm, dep_hbm, out_hbm,
             sidx_v, didx_v, buf0, buf1, dep_v, acc, sem0, sem1) = args
        cid = lax.axis_index("c")
        sid = lax.axis_index("s")

        pltpu.sync_copy(dep_hbm, dep_v)
        pltpu.sync_copy(zeros_hbm.at[pl.ds(sid * HPT, HPT)],
                        acc.at[pl.ds(sid * HPT, HPT)])

        if not linear_src:
            pltpu.sync_copy(sidx_hbm.at[sid], sidx_v)
        pltpu.sync_copy(didx_hbm.at[cid, sid], didx_v)
        plsc.subcore_barrier()

        def src_slice(j):
            if linear_src:
                start = pl.multiple_of(sid * EPT + j * K, 8)
                return table_hbm.at[pl.ds(start, K)]
            return table_hbm.at[sidx_v.at[j]]

        def gather(j, buf, sem):
            return pltpu.async_copy(src_slice(j), buf, sem)

        def wait(j, buf, sem):
            pltpu.make_async_copy(src_slice(j), buf, sem).wait()

        def scatter(j, buf):
            pltpu.sync_copy(buf, acc.at[didx_v.at[j]], add=True)

        gather(0, buf0, sem0)
        gather(1, buf1, sem1)

        def body(p, _):
            j0 = p * 2
            wait(j0, buf0, sem0)
            scatter(j0, buf0)
            gather(j0 + 2, buf0, sem0)
            wait(j0 + 1, buf1, sem1)
            scatter(j0 + 1, buf1)
            gather(j0 + 3, buf1, sem1)
            return _

        lax.fori_loop(0, CHUNKS // 2 - 1, body, None)
        jf = CHUNKS - 2
        wait(jf, buf0, sem0)
        scatter(jf, buf0)
        wait(jf + 1, buf1, sem1)
        scatter(jf + 1, buf1)

        plsc.subcore_barrier()
        pltpu.sync_copy(acc.at[pl.ds(sid * HPT, HPT)],
                        out_hbm.at[cid, pl.ds(sid * HPT, HPT)])

    return scat


_sc_scat_e = _make_sc_scatter(linear_src=True)
_sc_scat_n = _make_sc_scatter(linear_src=False)


BN = 1000


def _tc_dis_body(deg_ref, x_ref, dis_ref, xp_ref):
    dis = jnp.sqrt(deg_ref[...])
    dis_ref[...] = dis
    xp_ref[...] = x_ref[...] * dis


_tc_dis = pl.pallas_call(
    _tc_dis_body,
    grid=(N // BN,),
    in_specs=[
        pl.BlockSpec((BN, 1), lambda i: (i, 0)),
        pl.BlockSpec((BN, D), lambda i: (i, 0)),
    ],
    out_specs=[
        pl.BlockSpec((BN, 1), lambda i: (i, 0)),
        pl.BlockSpec((BN, D), lambda i: (i, 0)),
    ],
    out_shape=[
        jax.ShapeDtypeStruct((N, 1), jnp.float32),
        jax.ShapeDtypeStruct((N, D), jnp.float32),
    ],
)


BE = 4000


def _tc_scale_body(s_ref, ea_ref, out_ref):
    out_ref[...] = s_ref[...] * ea_ref[...]


_tc_scale = pl.pallas_call(
    _tc_scale_body,
    grid=(E // BE,),
    in_specs=[
        pl.BlockSpec((BE, 1), lambda i: (i, 0)),
        pl.BlockSpec((BE, D), lambda i: (i, 0)),
    ],
    out_specs=pl.BlockSpec((BE, D), lambda i: (i, 0)),
    out_shape=jax.ShapeDtypeStruct((E, D), jnp.float32),
)


def _tc_mlp_body(x_ref, ax_ref, ae_ref, dis_ref,
                 w1_ref, b1_ref, w2_ref, b2_ref, xn_ref, xpn_ref):
    dis = dis_ref[...]
    ax = ax_ref[...] * dis
    ae = ae_ref[...] * dis
    h = jnp.concatenate([x_ref[...], ax, ae], axis=1)
    h = jnp.dot(h, w1_ref[...], preferred_element_type=jnp.float32)
    h = h + b1_ref[...]
    h = 0.5 * h * (1.0 + lax.erf(h * 0.7071067811865476))
    xn = jnp.dot(h, w2_ref[...], preferred_element_type=jnp.float32)
    xn = xn + b2_ref[...]
    xn_ref[...] = xn
    xpn_ref[...] = xn * dis


_tc_mlp = pl.pallas_call(
    _tc_mlp_body,
    grid=(N // BN,),
    in_specs=[
        pl.BlockSpec((BN, D), lambda i: (i, 0)),
        pl.BlockSpec((BN, D), lambda i: (i, 0)),
        pl.BlockSpec((BN, D), lambda i: (i, 0)),
        pl.BlockSpec((BN, 1), lambda i: (i, 0)),
        pl.BlockSpec((3 * D, 2 * D), lambda i: (0, 0)),
        pl.BlockSpec((1, 2 * D), lambda i: (0, 0)),
        pl.BlockSpec((2 * D, D), lambda i: (0, 0)),
        pl.BlockSpec((1, D), lambda i: (0, 0)),
    ],
    out_specs=[
        pl.BlockSpec((BN, D), lambda i: (i, 0)),
        pl.BlockSpec((BN, D), lambda i: (i, 0)),
    ],
    out_shape=[
        jax.ShapeDtypeStruct((N, D), jnp.float32),
        jax.ShapeDtypeStruct((N, D), jnp.float32),
    ],
)


def _core_local_dst(col):
    eidx = jnp.arange(E, dtype=jnp.int32)
    trash = H + (eidx % (HPAD - H))
    locs = []
    for c in range(NC):
        local = col - c * H
        ok = (local >= 0) & (local < H)
        locs.append(jnp.where(ok, local, trash))
    return jnp.stack(locs).reshape(NC, NS, CHUNKS, K)


def kernel(x, edge_index, edge_attr, ptr, W1, b1, W2, b2):
    row = edge_index[0]
    col = edge_index[1]
    row3 = row.reshape(NS, CHUNKS, K)
    colw = col.reshape(NC, NS, EPW)
    didx = _core_local_dst(col)
    zeros_d = jnp.zeros((HPAD, D), jnp.float32)
    zeros_n = jnp.zeros((N,), jnp.float32)

    hists = _sc_deg(colw, zeros_n)
    deg = hists.sum(axis=(0, 1)).reshape(N, 1)
    dis2, xp = _tc_dis(deg, x)
    dis1 = dis2.reshape(N)

    s = _sc_gather_dis(dis1, row)
    ep = _tc_scale(s.reshape(E, 1), edge_attr)
    pe = _sc_scat_e(ep, didx, zeros_d, jnp.zeros((8, D), jnp.float32))
    agge = pe[:, :H].reshape(N, D)

    px = None
    for layer in range(DEPTH):
        dep = pe[0, :8] if px is None else px[0, :8]
        px = _sc_scat_n(xp, row3, didx, zeros_d, dep)
        aggx = px[:, :H].reshape(N, D)
        x, xp = _tc_mlp(x, aggx, agge, dis2,
                        W1[layer], b1[layer].reshape(1, 2 * D),
                        W2[layer], b2[layer].reshape(1, D))
    return x

# --- scband reference (transcript-rebuilt; emitter-appended) ---
"""Pipeline reference for scband-encoder-mpnn-43198781063734 (READ-ONLY COPY).

The authoritative reference and input builder live on the scoring server;
editing this copy changes nothing except your own understanding.
"""

import jax, jax.numpy as jnp
import numpy as np

N = 10000
E = 320000
D = 128
DEPTH = 3

def setup_inputs(seed: int = 0):
    key = jax.random.key(seed)
    ks = jax.random.split(key, 8)
    x = jax.random.normal(ks[0], (N, D), dtype=jnp.float32)
    edge_index = jax.random.randint(ks[1], (2, E), 0, N, dtype=jnp.int32)
    edge_attr = jax.random.normal(ks[2], (E, D), dtype=jnp.float32)
    ptr = jnp.sort(jax.random.randint(ks[3], (9,), 0, N, dtype=jnp.int32))
    W1 = jax.random.normal(ks[4], (DEPTH, 3 * D, 2 * D), dtype=jnp.float32) * 0.02
    b1 = jnp.zeros((DEPTH, 2 * D), dtype=jnp.float32)
    W2 = jax.random.normal(ks[5], (DEPTH, 2 * D, D), dtype=jnp.float32) * 0.02
    b2 = jnp.zeros((DEPTH, D), dtype=jnp.float32)
    return {"x": x, "edge_index": edge_index, "edge_attr": edge_attr, "ptr": ptr,
            "W1": W1, "b1": b1, "W2": W2, "b2": b2}

def reference(x, edge_index, edge_attr, ptr, W1, b1, W2, b2):
    row = edge_index[0]
    col = edge_index[1]
    n = x.shape[0]
    for layer in range(DEPTH):
        # degree of destination nodes (col), as in torch_geometric degree(col, N)
        deg = jnp.zeros((n,), dtype=x.dtype).at[col].add(1.0)
        # NOTE: module uses deg.pow(0.5) (not inverse), faithful reproduction
        dis = jnp.power(deg, 0.5)
        dis = jnp.where(jnp.isinf(dis), 0.0, dis)
        norm = dis[row] * dis[col]
        # message: norm * cat([x_j, edge_attr]) with x_j = x[row] (source)
        msg = norm[:, None] * jnp.concatenate([x[row], edge_attr], axis=1)
        # aggr='add' at destination (col)
        aggr = jnp.zeros((n, 2 * D), dtype=x.dtype).at[col].add(msg)
        h = jnp.concatenate([x, aggr], axis=1)
        h = h @ W1[layer] + b1[layer]
        h = jax.nn.gelu(h, approximate=False)
        x = h @ W2[layer] + b2[layer]
        # dropout is identity in eval mode
    return x

if __name__ == "__main__":
    import jax
    _d = setup_inputs()
    print(jax.jit(kernel)(*tuple(_d.values())))

</pallas_src>

<mosaic_0001>
#map = affine_map<(d0, d1) -> (0, 0)>
#map1 = affine_map<(d0, d1) -> (0, 0, 0, 0)>
#map2 = affine_map<(d0, d1) -> (0, 0, 0)>
module attributes {stable_mosaic.version = 14 : i64} {
  func.func @scat(%arg0: i32, %arg1: i32, %arg2: memref<320000x128xf32, #tpu.memory_space<hbm>>, %arg3: memref<2x16x250x80xi32, #tpu.memory_space<hbm>>, %arg4: memref<5120x128xf32, #tpu.memory_space<hbm>>, %arg5: memref<8x128xf32, #tpu.memory_space<hbm>>, %arg6: memref<2x5120x128xf32, #tpu.memory_space<hbm>>, %arg7: memref<250x80xi32, #tpu.memory_space<vmem>>, %arg8: memref<80x128xf32, #tpu.memory_space<vmem>>, %arg9: memref<80x128xf32, #tpu.memory_space<vmem>>, %arg10: memref<8x128xf32, #tpu.memory_space<vmem>>, %arg11: memref<5120x128xf32, #tpu.memory_space<vmem_shared>>, %arg12: memref<!tpu.dma_semaphore, #tpu.memory_space<semaphore_mem>>, %arg13: memref<!tpu.dma_semaphore, #tpu.memory_space<semaphore_mem>>) attributes {dimension_semantics = [#tpu.dimension_semantics<core_parallel>, #tpu.dimension_semantics<subcore_parallel>], iteration_bounds = array<i64: 2, 16>, scalar_prefetch = 0 : i64, scratch_operands = 7 : i64, tpu.core_type = #tpu.core_type<sc_vector_subcore>, window_params = [{transform_indices = #map}, {transform_indices = #map1}, {transform_indices = #map}, {transform_indices = #map}, {transform_indices = #map2}]} {
    "tpu.region"() ({
      %run_scoped3A_45 = tpu.sem_alloc : memref<!tpu.dma_semaphore, #tpu.memory_space<semaphore_mem>>
      tpu.enqueue_dma source(%arg5 : memref<8x128xf32, #tpu.memory_space<hbm>>) target(%arg10 : memref<8x128xf32, #tpu.memory_space<vmem>>) target_semaphore(%run_scoped3A_45 : memref<!tpu.dma_semaphore, #tpu.memory_space<semaphore_mem>>)
      tpu.wait_dma2 semaphore(%run_scoped3A_45 : memref<!tpu.dma_semaphore, #tpu.memory_space<semaphore_mem>>) src(%arg5 : memref<8x128xf32, #tpu.memory_space<hbm>>) dst(%arg10 : memref<8x128xf32, #tpu.memory_space<vmem>>)
      tpu.yield
    }) : () -> ()
    %mul3A = arith.constant 320 : i32
    %mul3A_0 = arith.muli %arg1, %mul3A : i32
    %mul3A_1 = arith.constant 320 : i32
    %mul3A_2 = arith.muli %arg1, %mul3A_1 : i32
    "tpu.region"() ({
      %run_scoped3A_45 = tpu.sem_alloc : memref<!tpu.dma_semaphore, #tpu.memory_space<semaphore_mem>>
      %dma_start3A_46 = arith.constant 0 : i32
      %dma_start3A_47 = tpu.memref_slice %arg11[%mul3A_2, %dma_start3A_46] : memref<5120x128xf32, #tpu.memory_space<vmem_shared>> -> memref<320x128xf32, #tpu.memory_space<vmem_shared>>
      %dma_start3A_48 = arith.constant 0 : i32
      %dma_start3A_49 = tpu.memref_slice %arg4[%mul3A_0, %dma_start3A_48] : memref<5120x128xf32, #tpu.memory_space<hbm>> -> memref<320x128xf32, #tpu.memory_space<hbm>>
      tpu.enqueue_dma source(%dma_start3A_49 : memref<320x128xf32, #tpu.memory_space<hbm>>) target(%dma_start3A_47 : memref<320x128xf32, #tpu.memory_space<vmem_shared>>) target_semaphore(%run_scoped3A_45 : memref<!tpu.dma_semaphore, #tpu.memory_space<semaphore_mem>>)
      %dma_wait3A_50 = arith.constant 0 : i32
      %dma_wait3A_51 = tpu.memref_slice %arg11[%mul3A_2, %dma_wait3A_50] : memref<5120x128xf32, #tpu.memory_space<vmem_shared>> -> memref<320x128xf32, #tpu.memory_space<vmem_shared>>
      %dma_wait3A_52 = arith.constant 0 : i32
      %dma_wait3A_53 = tpu.memref_slice %arg4[%mul3A_0, %dma_wait3A_52] : memref<5120x128xf32, #tpu.memory_space<hbm>> -> memref<320x128xf32, #tpu.memory_space<hbm>>
      tpu.wait_dma2 semaphore(%run_scoped3A_45 : memref<!tpu.dma_semaphore, #tpu.memory_space<semaphore_mem>>) src(%dma_wait3A_53 : memref<320x128xf32, #tpu.memory_space<hbm>>) dst(%dma_wait3A_51 : memref<320x128xf32, #tpu.memory_space<vmem_shared>>)
      tpu.yield
    }) : () -> ()
    "tpu.region"() ({
      %run_scoped3A_45 = tpu.sem_alloc : memref<!tpu.dma_semaphore, #tpu.memory_space<semaphore_mem>>
      %dma_start3A_46 = arith.constant 0 : i32
      %dma_start3A_47 = arith.constant 0 : i32
      %dma_start3A_48 = tpu.memref_slice %arg3[%arg0, %arg1, %dma_start3A_46, %dma_start3A_47] : memref<2x16x250x80xi32, #tpu.memory_space<hbm>> -> memref<1x1x250x80xi32, #tpu.memory_space<hbm>>
      %dma_start3A_49 = tpu.memref_squeeze %dma_start3A_48 : memref<1x1x250x80xi32, #tpu.memory_space<hbm>> -> memref<250x80xi32, #tpu.memory_space<hbm>>
      %dma_start3A_50 = arith.constant 0 : i32
      %dma_start3A_51 = arith.constant 0 : i32
      %dma_start3A_52 = tpu.memref_slice %arg3[%arg0, %arg1, %dma_start3A_50, %dma_start3A_51] : memref<2x16x250x80xi32, #tpu.memory_space<hbm>> -> memref<1x1x250x80xi32, #tpu.memory_space<hbm>>
      %dma_start3A_53 = tpu.memref_squeeze %dma_start3A_52 : memref<1x1x250x80xi32, #tpu.memory_space<hbm>> -> memref<250x80xi32, #tpu.memory_space<hbm>>
      tpu.enqueue_dma source(%dma_start3A_53 : memref<250x80xi32, #tpu.memory_space<hbm>>) target(%arg7 : memref<250x80xi32, #tpu.memory_space<vmem>>) target_semaphore(%run_scoped3A_45 : memref<!tpu.dma_semaphore, #tpu.memory_space<semaphore_mem>>)
      %dma_wait3A_54 = arith.constant 0 : i32
      %dma_wait3A_55 = arith.constant 0 : i32
      %dma_wait3A_56 = tpu.memref_slice %arg3[%arg0, %arg1, %dma_wait3A_54, %dma_wait3A_55] : memref<2x16x250x80xi32, #tpu.memory_space<hbm>> -> memref<1x1x250x80xi32, #tpu.memory_space<hbm>>
      %dma_wait3A_57 = tpu.memref_squeeze %dma_wait3A_56 : memref<1x1x250x80xi32, #tpu.memory_space<hbm>> -> memref<250x80xi32, #tpu.memory_space<hbm>>
      %dma_wait3A_58 = arith.constant 0 : i32
      %dma_wait3A_59 = arith.constant 0 : i32
      %dma_wait3A_60 = tpu.memref_slice %arg3[%arg0, %arg1, %dma_wait3A_58, %dma_wait3A_59] : memref<2x16x250x80xi32, #tpu.memory_space<hbm>> -> memref<1x1x250x80xi32, #tpu.memory_space<hbm>>
      %dma_wait3A_61 = tpu.memref_squeeze %dma_wait3A_60 : memref<1x1x250x80xi32, #tpu.memory_space<hbm>> -> memref<250x80xi32, #tpu.memory_space<hbm>>
      tpu.wait_dma2 semaphore(%run_scoped3A_45 : memref<!tpu.dma_semaphore, #tpu.memory_space<semaphore_mem>>) src(%dma_wait3A_61 : memref<250x80xi32, #tpu.memory_space<hbm>>) dst(%arg7 : memref<250x80xi32, #tpu.memory_space<vmem>>)
      tpu.yield
    }) : () -> ()
    %barrier3A = arith.constant 0 : index
    tpu.barrier barrier_id(%barrier3A)
    %mul3A_3 = arith.constant 20000 : i32
    %mul3A_4 = arith.muli %arg1, %mul3A_3 : i32
    %add3A = arith.constant 0 : i32
    %add3A_5 = arith.addi %mul3A_4, %add3A : i32
    %multiple_of3A = tpu.assume_multiple %add3A_5, 8 : i32
    %dma_start3A = arith.constant 0 : i32
    %dma_start3A_6 = tpu.memref_slice %arg2[%multiple_of3A, %dma_start3A] : memref<320000x128xf32, #tpu.memory_space<hbm>> -> memref<80x128xf32, #tpu.memory_space<hbm>>
    %dma_start3A_7 = arith.constant 0 : i32
    %dma_start3A_8 = tpu.memref_slice %arg2[%multiple_of3A, %dma_start3A_7] : memref<320000x128xf32, #tpu.memory_space<hbm>> -> memref<80x128xf32, #tpu.memory_space<hbm>>
    tpu.enqueue_dma source(%dma_start3A_8 : memref<80x128xf32, #tpu.memory_space<hbm>>) target(%arg8 : memref<80x128xf32, #tpu.memory_space<vmem>>) target_semaphore(%arg12 : memref<!tpu.dma_semaphore, #tpu.memory_space<semaphore_mem>>)
    %mul3A_9 = arith.constant 20000 : i32
    %mul3A_10 = arith.muli %arg1, %mul3A_9 : i32
    %add3A_11 = arith.constant 80 : i32
    %add3A_12 = arith.addi %mul3A_10, %add3A_11 : i32
    %multiple_of3A_13 = tpu.assume_multiple %add3A_12, 8 : i32
    %dma_start3A_14 = arith.constant 0 : i32
    %dma_start3A_15 = tpu.memref_slice %arg2[%multiple_of3A_13, %dma_start3A_14] : memref<320000x128xf32, #tpu.memory_space<hbm>> -> memref<80x128xf32, #tpu.memory_space<hbm>>
    %dma_start3A_16 = arith.constant 0 : i32
    %dma_start3A_17 = tpu.memref_slice %arg2[%multiple_of3A_13, %dma_start3A_16] : memref<320000x128xf32, #tpu.memory_space<hbm>> -> memref<80x128xf32, #tpu.memory_space<hbm>>
    tpu.enqueue_dma source(%dma_start3A_17 : memref<80x128xf32, #tpu.memory_space<hbm>>) target(%arg9 : memref<80x128xf32, #tpu.memory_space<vmem>>) target_semaphore(%arg13 : memref<!tpu.dma_semaphore, #tpu.memory_space<semaphore_mem>>)
    %scan3A = arith.constant 0 : i32
    %scan3A_18 = arith.constant 124 : i32
    %scan3A_19 = arith.addi %scan3A, %scan3A_18 : i32
    %scan3A_20 = arith.constant 1 : i32
    scf.for %scan3A_45 = %scan3A to %scan3A_19 step %scan3A_20  : i32 {
      %mul3A_46 = arith.constant 2 : i32
      %mul3A_47 = arith.muli %scan3A_45, %mul3A_46 : i32
      %mul3A_48 = arith.constant 20000 : i32
      %mul3A_49 = arith.muli %arg1, %mul3A_48 : i32
      %mul3A_50 = arith.constant 80 : i32
      %mul3A_51 = arith.muli %mul3A_47, %mul3A_50 : i32
      %add3A_52 = arith.addi %mul3A_49, %mul3A_51 : i32
      %multiple_of3A_53 = tpu.assume_multiple %add3A_52, 8 : i32
      %dma_wait3A_54 = arith.constant 0 : i32
      %dma_wait3A_55 = tpu.memref_slice %arg2[%multiple_of3A_53, %dma_wait3A_54] : memref<320000x128xf32, #tpu.memory_space<hbm>> -> memref<80x128xf32, #tpu.memory_space<hbm>>
      %dma_wait3A_56 = arith.constant 0 : i32
      %dma_wait3A_57 = tpu.memref_slice %arg2[%multiple_of3A_53, %dma_wait3A_56] : memref<320000x128xf32, #tpu.memory_space<hbm>> -> memref<80x128xf32, #tpu.memory_space<hbm>>
      tpu.wait_dma2 semaphore(%arg12 : memref<!tpu.dma_semaphore, #tpu.memory_space<semaphore_mem>>) src(%dma_wait3A_57 : memref<80x128xf32, #tpu.memory_space<hbm>>) dst(%arg8 : memref<80x128xf32, #tpu.memory_space<vmem>>)
      "tpu.region"() ({
        %run_scoped3A_96 = tpu.sem_alloc : memref<!tpu.dma_semaphore, #tpu.memory_space<semaphore_mem>>
        %dma_start3A_97 = arith.constant 0 : i32
        %dma_start3A_98 = tpu.memref_slice %arg7[%mul3A_47, %dma_start3A_97] : memref<250x80xi32, #tpu.memory_space<vmem>> -> memref<1x80xi32, #tpu.memory_space<vmem>>
        %dma_start3A_99 = tpu.memref_squeeze %dma_start3A_98 : memref<1x80xi32, #tpu.memory_space<vmem>> -> memref<80xi32, #tpu.memory_space<vmem>>
        %dma_start3A_100 = arith.constant 0 : i32
        %dma_start3A_101 = arith.constant 0 : i32
        %dma_start3A_102 = tpu.memref_slice %arg11[%dma_start3A_100, %dma_start3A_101] : memref<5120x128xf32, #tpu.memory_space<vmem_shared>> -> memref<5120x128xf32, #tpu.memory_space<vmem_shared>>
        tpu.enqueue_indirect_dma source(%arg8 : memref<80x128xf32, #tpu.memory_space<vmem>>) target(%dma_start3A_102 : memref<5120x128xf32, #tpu.memory_space<vmem_shared>>) offsets(%dma_start3A_99 : memref<80xi32, #tpu.memory_space<vmem>>) semaphore(%run_scoped3A_96 : memref<!tpu.dma_semaphore, #tpu.memory_space<semaphore_mem>>) {add = true}
        %dma_wait3A_103 = arith.constant 0 : i32
        %dma_wait3A_104 = tpu.memref_slice %arg7[%mul3A_47, %dma_wait3A_103] : memref<250x80xi32, #tpu.memory_space<vmem>> -> memref<1x80xi32, #tpu.memory_space<vmem>>
        %dma_wait3A_105 = tpu.memref_squeeze %dma_wait3A_104 : memref<1x80xi32, #tpu.memory_space<vmem>> -> memref<80xi32, #tpu.memory_space<vmem>>
        %dma_wait3A_106 = arith.constant 0 : i32
        %dma_wait3A_107 = arith.constant 0 : i32
        %dma_wait3A_108 = tpu.memref_slice %arg11[%dma_wait3A_106, %dma_wait3A_107] : memref<5120x128xf32, #tpu.memory_space<vmem_shared>> -> memref<5120x128xf32, #tpu.memory_space<vmem_shared>>
        tpu.wait_indirect_dma semaphore(%run_scoped3A_96 : memref<!tpu.dma_semaphore, #tpu.memory_space<semaphore_mem>>) src(%arg8 : memref<80x128xf32, #tpu.memory_space<vmem>>) dst(%dma_wait3A_108 : memref<5120x128xf32, #tpu.memory_space<vmem_shared>>)
        tpu.yield
      }) : () -> ()
      %add3A_58 = arith.constant 2 : i32
      %add3A_59 = arith.addi %mul3A_47, %add3A_58 : i32
      %mul3A_60 = arith.constant 20000 : i32
      %mul3A_61 = arith.muli %arg1, %mul3A_60 : i32
      %mul3A_62 = arith.constant 80 : i32
      %mul3A_63 = arith.muli %add3A_59, %mul3A_62 : i32
      %add3A_64 = arith.addi %mul3A_61, %mul3A_63 : i32
      %multiple_of3A_65 = tpu.assume_multiple %add3A_64, 8 : i32
      %dma_start3A_66 = arith.constant 0 : i32
      %dma_start3A_67 = tpu.memref_slice %arg2[%multiple_of3A_65, %dma_start3A_66] : memref<320000x128xf32, #tpu.memory_space<hbm>> -> memref<80x128xf32, #tpu.memory_space<hbm>>
      %dma_start3A_68 = arith.constant 0 : i32
      %dma_start3A_69 = tpu.memref_slice %arg2[%multiple_of3A_65, %dma_start3A_68] : memref<320000x128xf32, #tpu.memory_space<hbm>> -> memref<80x128xf32, #tpu.memory_space<hbm>>
      tpu.enqueue_dma source(%dma_start3A_69 : memref<80x128xf32, #tpu.memory_space<hbm>>) target(%arg8 : memref<80x128xf32, #tpu.memory_space<vmem>>) target_semaphore(%arg12 : memref<!tpu.dma_semaphore, #tpu.memory_space<semaphore_mem>>)
      %add3A_70 = arith.constant 1 : i32
      %add3A_71 = arith.addi %mul3A_47, %add3A_70 : i32
      %mul3A_72 = arith.constant 20000 : i32
      %mul3A_73 = arith.muli %arg1, %mul3A_72 : i32
      %mul3A_74 = arith.constant 80 : i32
      %mul3A_75 = arith.muli %add3A_71, %mul3A_74 : i32
      %add3A_76 = arith.addi %mul3A_73, %mul3A_75 : i32
      %multiple_of3A_77 = tpu.assume_multiple %add3A_76, 8 : i32
      %dma_wait3A_78 = arith.constant 0 : i32
      %dma_wait3A_79 = tpu.memref_slice %arg2[%multiple_of3A_77, %dma_wait3A_78] : memref<320000x128xf32, #tpu.memory_space<hbm>> -> memref<80x128xf32, #tpu.memory_space<hbm>>
      %dma_wait3A_80 = arith.constant 0 : i32
      %dma_wait3A_81 = tpu.memref_slice %arg2[%multiple_of3A_77, %dma_wait3A_80] : memref<320000x128xf32, #tpu.memory_space<hbm>> -> memref<80x128xf32, #tpu.memory_space<hbm>>
      tpu.wait_dma2 semaphore(%arg13 : memref<!tpu.dma_semaphore, #tpu.memory_space<semaphore_mem>>) src(%dma_wait3A_81 : memref<80x128xf32, #tpu.memory_space<hbm>>) dst(%arg9 : memref<80x128xf32, #tpu.memory_space<vmem>>)
      %add3A_82 = arith.constant 1 : i32
      %add3A_83 = arith.addi %mul3A_47, %add3A_82 : i32
      "tpu.region"() ({
        %run_scoped3A_96 = tpu.sem_alloc : memref<!tpu.dma_semaphore, #tpu.memory_space<semaphore_mem>>
        %dma_start3A_97 = arith.constant 0 : i32
        %dma_start3A_98 = tpu.memref_slice %arg7[%add3A_83, %dma_start3A_97] : memref<250x80xi32, #tpu.memory_space<vmem>> -> memref<1x80xi32, #tpu.memory_space<vmem>>
        %dma_start3A_99 = tpu.memref_squeeze %dma_start3A_98 : memref<1x80xi32, #tpu.memory_space<vmem>> -> memref<80xi32, #tpu.memory_space<vmem>>
        %dma_start3A_100 = arith.constant 0 : i32
        %dma_start3A_101 = arith.constant 0 : i32
        %dma_start3A_102 = tpu.memref_slice %arg11[%dma_start3A_100, %dma_start3A_101] : memref<5120x128xf32, #tpu.memory_space<vmem_shared>> -> memref<5120x128xf32, #tpu.memory_space<vmem_shared>>
        tpu.enqueue_indirect_dma source(%arg9 : memref<80x128xf32, #tpu.memory_space<vmem>>) target(%dma_start3A_102 : memref<5120x128xf32, #tpu.memory_space<vmem_shared>>) offsets(%dma_start3A_99 : memref<80xi32, #tpu.memory_space<vmem>>) semaphore(%run_scoped3A_96 : memref<!tpu.dma_semaphore, #tpu.memory_space<semaphore_mem>>) {add = true}
        %dma_wait3A_103 = arith.constant 0 : i32
        %dma_wait3A_104 = tpu.memref_slice %arg7[%add3A_83, %dma_wait3A_103] : memref<250x80xi32, #tpu.memory_space<vmem>> -> memref<1x80xi32, #tpu.memory_space<vmem>>
        %dma_wait3A_105 = tpu.memref_squeeze %dma_wait3A_104 : memref<1x80xi32, #tpu.memory_space<vmem>> -> memref<80xi32, #tpu.memory_space<vmem>>
        %dma_wait3A_106 = arith.constant 0 : i32
        %dma_wait3A_107 = arith.constant 0 : i32
        %dma_wait3A_108 = tpu.memref_slice %arg11[%dma_wait3A_106, %dma_wait3A_107] : memref<5120x128xf32, #tpu.memory_space<vmem_shared>> -> memref<5120x128xf32, #tpu.memory_space<vmem_shared>>
        tpu.wait_indirect_dma semaphore(%run_scoped3A_96 : memref<!tpu.dma_semaphore, #tpu.memory_space<semaphore_mem>>) src(%arg9 : memref<80x128xf32, #tpu.memory_space<vmem>>) dst(%dma_wait3A_108 : memref<5120x128xf32, #tpu.memory_space<vmem_shared>>)
        tpu.yield
      }) : () -> ()
      %add3A_84 = arith.constant 3 : i32
      %add3A_85 = arith.addi %mul3A_47, %add3A_84 : i32
      %mul3A_86 = arith.constant 20000 : i32
      %mul3A_87 = arith.muli %arg1, %mul3A_86 : i32
      %mul3A_88 = arith.constant 80 : i32
      %mul3A_89 = arith.muli %add3A_85, %mul3A_88 : i32
      %add3A_90 = arith.addi %mul3A_87, %mul3A_89 : i32
      %multiple_of3A_91 = tpu.assume_multiple %add3A_90, 8 : i32
      %dma_start3A_92 = arith.constant 0 : i32
      %dma_start3A_93 = tpu.memref_slice %arg2[%multiple_of3A_91, %dma_start3A_92] : memref<320000x128xf32, #tpu.memory_space<hbm>> -> memref<80x128xf32, #tpu.memory_space<hbm>>
      %dma_start3A_94 = arith.constant 0 : i32
      %dma_start3A_95 = tpu.memref_slice %arg2[%multiple_of3A_91, %dma_start3A_94] : memref<320000x128xf32, #tpu.memory_space<hbm>> -> memref<80x128xf32, #tpu.memory_space<hbm>>
      tpu.enqueue_dma source(%dma_start3A_95 : memref<80x128xf32, #tpu.memory_space<hbm>>) target(%arg9 : memref<80x128xf32, #tpu.memory_space<vmem>>) target_semaphore(%arg13 : memref<!tpu.dma_semaphore, #tpu.memory_space<semaphore_mem>>)
    }
    %scan3A_21 = arith.constant 124 : i32
    %mul3A_22 = arith.constant 20000 : i32
    %mul3A_23 = arith.muli %arg1, %mul3A_22 : i32
    %add3A_24 = arith.constant 19840 : i32
    %add3A_25 = arith.addi %mul3A_23, %add3A_24 : i32
    %multiple_of3A_26 = tpu.assume_multiple %add3A_25, 8 : i32
    %dma_wait3A = arith.constant 0 : i32
    %dma_wait3A_27 = tpu.memref_slice %arg2[%multiple_of3A_26, %dma_wait3A] : memref<320000x128xf32, #tpu.memory_space<hbm>> -> memref<80x128xf32, #tpu.memory_space<hbm>>
    %dma_wait3A_28 = arith.constant 0 : i32
    %dma_wait3A_29 = tpu.memref_slice %arg2[%multiple_of3A_26, %dma_wait3A_28] : memref<320000x128xf32, #tpu.memory_space<hbm>> -> memref<80x128xf32, #tpu.memory_space<hbm>>
    tpu.wait_dma2 semaphore(%arg12 : memref<!tpu.dma_semaphore, #tpu.memory_space<semaphore_mem>>) src(%dma_wait3A_29 : memref<80x128xf32, #tpu.memory_space<hbm>>) dst(%arg8 : memref<80x128xf32, #tpu.memory_space<vmem>>)
    %run_scoped3A = arith.constant 248 : i32
    "tpu.region"() ({
      %run_scoped3A_45 = tpu.sem_alloc : memref<!tpu.dma_semaphore, #tpu.memory_space<semaphore_mem>>
      %dma_start3A_46 = arith.constant 0 : i32
      %dma_start3A_47 = tpu.memref_slice %arg7[%run_scoped3A, %dma_start3A_46] : memref<250x80xi32, #tpu.memory_space<vmem>> -> memref<1x80xi32, #tpu.memory_space<vmem>>
      %dma_start3A_48 = tpu.memref_squeeze %dma_start3A_47 : memref<1x80xi32, #tpu.memory_space<vmem>> -> memref<80xi32, #tpu.memory_space<vmem>>
      %dma_start3A_49 = arith.constant 0 : i32
      %dma_start3A_50 = arith.constant 0 : i32
      %dma_start3A_51 = tpu.memref_slice %arg11[%dma_start3A_49, %dma_start3A_50] : memref<5120x128xf32, #tpu.memory_space<vmem_shared>> -> memref<5120x128xf32, #tpu.memory_space<vmem_shared>>
      tpu.enqueue_indirect_dma source(%arg8 : memref<80x128xf32, #tpu.memory_space<vmem>>) target(%dma_start3A_51 : memref<5120x128xf32, #tpu.memory_space<vmem_shared>>) offsets(%dma_start3A_48 : memref<80xi32, #tpu.memory_space<vmem>>) semaphore(%run_scoped3A_45 : memref<!tpu.dma_semaphore, #tpu.memory_space<semaphore_mem>>) {add = true}
      %dma_wait3A_52 = arith.constant 0 : i32
      %dma_wait3A_53 = tpu.memref_slice %arg7[%run_scoped3A, %dma_wait3A_52] : memref<250x80xi32, #tpu.memory_space<vmem>> -> memref<1x80xi32, #tpu.memory_space<vmem>>
      %dma_wait3A_54 = tpu.memref_squeeze %dma_wait3A_53 : memref<1x80xi32, #tpu.memory_space<vmem>> -> memref<80xi32, #tpu.memory_space<vmem>>
      %dma_wait3A_55 = arith.constant 0 : i32
      %dma_wait3A_56 = arith.constant 0 : i32
      %dma_wait3A_57 = tpu.memref_slice %arg11[%dma_wait3A_55, %dma_wait3A_56] : memref<5120x128xf32, #tpu.memory_space<vmem_shared>> -> memref<5120x128xf32, #tpu.memory_space<vmem_shared>>
      tpu.wait_indirect_dma semaphore(%run_scoped3A_45 : memref<!tpu.dma_semaphore, #tpu.memory_space<semaphore_mem>>) src(%arg8 : memref<80x128xf32, #tpu.memory_space<vmem>>) dst(%dma_wait3A_57 : memref<5120x128xf32, #tpu.memory_space<vmem_shared>>)
      tpu.yield
    }) : () -> ()
    %mul3A_30 = arith.constant 20000 : i32
    %mul3A_31 = arith.muli %arg1, %mul3A_30 : i32
    %add3A_32 = arith.constant 19920 : i32
    %add3A_33 = arith.addi %mul3A_31, %add3A_32 : i32
    %multiple_of3A_34 = tpu.assume_multiple %add3A_33, 8 : i32
    %dma_wait3A_35 = arith.constant 0 : i32
    %dma_wait3A_36 = tpu.memref_slice %arg2[%multiple_of3A_34, %dma_wait3A_35] : memref<320000x128xf32, #tpu.memory_space<hbm>> -> memref<80x128xf32, #tpu.memory_space<hbm>>
    %dma_wait3A_37 = arith.constant 0 : i32
    %dma_wait3A_38 = tpu.memref_slice %arg2[%multiple_of3A_34, %dma_wait3A_37] : memref<320000x128xf32, #tpu.memory_space<hbm>> -> memref<80x128xf32, #tpu.memory_space<hbm>>
    tpu.wait_dma2 semaphore(%arg13 : memref<!tpu.dma_semaphore, #tpu.memory_space<semaphore_mem>>) src(%dma_wait3A_38 : memref<80x128xf32, #tpu.memory_space<hbm>>) dst(%arg9 : memref<80x128xf32, #tpu.memory_space<vmem>>)
    %run_scoped3A_39 = arith.constant 249 : i32
    "tpu.region"() ({
      %run_scoped3A_45 = tpu.sem_alloc : memref<!tpu.dma_semaphore, #tpu.memory_space<semaphore_mem>>
      %dma_start3A_46 = arith.constant 0 : i32
      %dma_start3A_47 = tpu.memref_slice %arg7[%run_scoped3A_39, %dma_start3A_46] : memref<250x80xi32, #tpu.memory_space<vmem>> -> memref<1x80xi32, #tpu.memory_space<vmem>>
      %dma_start3A_48 = tpu.memref_squeeze %dma_start3A_47 : memref<1x80xi32, #tpu.memory_space<vmem>> -> memref<80xi32, #tpu.memory_space<vmem>>
      %dma_start3A_49 = arith.constant 0 : i32
      %dma_start3A_50 = arith.constant 0 : i32
      %dma_start3A_51 = tpu.memref_slice %arg11[%dma_start3A_49, %dma_start3A_50] : memref<5120x128xf32, #tpu.memory_space<vmem_shared>> -> memref<5120x128xf32, #tpu.memory_space<vmem_shared>>
      tpu.enqueue_indirect_dma source(%arg9 : memref<80x128xf32, #tpu.memory_space<vmem>>) target(%dma_start3A_51 : memref<5120x128xf32, #tpu.memory_space<vmem_shared>>) offsets(%dma_start3A_48 : memref<80xi32, #tpu.memory_space<vmem>>) semaphore(%run_scoped3A_45 : memref<!tpu.dma_semaphore, #tpu.memory_space<semaphore_mem>>) {add = true}
      %dma_wait3A_52 = arith.constant 0 : i32
      %dma_wait3A_53 = tpu.memref_slice %arg7[%run_scoped3A_39, %dma_wait3A_52] : memref<250x80xi32, #tpu.memory_space<vmem>> -> memref<1x80xi32, #tpu.memory_space<vmem>>
      %dma_wait3A_54 = tpu.memref_squeeze %dma_wait3A_53 : memref<1x80xi32, #tpu.memory_space<vmem>> -> memref<80xi32, #tpu.memory_space<vmem>>
      %dma_wait3A_55 = arith.constant 0 : i32
      %dma_wait3A_56 = arith.constant 0 : i32
      %dma_wait3A_57 = tpu.memref_slice %arg11[%dma_wait3A_55, %dma_wait3A_56] : memref<5120x128xf32, #tpu.memory_space<vmem_shared>> -> memref<5120x128xf32, #tpu.memory_space<vmem_shared>>
      tpu.wait_indirect_dma semaphore(%run_scoped3A_45 : memref<!tpu.dma_semaphore, #tpu.memory_space<semaphore_mem>>) src(%arg9 : memref<80x128xf32, #tpu.memory_space<vmem>>) dst(%dma_wait3A_57 : memref<5120x128xf32, #tpu.memory_space<vmem_shared>>)
      tpu.yield
    }) : () -> ()
    %barrier3A_40 = arith.constant 0 : index
    tpu.barrier barrier_id(%barrier3A_40)
    %mul3A_41 = arith.constant 320 : i32
    %mul3A_42 = arith.muli %arg1, %mul3A_41 : i32
    %mul3A_43 = arith.constant 320 : i32
    %mul3A_44 = arith.muli %arg1, %mul3A_43 : i32
    "tpu.region"() ({
      %run_scoped3A_45 = tpu.sem_alloc : memref<!tpu.dma_semaphore, #tpu.memory_space<semaphore_mem>>
      %dma_start3A_46 = arith.constant 0 : i32
      %dma_start3A_47 = tpu.memref_slice %arg6[%arg0, %mul3A_44, %dma_start3A_46] : memref<2x5120x128xf32, #tpu.memory_space<hbm>> -> memref<1x320x128xf32, #tpu.memory_space<hbm>>
      %dma_start3A_48 = tpu.memref_squeeze %dma_start3A_47 : memref<1x320x128xf32, #tpu.memory_space<hbm>> -> memref<320x128xf32, #tpu.memory_space<hbm>>
      %dma_start3A_49 = arith.constant 0 : i32
      %dma_start3A_50 = tpu.memref_slice %arg11[%mul3A_42, %dma_start3A_49] : memref<5120x128xf32, #tpu.memory_space<vmem_shared>> -> memref<320x128xf32, #tpu.memory_space<vmem_shared>>
      tpu.enqueue_dma source(%dma_start3A_50 : memref<320x128xf32, #tpu.memory_space<vmem_shared>>) target(%dma_start3A_48 : memref<320x128xf32, #tpu.memory_space<hbm>>) target_semaphore(%run_scoped3A_45 : memref<!tpu.dma_semaphore, #tpu.memory_space<semaphore_mem>>)
      %dma_wait3A_51 = arith.constant 0 : i32
      %dma_wait3A_52 = tpu.memref_slice %arg6[%arg0, %mul3A_44, %dma_wait3A_51] : memref<2x5120x128xf32, #tpu.memory_space<hbm>> -> memref<1x320x128xf32, #tpu.memory_space<hbm>>
      %dma_wait3A_53 = tpu.memref_squeeze %dma_wait3A_52 : memref<1x320x128xf32, #tpu.memory_space<hbm>> -> memref<320x128xf32, #tpu.memory_space<hbm>>
      %dma_wait3A_54 = arith.constant 0 : i32
      %dma_wait3A_55 = tpu.memref_slice %arg11[%mul3A_42, %dma_wait3A_54] : memref<5120x128xf32, #tpu.memory_space<vmem_shared>> -> memref<320x128xf32, #tpu.memory_space<vmem_shared>>
      tpu.wait_dma2 semaphore(%run_scoped3A_45 : memref<!tpu.dma_semaphore, #tpu.memory_space<semaphore_mem>>) src(%dma_wait3A_55 : memref<320x128xf32, #tpu.memory_space<vmem_shared>>) dst(%dma_wait3A_53 : memref<320x128xf32, #tpu.memory_space<hbm>>)
      tpu.yield
    }) : () -> ()
    return
  }
}

#map = affine_map<(d0, d1) -> (0, 0, 0)>
#map1 = affine_map<(d0, d1) -> (0)>
module attributes {stable_mosaic.version = 14 : i64} {
  func.func @_sc_deg(%arg0: i32, %arg1: i32, %arg2: memref<2x16x10000xi32, #tpu.memory_space<hbm>>, %arg3: memref<10000xf32, #tpu.memory_space<hbm>>, %arg4: memref<2x16x10000xf32, #tpu.memory_space<hbm>>, %arg5: memref<10000xf32, #tpu.memory_space<vmem>>, %arg6: memref<10000xi32, #tpu.memory_space<vmem>>) attributes {dimension_semantics = [#tpu.dimension_semantics<core_parallel>, #tpu.dimension_semantics<subcore_parallel>], iteration_bounds = array<i64: 2, 16>, scalar_prefetch = 0 : i64, scratch_operands = 2 : i64, tpu.core_type = #tpu.core_type<sc_vector_subcore>, window_params = [{transform_indices = #map}, {transform_indices = #map1}, {transform_indices = #map}]} {
    "tpu.region"() ({
      %run_scoped3A = tpu.sem_alloc : memref<!tpu.dma_semaphore, #tpu.memory_space<semaphore_mem>>
      tpu.enqueue_dma source(%arg3 : memref<10000xf32, #tpu.memory_space<hbm>>) target(%arg5 : memref<10000xf32, #tpu.memory_space<vmem>>) target_semaphore(%run_scoped3A : memref<!tpu.dma_semaphore, #tpu.memory_space<semaphore_mem>>)
      tpu.wait_dma2 semaphore(%run_scoped3A : memref<!tpu.dma_semaphore, #tpu.memory_space<semaphore_mem>>) src(%arg3 : memref<10000xf32, #tpu.memory_space<hbm>>) dst(%arg5 : memref<10000xf32, #tpu.memory_space<vmem>>)
      tpu.yield
    }) : () -> ()
    "tpu.region"() ({
      %run_scoped3A = tpu.sem_alloc : memref<!tpu.dma_semaphore, #tpu.memory_space<semaphore_mem>>
      %dma_start3A = arith.constant 0 : i32
      %dma_start3A_5 = tpu.memref_slice %arg2[%arg0, %arg1, %dma_start3A] : memref<2x16x10000xi32, #tpu.memory_space<hbm>> -> memref<1x1x10000xi32, #tpu.memory_space<hbm>>
      %dma_start3A_6 = tpu.memref_squeeze %dma_start3A_5 : memref<1x1x10000xi32, #tpu.memory_space<hbm>> -> memref<10000xi32, #tpu.memory_space<hbm>>
      %dma_start3A_7 = arith.constant 0 : i32
      %dma_start3A_8 = tpu.memref_slice %arg2[%arg0, %arg1, %dma_start3A_7] : memref<2x16x10000xi32, #tpu.memory_space<hbm>> -> memref<1x1x10000xi32, #tpu.memory_space<hbm>>
      %dma_start3A_9 = tpu.memref_squeeze %dma_start3A_8 : memref<1x1x10000xi32, #tpu.memory_space<hbm>> -> memref<10000xi32, #tpu.memory_space<hbm>>
      tpu.enqueue_dma source(%dma_start3A_9 : memref<10000xi32, #tpu.memory_space<hbm>>) target(%arg6 : memref<10000xi32, #tpu.memory_space<vmem>>) target_semaphore(%run_scoped3A : memref<!tpu.dma_semaphore, #tpu.memory_space<semaphore_mem>>)
      %dma_wait3A = arith.constant 0 : i32
      %dma_wait3A_10 = tpu.memref_slice %arg2[%arg0, %arg1, %dma_wait3A] : memref<2x16x10000xi32, #tpu.memory_space<hbm>> -> memref<1x1x10000xi32, #tpu.memory_space<hbm>>
      %dma_wait3A_11 = tpu.memref_squeeze %dma_wait3A_10 : memref<1x1x10000xi32, #tpu.memory_space<hbm>> -> memref<10000xi32, #tpu.memory_space<hbm>>
      %dma_wait3A_12 = arith.constant 0 : i32
      %dma_wait3A_13 = tpu.memref_slice %arg2[%arg0, %arg1, %dma_wait3A_12] : memref<2x16x10000xi32, #tpu.memory_space<hbm>> -> memref<1x1x10000xi32, #tpu.memory_space<hbm>>
      %dma_wait3A_14 = tpu.memref_squeeze %dma_wait3A_13 : memref<1x1x10000xi32, #tpu.memory_space<hbm>> -> memref<10000xi32, #tpu.memory_space<hbm>>
      tpu.wait_dma2 semaphore(%run_scoped3A : memref<!tpu.dma_semaphore, #tpu.memory_space<semaphore_mem>>) src(%dma_wait3A_14 : memref<10000xi32, #tpu.memory_space<hbm>>) dst(%arg6 : memref<10000xi32, #tpu.memory_space<vmem>>)
      tpu.yield
    }) : () -> ()
    %broadcast_in_dim3A = arith.constant 1.000000e+00 : f32
    %broadcast_in_dim3A_0 = vector.broadcast %broadcast_in_dim3A : f32 to vector<16xf32>
    %scan3A = arith.constant 0 : i32
    %scan3A_1 = arith.constant 625 : i32
    %scan3A_2 = arith.addi %scan3A, %scan3A_1 : i32
    %scan3A_3 = arith.constant 1 : i32
    scf.for %scan3A_5 = %scan3A to %scan3A_2 step %scan3A_3  : i32 {
      %mul3A = arith.constant 16 : i32
      %mul3A_6 = arith.muli %scan3A_5, %mul3A : i32
      %get3A = arith.index_cast %mul3A_6 : i32 to index
      %get3A_7 = tpu.vector_load %arg6[%get3A] {strides = array<i32>} : memref<10000xi32, #tpu.memory_space<vmem>>, vector<16xi32>,
      tpu.vector_store_idx %arg5[%get3A_7], %broadcast_in_dim3A_0 {add = true} : memref<10000xf32, #tpu.memory_space<vmem>>[vector<16xi32>], vector<16xf32>,
    }
    %scan3A_4 = arith.constant 625 : i32
    "tpu.region"() ({
      %run_scoped3A = tpu.sem_alloc : memref<!tpu.dma_semaphore, #tpu.memory_space<semaphore_mem>>
      %dma_start3A = arith.constant 0 : i32
      %dma_start3A_5 = tpu.memref_slice %arg4[%arg0, %arg1, %dma_start3A] : memref<2x16x10000xf32, #tpu.memory_space<hbm>> -> memref<1x1x10000xf32, #tpu.memory_space<hbm>>
      %dma_start3A_6 = tpu.memref_squeeze %dma_start3A_5 : memref<1x1x10000xf32, #tpu.memory_space<hbm>> -> memref<10000xf32, #tpu.memory_space<hbm>>
      %dma_start3A_7 = arith.constant 0 : i32
      %dma_start3A_8 = tpu.memref_slice %arg4[%arg0, %arg1, %dma_start3A_7] : memref<2x16x10000xf32, #tpu.memory_space<hbm>> -> memref<1x1x10000xf32, #tpu.memory_space<hbm>>
      %dma_start3A_9 = tpu.memref_squeeze %dma_start3A_8 : memref<1x1x10000xf32, #tpu.memory_space<hbm>> -> memref<10000xf32, #tpu.memory_space<hbm>>
      tpu.enqueue_dma source(%arg5 : memref<10000xf32, #tpu.memory_space<vmem>>) target(%dma_start3A_9 : memref<10000xf32, #tpu.memory_space<hbm>>) target_semaphore(%run_scoped3A : memref<!tpu.dma_semaphore, #tpu.memory_space<semaphore_mem>>)
      %dma_wait3A = arith.constant 0 : i32
      %dma_wait3A_10 = tpu.memref_slice %arg4[%arg0, %arg1, %dma_wait3A] : memref<2x16x10000xf32, #tpu.memory_space<hbm>> -> memref<1x1x10000xf32, #tpu.memory_space<hbm>>
      %dma_wait3A_11 = tpu.memref_squeeze %dma_wait3A_10 : memref<1x1x10000xf32, #tpu.memory_space<hbm>> -> memref<10000xf32, #tpu.memory_space<hbm>>
      %dma_wait3A_12 = arith.constant 0 : i32
      %dma_wait3A_13 = tpu.memref_slice %arg4[%arg0, %arg1, %dma_wait3A_12] : memref<2x16x10000xf32, #tpu.memory_space<hbm>> -> memref<1x1x10000xf32, #tpu.memory_space<hbm>>
      %dma_wait3A_14 = tpu.memref_squeeze %dma_wait3A_13 : memref<1x1x10000xf32, #tpu.memory_space<hbm>> -> memref<10000xf32, #tpu.memory_space<hbm>>
      tpu.wait_dma2 semaphore(%run_scoped3A : memref<!tpu.dma_semaphore, #tpu.memory_space<semaphore_mem>>) src(%arg5 : memref<10000xf32, #tpu.memory_space<vmem>>) dst(%dma_wait3A_14 : memref<10000xf32, #tpu.memory_space<hbm>>)
      tpu.yield
    }) : () -> ()
    return
  }
}

#map = affine_map<(d0, d1) -> (0, 0)>
#map1 = affine_map<(d0, d1) -> (0, 0, 0)>
#map2 = affine_map<(d0, d1) -> (0, 0, 0, 0)>
module attributes {stable_mosaic.version = 14 : i64} {
  func.func @scat(%arg0: i32, %arg1: i32, %arg2: memref<10000x128xf32, #tpu.memory_space<hbm>>, %arg3: memref<16x250x80xi32, #tpu.memory_space<hbm>>, %arg4: memref<2x16x250x80xi32, #tpu.memory_space<hbm>>, %arg5: memref<5120x128xf32, #tpu.memory_space<hbm>>, %arg6: memref<8x128xf32, #tpu.memory_space<hbm>>, %arg7: memref<2x5120x128xf32, #tpu.memory_space<hbm>>, %arg8: memref<250x80xi32, #tpu.memory_space<vmem>>, %arg9: memref<250x80xi32, #tpu.memory_space<vmem>>, %arg10: memref<80x128xf32, #tpu.memory_space<vmem>>, %arg11: memref<80x128xf32, #tpu.memory_space<vmem>>, %arg12: memref<8x128xf32, #tpu.memory_space<vmem>>, %arg13: memref<5120x128xf32, #tpu.memory_space<vmem_shared>>, %arg14: memref<!tpu.dma_semaphore, #tpu.memory_space<semaphore_mem>>, %arg15: memref<!tpu.dma_semaphore, #tpu.memory_space<semaphore_mem>>) attributes {dimension_semantics = [#tpu.dimension_semantics<core_parallel>, #tpu.dimension_semantics<subcore_parallel>], iteration_bounds = array<i64: 2, 16>, scalar_prefetch = 0 : i64, scratch_operands = 8 : i64, tpu.core_type = #tpu.core_type<sc_vector_subcore>, window_params = [{transform_indices = #map}, {transform_indices = #map1}, {transform_indices = #map2}, {transform_indices = #map}, {transform_indices = #map}, {transform_indices = #map1}]} {
    "tpu.region"() ({
      %run_scoped3A_39 = tpu.sem_alloc : memref<!tpu.dma_semaphore, #tpu.memory_space<semaphore_mem>>
      tpu.enqueue_dma source(%arg6 : memref<8x128xf32, #tpu.memory_space<hbm>>) target(%arg12 : memref<8x128xf32, #tpu.memory_space<vmem>>) target_semaphore(%run_scoped3A_39 : memref<!tpu.dma_semaphore, #tpu.memory_space<semaphore_mem>>)
      tpu.wait_dma2 semaphore(%run_scoped3A_39 : memref<!tpu.dma_semaphore, #tpu.memory_space<semaphore_mem>>) src(%arg6 : memref<8x128xf32, #tpu.memory_space<hbm>>) dst(%arg12 : memref<8x128xf32, #tpu.memory_space<vmem>>)
      tpu.yield
    }) : () -> ()
    %mul3A = arith.constant 320 : i32
    %mul3A_0 = arith.muli %arg1, %mul3A : i32
    %mul3A_1 = arith.constant 320 : i32
    %mul3A_2 = arith.muli %arg1, %mul3A_1 : i32
    "tpu.region"() ({
      %run_scoped3A_39 = tpu.sem_alloc : memref<!tpu.dma_semaphore, #tpu.memory_space<semaphore_mem>>
      %dma_start3A_40 = arith.constant 0 : i32
      %dma_start3A_41 = tpu.memref_slice %arg13[%mul3A_2, %dma_start3A_40] : memref<5120x128xf32, #tpu.memory_space<vmem_shared>> -> memref<320x128xf32, #tpu.memory_space<vmem_shared>>
      %dma_start3A_42 = arith.constant 0 : i32
      %dma_start3A_43 = tpu.memref_slice %arg5[%mul3A_0, %dma_start3A_42] : memref<5120x128xf32, #tpu.memory_space<hbm>> -> memref<320x128xf32, #tpu.memory_space<hbm>>
      tpu.enqueue_dma source(%dma_start3A_43 : memref<320x128xf32, #tpu.memory_space<hbm>>) target(%dma_start3A_41 : memref<320x128xf32, #tpu.memory_space<vmem_shared>>) target_semaphore(%run_scoped3A_39 : memref<!tpu.dma_semaphore, #tpu.memory_space<semaphore_mem>>)
      %dma_wait3A_44 = arith.constant 0 : i32
      %dma_wait3A_45 = tpu.memref_slice %arg13[%mul3A_2, %dma_wait3A_44] : memref<5120x128xf32, #tpu.memory_space<vmem_shared>> -> memref<320x128xf32, #tpu.memory_space<vmem_shared>>
      %dma_wait3A_46 = arith.constant 0 : i32
      %dma_wait3A_47 = tpu.memref_slice %arg5[%mul3A_0, %dma_wait3A_46] : memref<5120x128xf32, #tpu.memory_space<hbm>> -> memref<320x128xf32, #tpu.memory_space<hbm>>
      tpu.wait_dma2 semaphore(%run_scoped3A_39 : memref<!tpu.dma_semaphore, #tpu.memory_space<semaphore_mem>>) src(%dma_wait3A_47 : memref<320x128xf32, #tpu.memory_space<hbm>>) dst(%dma_wait3A_45 : memref<320x128xf32, #tpu.memory_space<vmem_shared>>)
      tpu.yield
    }) : () -> ()
    "tpu.region"() ({
      %run_scoped3A_39 = tpu.sem_alloc : memref<!tpu.dma_semaphore, #tpu.memory_space<semaphore_mem>>
      %dma_start3A_40 = arith.constant 0 : i32
      %dma_start3A_41 = arith.constant 0 : i32
      %dma_start3A_42 = tpu.memref_slice %arg3[%arg1, %dma_start3A_40, %dma_start3A_41] : memref<16x250x80xi32, #tpu.memory_space<hbm>> -> memref<1x250x80xi32, #tpu.memory_space<hbm>>
      %dma_start3A_43 = tpu.memref_squeeze %dma_start3A_42 : memref<1x250x80xi32, #tpu.memory_space<hbm>> -> memref<250x80xi32, #tpu.memory_space<hbm>>
      %dma_start3A_44 = arith.constant 0 : i32
      %dma_start3A_45 = arith.constant 0 : i32
      %dma_start3A_46 = tpu.memref_slice %arg3[%arg1, %dma_start3A_44, %dma_start3A_45] : memref<16x250x80xi32, #tpu.memory_space<hbm>> -> memref<1x250x80xi32, #tpu.memory_space<hbm>>
      %dma_start3A_47 = tpu.memref_squeeze %dma_start3A_46 : memref<1x250x80xi32, #tpu.memory_space<hbm>> -> memref<250x80xi32, #tpu.memory_space<hbm>>
      tpu.enqueue_dma source(%dma_start3A_47 : memref<250x80xi32, #tpu.memory_space<hbm>>) target(%arg8 : memref<250x80xi32, #tpu.memory_space<vmem>>) target_semaphore(%run_scoped3A_39 : memref<!tpu.dma_semaphore, #tpu.memory_space<semaphore_mem>>)
      %dma_wait3A_48 = arith.constant 0 : i32
      %dma_wait3A_49 = arith.constant 0 : i32
      %dma_wait3A_50 = tpu.memref_slice %arg3[%arg1, %dma_wait3A_48, %dma_wait3A_49] : memref<16x250x80xi32, #tpu.memory_space<hbm>> -> memref<1x250x80xi32, #tpu.memory_space<hbm>>
      %dma_wait3A_51 = tpu.memref_squeeze %dma_wait3A_50 : memref<1x250x80xi32, #tpu.memory_space<hbm>> -> memref<250x80xi32, #tpu.memory_space<hbm>>
      %dma_wait3A_52 = arith.constant 0 : i32
      %dma_wait3A_53 = arith.constant 0 : i32
      %dma_wait3A_54 = tpu.memref_slice %arg3[%arg1, %dma_wait3A_52, %dma_wait3A_53] : memref<16x250x80xi32, #tpu.memory_space<hbm>> -> memref<1x250x80xi32, #tpu.memory_space<hbm>>
      %dma_wait3A_55 = tpu.memref_squeeze %dma_wait3A_54 : memref<1x250x80xi32, #tpu.memory_space<hbm>> -> memref<250x80xi32, #tpu.memory_space<hbm>>
      tpu.wait_dma2 semaphore(%run_scoped3A_39 : memref<!tpu.dma_semaphore, #tpu.memory_space<semaphore_mem>>) src(%dma_wait3A_55 : memref<250x80xi32, #tpu.memory_space<hbm>>) dst(%arg8 : memref<250x80xi32, #tpu.memory_space<vmem>>)
      tpu.yield
    }) : () -> ()
    "tpu.region"() ({
      %run_scoped3A_39 = tpu.sem_alloc : memref<!tpu.dma_semaphore, #tpu.memory_space<semaphore_mem>>
      %dma_start3A_40 = arith.constant 0 : i32
      %dma_start3A_41 = arith.constant 0 : i32
      %dma_start3A_42 = tpu.memref_slice %arg4[%arg0, %arg1, %dma_start3A_40, %dma_start3A_41] : memref<2x16x250x80xi32, #tpu.memory_space<hbm>> -> memref<1x1x250x80xi32, #tpu.memory_space<hbm>>
      %dma_start3A_43 = tpu.memref_squeeze %dma_start3A_42 : memref<1x1x250x80xi32, #tpu.memory_space<hbm>> -> memref<250x80xi32, #tpu.memory_space<hbm>>
      %dma_start3A_44 = arith.constant 0 : i32
      %dma_start3A_45 = arith.constant 0 : i32
      %dma_start3A_46 = tpu.memref_slice %arg4[%arg0, %arg1, %dma_start3A_44, %dma_start3A_45] : memref<2x16x250x80xi32, #tpu.memory_space<hbm>> -> memref<1x1x250x80xi32, #tpu.memory_space<hbm>>
      %dma_start3A_47 = tpu.memref_squeeze %dma_start3A_46 : memref<1x1x250x80xi32, #tpu.memory_space<hbm>> -> memref<250x80xi32, #tpu.memory_space<hbm>>
      tpu.enqueue_dma source(%dma_start3A_47 : memref<250x80xi32, #tpu.memory_space<hbm>>) target(%arg9 : memref<250x80xi32, #tpu.memory_space<vmem>>) target_semaphore(%run_scoped3A_39 : memref<!tpu.dma_semaphore, #tpu.memory_space<semaphore_mem>>)
      %dma_wait3A_48 = arith.constant 0 : i32
      %dma_wait3A_49 = arith.constant 0 : i32
      %dma_wait3A_50 = tpu.memref_slice %arg4[%arg0, %arg1, %dma_wait3A_48, %dma_wait3A_49] : memref<2x16x250x80xi32, #tpu.memory_space<hbm>> -> memref<1x1x250x80xi32, #tpu.memory_space<hbm>>
      %dma_wait3A_51 = tpu.memref_squeeze %dma_wait3A_50 : memref<1x1x250x80xi32, #tpu.memory_space<hbm>> -> memref<250x80xi32, #tpu.memory_space<hbm>>
      %dma_wait3A_52 = arith.constant 0 : i32
      %dma_wait3A_53 = arith.constant 0 : i32
      %dma_wait3A_54 = tpu.memref_slice %arg4[%arg0, %arg1, %dma_wait3A_52, %dma_wait3A_53] : memref<2x16x250x80xi32, #tpu.memory_space<hbm>> -> memref<1x1x250x80xi32, #tpu.memory_space<hbm>>
      %dma_wait3A_55 = tpu.memref_squeeze %dma_wait3A_54 : memref<1x1x250x80xi32, #tpu.memory_space<hbm>> -> memref<250x80xi32, #tpu.memory_space<hbm>>
      tpu.wait_dma2 semaphore(%run_scoped3A_39 : memref<!tpu.dma_semaphore, #tpu.memory_space<semaphore_mem>>) src(%dma_wait3A_55 : memref<250x80xi32, #tpu.memory_space<hbm>>) dst(%arg9 : memref<250x80xi32, #tpu.memory_space<vmem>>)
      tpu.yield
    }) : () -> ()
    %barrier3A = arith.constant 0 : index
    tpu.barrier barrier_id(%barrier3A)
    %dma_start3A = arith.constant 0 : i32
    %dma_start3A_3 = arith.constant 0 : i32
    %dma_start3A_4 = tpu.memref_slice %arg8[%dma_start3A, %dma_start3A_3] : memref<250x80xi32, #tpu.memory_space<vmem>> -> memref<1x80xi32, #tpu.memory_space<vmem>>
    %dma_start3A_5 = tpu.memref_squeeze %dma_start3A_4 : memref<1x80xi32, #tpu.memory_space<vmem>> -> memref<80xi32, #tpu.memory_space<vmem>>
    %dma_start3A_6 = arith.constant 0 : i32
    %dma_start3A_7 = arith.constant 0 : i32
    %dma_start3A_8 = tpu.memref_slice %arg2[%dma_start3A_6, %dma_start3A_7] : memref<10000x128xf32, #tpu.memory_space<hbm>> -> memref<10000x128xf32, #tpu.memory_space<hbm>>
    tpu.enqueue_indirect_dma source(%dma_start3A_8 : memref<10000x128xf32, #tpu.memory_space<hbm>>) target(%arg10 : memref<80x128xf32, #tpu.memory_space<vmem>>) offsets(%dma_start3A_5 : memref<80xi32, #tpu.memory_space<vmem>>) semaphore(%arg14 : memref<!tpu.dma_semaphore, #tpu.memory_space<semaphore_mem>>)
    %dma_start3A_9 = arith.constant 1 : i32
    %dma_start3A_10 = arith.constant 0 : i32
    %dma_start3A_11 = tpu.memref_slice %arg8[%dma_start3A_9, %dma_start3A_10] : memref<250x80xi32, #tpu.memory_space<vmem>> -> memref<1x80xi32, #tpu.memory_space<vmem>>
    %dma_start3A_12 = tpu.memref_squeeze %dma_start3A_11 : memref<1x80xi32, #tpu.memory_space<vmem>> -> memref<80xi32, #tpu.memory_space<vmem>>
    %dma_start3A_13 = arith.constant 0 : i32
    %dma_start3A_14 = arith.constant 0 : i32
    %dma_start3A_15 = tpu.memref_slice %arg2[%dma_start3A_13, %dma_start3A_14] : memref<10000x128xf32, #tpu.memory_space<hbm>> -> memref<10000x128xf32, #tpu.memory_space<hbm>>
    tpu.enqueue_indirect_dma source(%dma_start3A_15 : memref<10000x128xf32, #tpu.memory_space<hbm>>) target(%arg11 : memref<80x128xf32, #tpu.memory_space<vmem>>) offsets(%dma_start3A_12 : memref<80xi32, #tpu.memory_space<vmem>>) semaphore(%arg15 : memref<!tpu.dma_semaphore, #tpu.memory_space<semaphore_mem>>)
    %scan3A = arith.constant 0 : i32
    %scan3A_16 = arith.constant 124 : i32
    %scan3A_17 = arith.addi %scan3A, %scan3A_16 : i32
    %scan3A_18 = arith.constant 1 : i32
    scf.for %scan3A_39 = %scan3A to %scan3A_17 step %scan3A_18  : i32 {
      %mul3A_40 = arith.constant 2 : i32
      %mul3A_41 = arith.muli %scan3A_39, %mul3A_40 : i32
      %dma_wait3A_42 = arith.constant 0 : i32
      %dma_wait3A_43 = tpu.memref_slice %arg8[%mul3A_41, %dma_wait3A_42] : memref<250x80xi32, #tpu.memory_space<vmem>> -> memref<1x80xi32, #tpu.memory_space<vmem>>
      %dma_wait3A_44 = tpu.memref_squeeze %dma_wait3A_43 : memref<1x80xi32, #tpu.memory_space<vmem>> -> memref<80xi32, #tpu.memory_space<vmem>>
      %dma_wait3A_45 = arith.constant 0 : i32
      %dma_wait3A_46 = arith.constant 0 : i32
      %dma_wait3A_47 = tpu.memref_slice %arg2[%dma_wait3A_45, %dma_wait3A_46] : memref<10000x128xf32, #tpu.memory_space<hbm>> -> memref<10000x128xf32, #tpu.memory_space<hbm>>
      tpu.wait_indirect_dma semaphore(%arg14 : memref<!tpu.dma_semaphore, #tpu.memory_space<semaphore_mem>>) src(%dma_wait3A_47 : memref<10000x128xf32, #tpu.memory_space<hbm>>) dst(%arg10 : memref<80x128xf32, #tpu.memory_space<vmem>>)
      "tpu.region"() ({
        %run_scoped3A_73 = tpu.sem_alloc : memref<!tpu.dma_semaphore, #tpu.memory_space<semaphore_mem>>
        %dma_start3A_74 = arith.constant 0 : i32
        %dma_start3A_75 = tpu.memref_slice %arg9[%mul3A_41, %dma_start3A_74] : memref<250x80xi32, #tpu.memory_space<vmem>> -> memref<1x80xi32, #tpu.memory_space<vmem>>
        %dma_start3A_76 = tpu.memref_squeeze %dma_start3A_75 : memref<1x80xi32, #tpu.memory_space<vmem>> -> memref<80xi32, #tpu.memory_space<vmem>>
        %dma_start3A_77 = arith.constant 0 : i32
        %dma_start3A_78 = arith.constant 0 : i32
        %dma_start3A_79 = tpu.memref_slice %arg13[%dma_start3A_77, %dma_start3A_78] : memref<5120x128xf32, #tpu.memory_space<vmem_shared>> -> memref<5120x128xf32, #tpu.memory_space<vmem_shared>>
        tpu.enqueue_indirect_dma source(%arg10 : memref<80x128xf32, #tpu.memory_space<vmem>>) target(%dma_start3A_79 : memref<5120x128xf32, #tpu.memory_space<vmem_shared>>) offsets(%dma_start3A_76 : memref<80xi32, #tpu.memory_space<vmem>>) semaphore(%run_scoped3A_73 : memref<!tpu.dma_semaphore, #tpu.memory_space<semaphore_mem>>) {add = true}
        %dma_wait3A_80 = arith.constant 0 : i32
        %dma_wait3A_81 = tpu.memref_slice %arg9[%mul3A_41, %dma_wait3A_80] : memref<250x80xi32, #tpu.memory_space<vmem>> -> memref<1x80xi32, #tpu.memory_space<vmem>>
        %dma_wait3A_82 = tpu.memref_squeeze %dma_wait3A_81 : memref<1x80xi32, #tpu.memory_space<vmem>> -> memref<80xi32, #tpu.memory_space<vmem>>
        %dma_wait3A_83 = arith.constant 0 : i32
        %dma_wait3A_84 = arith.constant 0 : i32
        %dma_wait3A_85 = tpu.memref_slice %arg13[%dma_wait3A_83, %dma_wait3A_84] : memref<5120x128xf32, #tpu.memory_space<vmem_shared>> -> memref<5120x128xf32, #tpu.memory_space<vmem_shared>>
        tpu.wait_indirect_dma semaphore(%run_scoped3A_73 : memref<!tpu.dma_semaphore, #tpu.memory_space<semaphore_mem>>) src(%arg10 : memref<80x128xf32, #tpu.memory_space<vmem>>) dst(%dma_wait3A_85 : memref<5120x128xf32, #tpu.memory_space<vmem_shared>>)
        tpu.yield
      }) : () -> ()
      %add3A = arith.constant 2 : i32
      %add3A_48 = arith.addi %mul3A_41, %add3A : i32
      %dma_start3A_49 = arith.constant 0 : i32
      %dma_start3A_50 = tpu.memref_slice %arg8[%add3A_48, %dma_start3A_49] : memref<250x80xi32, #tpu.memory_space<vmem>> -> memref<1x80xi32, #tpu.memory_space<vmem>>
      %dma_start3A_51 = tpu.memref_squeeze %dma_start3A_50 : memref<1x80xi32, #tpu.memory_space<vmem>> -> memref<80xi32, #tpu.memory_space<vmem>>
      %dma_start3A_52 = arith.constant 0 : i32
      %dma_start3A_53 = arith.constant 0 : i32
      %dma_start3A_54 = tpu.memref_slice %arg2[%dma_start3A_52, %dma_start3A_53] : memref<10000x128xf32, #tpu.memory_space<hbm>> -> memref<10000x128xf32, #tpu.memory_space<hbm>>
      tpu.enqueue_indirect_dma source(%dma_start3A_54 : memref<10000x128xf32, #tpu.memory_space<hbm>>) target(%arg10 : memref<80x128xf32, #tpu.memory_space<vmem>>) offsets(%dma_start3A_51 : memref<80xi32, #tpu.memory_space<vmem>>) semaphore(%arg14 : memref<!tpu.dma_semaphore, #tpu.memory_space<semaphore_mem>>)
      %add3A_55 = arith.constant 1 : i32
      %add3A_56 = arith.addi %mul3A_41, %add3A_55 : i32
      %dma_wait3A_57 = arith.constant 0 : i32
      %dma_wait3A_58 = tpu.memref_slice %arg8[%add3A_56, %dma_wait3A_57] : memref<250x80xi32, #tpu.memory_space<vmem>> -> memref<1x80xi32, #tpu.memory_space<vmem>>
      %dma_wait3A_59 = tpu.memref_squeeze %dma_wait3A_58 : memref<1x80xi32, #tpu.memory_space<vmem>> -> memref<80xi32, #tpu.memory_space<vmem>>
      %dma_wait3A_60 = arith.constant 0 : i32
      %dma_wait3A_61 = arith.constant 0 : i32
      %dma_wait3A_62 = tpu.memref_slice %arg2[%dma_wait3A_60, %dma_wait3A_61] : memref<10000x128xf32, #tpu.memory_space<hbm>> -> memref<10000x128xf32, #tpu.memory_space<hbm>>
      tpu.wait_indirect_dma semaphore(%arg15 : memref<!tpu.dma_semaphore, #tpu.memory_space<semaphore_mem>>) src(%dma_wait3A_62 : memref<10000x128xf32, #tpu.memory_space<hbm>>) dst(%arg11 : memref<80x128xf32, #tpu.memory_space<vmem>>)
      %add3A_63 = arith.constant 1 : i32
      %add3A_64 = arith.addi %mul3A_41, %add3A_63 : i32
      "tpu.region"() ({
        %run_scoped3A_73 = tpu.sem_alloc : memref<!tpu.dma_semaphore, #tpu.memory_space<semaphore_mem>>
        %dma_start3A_74 = arith.constant 0 : i32
        %dma_start3A_75 = tpu.memref_slice %arg9[%add3A_64, %dma_start3A_74] : memref<250x80xi32, #tpu.memory_space<vmem>> -> memref<1x80xi32, #tpu.memory_space<vmem>>
        %dma_start3A_76 = tpu.memref_squeeze %dma_start3A_75 : memref<1x80xi32, #tpu.memory_space<vmem>> -> memref<80xi32, #tpu.memory_space<vmem>>
        %dma_start3A_77 = arith.constant 0 : i32
        %dma_start3A_78 = arith.constant 0 : i32
        %dma_start3A_79 = tpu.memref_slice %arg13[%dma_start3A_77, %dma_start3A_78] : memref<5120x128xf32, #tpu.memory_space<vmem_shared>> -> memref<5120x128xf32, #tpu.memory_space<vmem_shared>>
        tpu.enqueue_indirect_dma source(%arg11 : memref<80x128xf32, #tpu.memory_space<vmem>>) target(%dma_start3A_79 : memref<5120x128xf32, #tpu.memory_space<vmem_shared>>) offsets(%dma_start3A_76 : memref<80xi32, #tpu.memory_space<vmem>>) semaphore(%run_scoped3A_73 : memref<!tpu.dma_semaphore, #tpu.memory_space<semaphore_mem>>) {add = true}
        %dma_wait3A_80 = arith.constant 0 : i32
        %dma_wait3A_81 = tpu.memref_slice %arg9[%add3A_64, %dma_wait3A_80] : memref<250x80xi32, #tpu.memory_space<vmem>> -> memref<1x80xi32, #tpu.memory_space<vmem>>
        %dma_wait3A_82 = tpu.memref_squeeze %dma_wait3A_81 : memref<1x80xi32, #tpu.memory_space<vmem>> -> memref<80xi32, #tpu.memory_space<vmem>>
        %dma_wait3A_83 = arith.constant 0 : i32
        %dma_wait3A_84 = arith.constant 0 : i32
        %dma_wait3A_85 = tpu.memref_slice %arg13[%dma_wait3A_83, %dma_wait3A_84] : memref<5120x128xf32, #tpu.memory_space<vmem_shared>> -> memref<5120x128xf32, #tpu.memory_space<vmem_shared>>
        tpu.wait_indirect_dma semaphore(%run_scoped3A_73 : memref<!tpu.dma_semaphore, #tpu.memory_space<semaphore_mem>>) src(%arg11 : memref<80x128xf32, #tpu.memory_space<vmem>>) dst(%dma_wait3A_85 : memref<5120x128xf32, #tpu.memory_space<vmem_shared>>)
        tpu.yield
      }) : () -> ()
      %add3A_65 = arith.constant 3 : i32
      %add3A_66 = arith.addi %mul3A_41, %add3A_65 : i32
      %dma_start3A_67 = arith.constant 0 : i32
      %dma_start3A_68 = tpu.memref_slice %arg8[%add3A_66, %dma_start3A_67] : memref<250x80xi32, #tpu.memory_space<vmem>> -> memref<1x80xi32, #tpu.memory_space<vmem>>
      %dma_start3A_69 = tpu.memref_squeeze %dma_start3A_68 : memref<1x80xi32, #tpu.memory_space<vmem>> -> memref<80xi32, #tpu.memory_space<vmem>>
      %dma_start3A_70 = arith.constant 0 : i32
      %dma_start3A_71 = arith.constant 0 : i32
      %dma_start3A_72 = tpu.memref_slice %arg2[%dma_start3A_70, %dma_start3A_71] : memref<10000x128xf32, #tpu.memory_space<hbm>> -> memref<10000x128xf32, #tpu.memory_space<hbm>>
      tpu.enqueue_indirect_dma source(%dma_start3A_72 : memref<10000x128xf32, #tpu.memory_space<hbm>>) target(%arg11 : memref<80x128xf32, #tpu.memory_space<vmem>>) offsets(%dma_start3A_69 : memref<80xi32, #tpu.memory_space<vmem>>) semaphore(%arg15 : memref<!tpu.dma_semaphore, #tpu.memory_space<semaphore_mem>>)
    }
    %scan3A_19 = arith.constant 124 : i32
    %dma_wait3A = arith.constant 248 : i32
    %dma_wait3A_20 = arith.constant 0 : i32
    %dma_wait3A_21 = tpu.memref_slice %arg8[%dma_wait3A, %dma_wait3A_20] : memref<250x80xi32, #tpu.memory_space<vmem>> -> memref<1x80xi32, #tpu.memory_space<vmem>>
    %dma_wait3A_22 = tpu.memref_squeeze %dma_wait3A_21 : memref<1x80xi32, #tpu.memory_space<vmem>> -> memref<80xi32, #tpu.memory_space<vmem>>
    %dma_wait3A_23 = arith.constant 0 : i32
    %dma_wait3A_24 = arith.constant 0 : i32
    %dma_wait3A_25 = tpu.memref_slice %arg2[%dma_wait3A_23, %dma_wait3A_24] : memref<10000x128xf32, #tpu.memory_space<hbm>> -> memref<10000x128xf32, #tpu.memory_space<hbm>>
    tpu.wait_indirect_dma semaphore(%arg14 : memref<!tpu.dma_semaphore, #tpu.memory_space<semaphore_mem>>) src(%dma_wait3A_25 : memref<10000x128xf32, #tpu.memory_space<hbm>>) dst(%arg10 : memref<80x128xf32, #tpu.memory_space<vmem>>)
    %run_scoped3A = arith.constant 248 : i32
    "tpu.region"() ({
      %run_scoped3A_39 = tpu.sem_alloc : memref<!tpu.dma_semaphore, #tpu.memory_space<semaphore_mem>>
      %dma_start3A_40 = arith.constant 0 : i32
      %dma_start3A_41 = tpu.memref_slice %arg9[%run_scoped3A, %dma_start3A_40] : memref<250x80xi32, #tpu.memory_space<vmem>> -> memref<1x80xi32, #tpu.memory_space<vmem>>
      %dma_start3A_42 = tpu.memref_squeeze %dma_start3A_41 : memref<1x80xi32, #tpu.memory_space<vmem>> -> memref<80xi32, #tpu.memory_space<vmem>>
      %dma_start3A_43 = arith.constant 0 : i32
      %dma_start3A_44 = arith.constant 0 : i32
      %dma_start3A_45 = tpu.memref_slice %arg13[%dma_start3A_43, %dma_start3A_44] : memref<5120x128xf32, #tpu.memory_space<vmem_shared>> -> memref<5120x128xf32, #tpu.memory_space<vmem_shared>>
      tpu.enqueue_indirect_dma source(%arg10 : memref<80x128xf32, #tpu.memory_space<vmem>>) target(%dma_start3A_45 : memref<5120x128xf32, #tpu.memory_space<vmem_shared>>) offsets(%dma_start3A_42 : memref<80xi32, #tpu.memory_space<vmem>>) semaphore(%run_scoped3A_39 : memref<!tpu.dma_semaphore, #tpu.memory_space<semaphore_mem>>) {add = true}
      %dma_wait3A_46 = arith.constant 0 : i32
      %dma_wait3A_47 = tpu.memref_slice %arg9[%run_scoped3A, %dma_wait3A_46] : memref<250x80xi32, #tpu.memory_space<vmem>> -> memref<1x80xi32, #tpu.memory_space<vmem>>
      %dma_wait3A_48 = tpu.memref_squeeze %dma_wait3A_47 : memref<1x80xi32, #tpu.memory_space<vmem>> -> memref<80xi32, #tpu.memory_space<vmem>>
      %dma_wait3A_49 = arith.constant 0 : i32
      %dma_wait3A_50 = arith.constant 0 : i32
      %dma_wait3A_51 = tpu.memref_slice %arg13[%dma_wait3A_49, %dma_wait3A_50] : memref<5120x128xf32, #tpu.memory_space<vmem_shared>> -> memref<5120x128xf32, #tpu.memory_space<vmem_shared>>
      tpu.wait_indirect_dma semaphore(%run_scoped3A_39 : memref<!tpu.dma_semaphore, #tpu.memory_space<semaphore_mem>>) src(%arg10 : memref<80x128xf32, #tpu.memory_space<vmem>>) dst(%dma_wait3A_51 : memref<5120x128xf32, #tpu.memory_space<vmem_shared>>)
      tpu.yield
    }) : () -> ()
    %dma_wait3A_26 = arith.constant 249 : i32
    %dma_wait3A_27 = arith.constant 0 : i32
    %dma_wait3A_28 = tpu.memref_slice %arg8[%dma_wait3A_26, %dma_wait3A_27] : memref<250x80xi32, #tpu.memory_space<vmem>> -> memref<1x80xi32, #tpu.memory_space<vmem>>
    %dma_wait3A_29 = tpu.memref_squeeze %dma_wait3A_28 : memref<1x80xi32, #tpu.memory_space<vmem>> -> memref<80xi32, #tpu.memory_space<vmem>>
    %dma_wait3A_30 = arith.constant 0 : i32
    %dma_wait3A_31 = arith.constant 0 : i32
    %dma_wait3A_32 = tpu.memref_slice %arg2[%dma_wait3A_30, %dma_wait3A_31] : memref<10000x128xf32, #tpu.memory_space<hbm>> -> memref<10000x128xf32, #tpu.memory_space<hbm>>
    tpu.wait_indirect_dma semaphore(%arg15 : memref<!tpu.dma_semaphore, #tpu.memory_space<semaphore_mem>>) src(%dma_wait3A_32 : memref<10000x128xf32, #tpu.memory_space<hbm>>) dst(%arg11 : memref<80x128xf32, #tpu.memory_space<vmem>>)
    %run_scoped3A_33 = arith.constant 249 : i32
    "tpu.region"() ({
      %run_scoped3A_39 = tpu.sem_alloc : memref<!tpu.dma_semaphore, #tpu.memory_space<semaphore_mem>>
      %dma_start3A_40 = arith.constant 0 : i32
      %dma_start3A_41 = tpu.memref_slice %arg9[%run_scoped3A_33, %dma_start3A_40] : memref<250x80xi32, #tpu.memory_space<vmem>> -> memref<1x80xi32, #tpu.memory_space<vmem>>
      %dma_start3A_42 = tpu.memref_squeeze %dma_start3A_41 : memref<1x80xi32, #tpu.memory_space<vmem>> -> memref<80xi32, #tpu.memory_space<vmem>>
      %dma_start3A_43 = arith.constant 0 : i32
      %dma_start3A_44 = arith.constant 0 : i32
      %dma_start3A_45 = tpu.memref_slice %arg13[%dma_start3A_43, %dma_start3A_44] : memref<5120x128xf32, #tpu.memory_space<vmem_shared>> -> memref<5120x128xf32, #tpu.memory_space<vmem_shared>>
      tpu.enqueue_indirect_dma source(%arg11 : memref<80x128xf32, #tpu.memory_space<vmem>>) target(%dma_start3A_45 : memref<5120x128xf32, #tpu.memory_space<vmem_shared>>) offsets(%dma_start3A_42 : memref<80xi32, #tpu.memory_space<vmem>>) semaphore(%run_scoped3A_39 : memref<!tpu.dma_semaphore, #tpu.memory_space<semaphore_mem>>) {add = true}
      %dma_wait3A_46 = arith.constant 0 : i32
      %dma_wait3A_47 = tpu.memref_slice %arg9[%run_scoped3A_33, %dma_wait3A_46] : memref<250x80xi32, #tpu.memory_space<vmem>> -> memref<1x80xi32, #tpu.memory_space<vmem>>
      %dma_wait3A_48 = tpu.memref_squeeze %dma_wait3A_47 : memref<1x80xi32, #tpu.memory_space<vmem>> -> memref<80xi32, #tpu.memory_space<vmem>>
      %dma_wait3A_49 = arith.constant 0 : i32
      %dma_wait3A_50 = arith.constant 0 : i32
      %dma_wait3A_51 = tpu.memref_slice %arg13[%dma_wait3A_49, %dma_wait3A_50] : memref<5120x128xf32, #tpu.memory_space<vmem_shared>> -> memref<5120x128xf32, #tpu.memory_space<vmem_shared>>
      tpu.wait_indirect_dma semaphore(%run_scoped3A_39 : memref<!tpu.dma_semaphore, #tpu.memory_space<semaphore_mem>>) src(%arg11 : memref<80x128xf32, #tpu.memory_space<vmem>>) dst(%dma_wait3A_51 : memref<5120x128xf32, #tpu.memory_space<vmem_shared>>)
      tpu.yield
    }) : () -> ()
    %barrier3A_34 = arith.constant 0 : index
    tpu.barrier barrier_id(%barrier3A_34)
    %mul3A_35 = arith.constant 320 : i32
    %mul3A_36 = arith.muli %arg1, %mul3A_35 : i32
    %mul3A_37 = arith.constant 320 : i32
    %mul3A_38 = arith.muli %arg1, %mul3A_37 : i32
    "tpu.region"() ({
      %run_scoped3A_39 = tpu.sem_alloc : memref<!tpu.dma_semaphore, #tpu.memory_space<semaphore_mem>>
      %dma_start3A_40 = arith.constant 0 : i32
      %dma_start3A_41 = tpu.memref_slice %arg7[%arg0, %mul3A_38, %dma_start3A_40] : memref<2x5120x128xf32, #tpu.memory_space<hbm>> -> memref<1x320x128xf32, #tpu.memory_space<hbm>>
      %dma_start3A_42 = tpu.memref_squeeze %dma_start3A_41 : memref<1x320x128xf32, #tpu.memory_space<hbm>> -> memref<320x128xf32, #tpu.memory_space<hbm>>
      %dma_start3A_43 = arith.constant 0 : i32
      %dma_start3A_44 = tpu.memref_slice %arg13[%mul3A_36, %dma_start3A_43] : memref<5120x128xf32, #tpu.memory_space<vmem_shared>> -> memref<320x128xf32, #tpu.memory_space<vmem_shared>>
      tpu.enqueue_dma source(%dma_start3A_44 : memref<320x128xf32, #tpu.memory_space<vmem_shared>>) target(%dma_start3A_42 : memref<320x128xf32, #tpu.memory_space<hbm>>) target_semaphore(%run_scoped3A_39 : memref<!tpu.dma_semaphore, #tpu.memory_space<semaphore_mem>>)
      %dma_wait3A_45 = arith.constant 0 : i32
      %dma_wait3A_46 = tpu.memref_slice %arg7[%arg0, %mul3A_38, %dma_wait3A_45] : memref<2x5120x128xf32, #tpu.memory_space<hbm>> -> memref<1x320x128xf32, #tpu.memory_space<hbm>>
      %dma_wait3A_47 = tpu.memref_squeeze %dma_wait3A_46 : memref<1x320x128xf32, #tpu.memory_space<hbm>> -> memref<320x128xf32, #tpu.memory_space<hbm>>
      %dma_wait3A_48 = arith.constant 0 : i32
      %dma_wait3A_49 = tpu.memref_slice %arg13[%mul3A_36, %dma_wait3A_48] : memref<5120x128xf32, #tpu.memory_space<vmem_shared>> -> memref<320x128xf32, #tpu.memory_space<vmem_shared>>
      tpu.wait_dma2 semaphore(%run_scoped3A_39 : memref<!tpu.dma_semaphore, #tpu.memory_space<semaphore_mem>>) src(%dma_wait3A_49 : memref<320x128xf32, #tpu.memory_space<vmem_shared>>) dst(%dma_wait3A_47 : memref<320x128xf32, #tpu.memory_space<hbm>>)
      tpu.yield
    }) : () -> ()
    return
  }
}

#map = affine_map<(d0, d1) -> (0)>
module attributes {stable_mosaic.version = 14 : i64} {
  func.func @_sc_gather_dis(%arg0: i32, %arg1: i32, %arg2: memref<10000xf32, #tpu.memory_space<hbm>>, %arg3: memref<320000xi32, #tpu.memory_space<hbm>>, %arg4: memref<320000xf32, #tpu.memory_space<hbm>>, %arg5: memref<10000xf32, #tpu.memory_space<vmem>>, %arg6: memref<10000xi32, #tpu.memory_space<vmem>>, %arg7: memref<10000xf32, #tpu.memory_space<vmem>>) attributes {dimension_semantics = [#tpu.dimension_semantics<core_parallel>, #tpu.dimension_semantics<subcore_parallel>], iteration_bounds = array<i64: 2, 16>, scalar_prefetch = 0 : i64, scratch_operands = 3 : i64, tpu.core_type = #tpu.core_type<sc_vector_subcore>, window_params = [{transform_indices = #map}, {transform_indices = #map}, {transform_indices = #map}]} {
    %mul3A = arith.constant 16 : i32
    %mul3A_0 = arith.muli %arg0, %mul3A : i32
    %add3A = arith.addi %mul3A_0, %arg1 : i32
    "tpu.region"() ({
      %run_scoped3A = tpu.sem_alloc : memref<!tpu.dma_semaphore, #tpu.memory_space<semaphore_mem>>
      tpu.enqueue_dma source(%arg2 : memref<10000xf32, #tpu.memory_space<hbm>>) target(%arg5 : memref<10000xf32, #tpu.memory_space<vmem>>) target_semaphore(%run_scoped3A : memref<!tpu.dma_semaphore, #tpu.memory_space<semaphore_mem>>)
      tpu.wait_dma2 semaphore(%run_scoped3A : memref<!tpu.dma_semaphore, #tpu.memory_space<semaphore_mem>>) src(%arg2 : memref<10000xf32, #tpu.memory_space<hbm>>) dst(%arg5 : memref<10000xf32, #tpu.memory_space<vmem>>)
      tpu.yield
    }) : () -> ()
    %mul3A_1 = arith.constant 10000 : i32
    %mul3A_2 = arith.muli %add3A, %mul3A_1 : i32
    "tpu.region"() ({
      %run_scoped3A = tpu.sem_alloc : memref<!tpu.dma_semaphore, #tpu.memory_space<semaphore_mem>>
      %dma_start3A = tpu.memref_slice %arg3[%mul3A_2] : memref<320000xi32, #tpu.memory_space<hbm>> -> memref<10000xi32, #tpu.memory_space<hbm>>
      %dma_start3A_9 = tpu.memref_slice %arg3[%mul3A_2] : memref<320000xi32, #tpu.memory_space<hbm>> -> memref<10000xi32, #tpu.memory_space<hbm>>
      tpu.enqueue_dma source(%dma_start3A_9 : memref<10000xi32, #tpu.memory_space<hbm>>) target(%arg6 : memref<10000xi32, #tpu.memory_space<vmem>>) target_semaphore(%run_scoped3A : memref<!tpu.dma_semaphore, #tpu.memory_space<semaphore_mem>>)
      %dma_wait3A = tpu.memref_slice %arg3[%mul3A_2] : memref<320000xi32, #tpu.memory_space<hbm>> -> memref<10000xi32, #tpu.memory_space<hbm>>
      %dma_wait3A_10 = tpu.memref_slice %arg3[%mul3A_2] : memref<320000xi32, #tpu.memory_space<hbm>> -> memref<10000xi32, #tpu.memory_space<hbm>>
      tpu.wait_dma2 semaphore(%run_scoped3A : memref<!tpu.dma_semaphore, #tpu.memory_space<semaphore_mem>>) src(%dma_wait3A_10 : memref<10000xi32, #tpu.memory_space<hbm>>) dst(%arg6 : memref<10000xi32, #tpu.memory_space<vmem>>)
      tpu.yield
    }) : () -> ()
    %scan3A = arith.constant 0 : i32
    %scan3A_3 = arith.constant 625 : i32
    %scan3A_4 = arith.addi %scan3A, %scan3A_3 : i32
    %scan3A_5 = arith.constant 1 : i32
    scf.for %scan3A_9 = %scan3A to %scan3A_4 step %scan3A_5  : i32 {
      %mul3A_10 = arith.constant 16 : i32
      %mul3A_11 = arith.muli %scan3A_9, %mul3A_10 : i32
      %get3A = arith.index_cast %mul3A_11 : i32 to index
      %get3A_12 = tpu.vector_load %arg6[%get3A] {strides = array<i32>} : memref<10000xi32, #tpu.memory_space<vmem>>, vector<16xi32>,
      %gather3A = tpu.vector_load_idx %arg5[%get3A_12] : memref<10000xf32, #tpu.memory_space<vmem>>[vector<16xi32>], vector<16xf32>,
      %mul3A_13 = arith.constant 16 : i32
      %mul3A_14 = arith.muli %scan3A_9, %mul3A_13 : i32
      %swap3A = arith.index_cast %mul3A_14 : i32 to index
      %swap3A_15 = tpu.vector_load %arg7[%swap3A] {strides = array<i32>} : memref<10000xf32, #tpu.memory_space<vmem>>, vector<16xf32>,
      tpu.vector_store %arg7[%swap3A], %gather3A {strides = array<i32>} : memref<10000xf32, #tpu.memory_space<vmem>>, vector<16xf32>,
    }
    %scan3A_6 = arith.constant 625 : i32
    %mul3A_7 = arith.constant 10000 : i32
    %mul3A_8 = arith.muli %add3A, %mul3A_7 : i32
    "tpu.region"() ({
      %run_scoped3A = tpu.sem_alloc : memref<!tpu.dma_semaphore, #tpu.memory_space<semaphore_mem>>
      %dma_start3A = tpu.memref_slice %arg4[%mul3A_8] : memref<320000xf32, #tpu.memory_space<hbm>> -> memref<10000xf32, #tpu.memory_space<hbm>>
      %dma_start3A_9 = tpu.memref_slice %arg4[%mul3A_8] : memref<320000xf32, #tpu.memory_space<hbm>> -> memref<10000xf32, #tpu.memory_space<hbm>>
      tpu.enqueue_dma source(%arg7 : memref<10000xf32, #tpu.memory_space<vmem>>) target(%dma_start3A_9 : memref<10000xf32, #tpu.memory_space<hbm>>) target_semaphore(%run_scoped3A : memref<!tpu.dma_semaphore, #tpu.memory_space<semaphore_mem>>)
      %dma_wait3A = tpu.memref_slice %arg4[%mul3A_8] : memref<320000xf32, #tpu.memory_space<hbm>> -> memref<10000xf32, #tpu.memory_space<hbm>>
      %dma_wait3A_10 = tpu.memref_slice %arg4[%mul3A_8] : memref<320000xf32, #tpu.memory_space<hbm>> -> memref<10000xf32, #tpu.memory_space<hbm>>
      tpu.wait_dma2 semaphore(%run_scoped3A : memref<!tpu.dma_semaphore, #tpu.memory_space<semaphore_mem>>) src(%arg7 : memref<10000xf32, #tpu.memory_space<vmem>>) dst(%dma_wait3A_10 : memref<10000xf32, #tpu.memory_space<hbm>>)
      tpu.yield
    }) : () -> ()
    return
  }
}

#map = affine_map<(d0, d1) -> (0, 0)>
#map1 = affine_map<(d0, d1) -> (0, 0, 0)>
#map2 = affine_map<(d0, d1) -> (0, 0, 0, 0)>
module attributes {stable_mosaic.version = 14 : i64} {
  func.func @scat(%arg0: i32, %arg1: i32, %arg2: memref<10000x128xf32, #tpu.memory_space<hbm>>, %arg3: memref<16x250x80xi32, #tpu.memory_space<hbm>>, %arg4: memref<2x16x250x80xi32, #tpu.memory_space<hbm>>, %arg5: memref<5120x128xf32, #tpu.memory_space<hbm>>, %arg6: memref<8x128xf32, #tpu.memory_space<hbm>>, %arg7: memref<2x5120x128xf32, #tpu.memory_space<hbm>>, %arg8: memref<250x80xi32, #tpu.memory_space<vmem>>, %arg9: memref<250x80xi32, #tpu.memory_space<vmem>>, %arg10: memref<80x128xf32, #tpu.memory_space<vmem>>, %arg11: memref<80x128xf32, #tpu.memory_space<vmem>>, %arg12: memref<8x128xf32, #tpu.memory_space<vmem>>, %arg13: memref<5120x128xf32, #tpu.memory_space<vmem_shared>>, %arg14: memref<!tpu.dma_semaphore, #tpu.memory_space<semaphore_mem>>, %arg15: memref<!tpu.dma_semaphore, #tpu.memory_space<semaphore_mem>>) attributes {dimension_semantics = [#tpu.dimension_semantics<core_parallel>, #tpu.dimension_semantics<subcore_parallel>], iteration_bounds = array<i64: 2, 16>, scalar_prefetch = 0 : i64, scratch_operands = 8 : i64, tpu.core_type = #tpu.core_type<sc_vector_subcore>, window_params = [{transform_indices = #map}, {transform_indices = #map1}, {transform_indices = #map2}, {transform_indices = #map}, {transform_indices = #map}, {transform_indices = #map1}]} {
    "tpu.region"() ({
      %run_scoped3A_39 = tpu.sem_alloc : memref<!tpu.dma_semaphore, #tpu.memory_space<semaphore_mem>>
      tpu.enqueue_dma source(%arg6 : memref<8x128xf32, #tpu.memory_space<hbm>>) target(%arg12 : memref<8x128xf32, #tpu.memory_space<vmem>>) target_semaphore(%run_scoped3A_39 : memref<!tpu.dma_semaphore, #tpu.memory_space<semaphore_mem>>)
      tpu.wait_dma2 semaphore(%run_scoped3A_39 : memref<!tpu.dma_semaphore, #tpu.memory_space<semaphore_mem>>) src(%arg6 : memref<8x128xf32, #tpu.memory_space<hbm>>) dst(%arg12 : memref<8x128xf32, #tpu.memory_space<vmem>>)
      tpu.yield
    }) : () -> ()
    %mul3A = arith.constant 320 : i32
    %mul3A_0 = arith.muli %arg1, %mul3A : i32
    %mul3A_1 = arith.constant 320 : i32
    %mul3A_2 = arith.muli %arg1, %mul3A_1 : i32
    "tpu.region"() ({
      %run_scoped3A_39 = tpu.sem_alloc : memref<!tpu.dma_semaphore, #tpu.memory_space<semaphore_mem>>
      %dma_start3A_40 = arith.constant 0 : i32
      %dma_start3A_41 = tpu.memref_slice %arg13[%mul3A_2, %dma_start3A_40] : memref<5120x128xf32, #tpu.memory_space<vmem_shared>> -> memref<320x128xf32, #tpu.memory_space<vmem_shared>>
      %dma_start3A_42 = arith.constant 0 : i32
      %dma_start3A_43 = tpu.memref_slice %arg5[%mul3A_0, %dma_start3A_42] : memref<5120x128xf32, #tpu.memory_space<hbm>> -> memref<320x128xf32, #tpu.memory_space<hbm>>
      tpu.enqueue_dma source(%dma_start3A_43 : memref<320x128xf32, #tpu.memory_space<hbm>>) target(%dma_start3A_41 : memref<320x128xf32, #tpu.memory_space<vmem_shared>>) target_semaphore(%run_scoped3A_39 : memref<!tpu.dma_semaphore, #tpu.memory_space<semaphore_mem>>)
      %dma_wait3A_44 = arith.constant 0 : i32
      %dma_wait3A_45 = tpu.memref_slice %arg13[%mul3A_2, %dma_wait3A_44] : memref<5120x128xf32, #tpu.memory_space<vmem_shared>> -> memref<320x128xf32, #tpu.memory_space<vmem_shared>>
      %dma_wait3A_46 = arith.constant 0 : i32
      %dma_wait3A_47 = tpu.memref_slice %arg5[%mul3A_0, %dma_wait3A_46] : memref<5120x128xf32, #tpu.memory_space<hbm>> -> memref<320x128xf32, #tpu.memory_space<hbm>>
      tpu.wait_dma2 semaphore(%run_scoped3A_39 : memref<!tpu.dma_semaphore, #tpu.memory_space<semaphore_mem>>) src(%dma_wait3A_47 : memref<320x128xf32, #tpu.memory_space<hbm>>) dst(%dma_wait3A_45 : memref<320x128xf32, #tpu.memory_space<vmem_shared>>)
      tpu.yield
    }) : () -> ()
    "tpu.region"() ({
      %run_scoped3A_39 = tpu.sem_alloc : memref<!tpu.dma_semaphore, #tpu.memory_space<semaphore_mem>>
      %dma_start3A_40 = arith.constant 0 : i32
      %dma_start3A_41 = arith.constant 0 : i32
      %dma_start3A_42 = tpu.memref_slice %arg3[%arg1, %dma_start3A_40, %dma_start3A_41] : memref<16x250x80xi32, #tpu.memory_space<hbm>> -> memref<1x250x80xi32, #tpu.memory_space<hbm>>
      %dma_start3A_43 = tpu.memref_squeeze %dma_start3A_42 : memref<1x250x80xi32, #tpu.memory_space<hbm>> -> memref<250x80xi32, #tpu.memory_space<hbm>>
      %dma_start3A_44 = arith.constant 0 : i32
      %dma_start3A_45 = arith.constant 0 : i32
      %dma_start3A_46 = tpu.memref_slice %arg3[%arg1, %dma_start3A_44, %dma_start3A_45] : memref<16x250x80xi32, #tpu.memory_space<hbm>> -> memref<1x250x80xi32, #tpu.memory_space<hbm>>
      %dma_start3A_47 = tpu.memref_squeeze %dma_start3A_46 : memref<1x250x80xi32, #tpu.memory_space<hbm>> -> memref<250x80xi32, #tpu.memory_space<hbm>>
      tpu.enqueue_dma source(%dma_start3A_47 : memref<250x80xi32, #tpu.memory_space<hbm>>) target(%arg8 : memref<250x80xi32, #tpu.memory_space<vmem>>) target_semaphore(%run_scoped3A_39 : memref<!tpu.dma_semaphore, #tpu.memory_space<semaphore_mem>>)
      %dma_wait3A_48 = arith.constant 0 : i32
      %dma_wait3A_49 = arith.constant 0 : i32
      %dma_wait3A_50 = tpu.memref_slice %arg3[%arg1, %dma_wait3A_48, %dma_wait3A_49] : memref<16x250x80xi32, #tpu.memory_space<hbm>> -> memref<1x250x80xi32, #tpu.memory_space<hbm>>
      %dma_wait3A_51 = tpu.memref_squeeze %dma_wait3A_50 : memref<1x250x80xi32, #tpu.memory_space<hbm>> -> memref<250x80xi32, #tpu.memory_space<hbm>>
      %dma_wait3A_52 = arith.constant 0 : i32
      %dma_wait3A_53 = arith.constant 0 : i32
      %dma_wait3A_54 = tpu.memref_slice %arg3[%arg1, %dma_wait3A_52, %dma_wait3A_53] : memref<16x250x80xi32, #tpu.memory_space<hbm>> -> memref<1x250x80xi32, #tpu.memory_space<hbm>>
      %dma_wait3A_55 = tpu.memref_squeeze %dma_wait3A_54 : memref<1x250x80xi32, #tpu.memory_space<hbm>> -> memref<250x80xi32, #tpu.memory_space<hbm>>
      tpu.wait_dma2 semaphore(%run_scoped3A_39 : memref<!tpu.dma_semaphore, #tpu.memory_space<semaphore_mem>>) src(%dma_wait3A_55 : memref<250x80xi32, #tpu.memory_space<hbm>>) dst(%arg8 : memref<250x80xi32, #tpu.memory_space<vmem>>)
      tpu.yield
    }) : () -> ()
    "tpu.region"() ({
      %run_scoped3A_39 = tpu.sem_alloc : memref<!tpu.dma_semaphore, #tpu.memory_space<semaphore_mem>>
      %dma_start3A_40 = arith.constant 0 : i32
      %dma_start3A_41 = arith.constant 0 : i32
      %dma_start3A_42 = tpu.memref_slice %arg4[%arg0, %arg1, %dma_start3A_40, %dma_start3A_41] : memref<2x16x250x80xi32, #tpu.memory_space<hbm>> -> memref<1x1x250x80xi32, #tpu.memory_space<hbm>>
      %dma_start3A_43 = tpu.memref_squeeze %dma_start3A_42 : memref<1x1x250x80xi32, #tpu.memory_space<hbm>> -> memref<250x80xi32, #tpu.memory_space<hbm>>
      %dma_start3A_44 = arith.constant 0 : i32
      %dma_start3A_45 = arith.constant 0 : i32
      %dma_start3A_46 = tpu.memref_slice %arg4[%arg0, %arg1, %dma_start3A_44, %dma_start3A_45] : memref<2x16x250x80xi32, #tpu.memory_space<hbm>> -> memref<1x1x250x80xi32, #tpu.memory_space<hbm>>
      %dma_start3A_47 = tpu.memref_squeeze %dma_start3A_46 : memref<1x1x250x80xi32, #tpu.memory_space<hbm>> -> memref<250x80xi32, #tpu.memory_space<hbm>>
      tpu.enqueue_dma source(%dma_start3A_47 : memref<250x80xi32, #tpu.memory_space<hbm>>) target(%arg9 : memref<250x80xi32, #tpu.memory_space<vmem>>) target_semaphore(%run_scoped3A_39 : memref<!tpu.dma_semaphore, #tpu.memory_space<semaphore_mem>>)
      %dma_wait3A_48 = arith.constant 0 : i32
      %dma_wait3A_49 = arith.constant 0 : i32
      %dma_wait3A_50 = tpu.memref_slice %arg4[%arg0, %arg1, %dma_wait3A_48, %dma_wait3A_49] : memref<2x16x250x80xi32, #tpu.memory_space<hbm>> -> memref<1x1x250x80xi32, #tpu.memory_space<hbm>>
      %dma_wait3A_51 = tpu.memref_squeeze %dma_wait3A_50 : memref<1x1x250x80xi32, #tpu.memory_space<hbm>> -> memref<250x80xi32, #tpu.memory_space<hbm>>
      %dma_wait3A_52 = arith.constant 0 : i32
      %dma_wait3A_53 = arith.constant 0 : i32
      %dma_wait3A_54 = tpu.memref_slice %arg4[%arg0, %arg1, %dma_wait3A_52, %dma_wait3A_53] : memref<2x16x250x80xi32, #tpu.memory_space<hbm>> -> memref<1x1x250x80xi32, #tpu.memory_space<hbm>>
      %dma_wait3A_55 = tpu.memref_squeeze %dma_wait3A_54 : memref<1x1x250x80xi32, #tpu.memory_space<hbm>> -> memref<250x80xi32, #tpu.memory_space<hbm>>
      tpu.wait_dma2 semaphore(%run_scoped3A_39 : memref<!tpu.dma_semaphore, #tpu.memory_space<semaphore_mem>>) src(%dma_wait3A_55 : memref<250x80xi32, #tpu.memory_space<hbm>>) dst(%arg9 : memref<250x80xi32, #tpu.memory_space<vmem>>)
      tpu.yield
    }) : () -> ()
    %barrier3A = arith.constant 0 : index
    tpu.barrier barrier_id(%barrier3A)
    %dma_start3A = arith.constant 0 : i32
    %dma_start3A_3 = arith.constant 0 : i32
    %dma_start3A_4 = tpu.memref_slice %arg8[%dma_start3A, %dma_start3A_3] : memref<250x80xi32, #tpu.memory_space<vmem>> -> memref<1x80xi32, #tpu.memory_space<vmem>>
    %dma_start3A_5 = tpu.memref_squeeze %dma_start3A_4 : memref<1x80xi32, #tpu.memory_space<vmem>> -> memref<80xi32, #tpu.memory_space<vmem>>
    %dma_start3A_6 = arith.constant 0 : i32
    %dma_start3A_7 = arith.constant 0 : i32
    %dma_start3A_8 = tpu.memref_slice %arg2[%dma_start3A_6, %dma_start3A_7] : memref<10000x128xf32, #tpu.memory_space<hbm>> -> memref<10000x128xf32, #tpu.memory_space<hbm>>
    tpu.enqueue_indirect_dma source(%dma_start3A_8 : memref<10000x128xf32, #tpu.memory_space<hbm>>) target(%arg10 : memref<80x128xf32, #tpu.memory_space<vmem>>) offsets(%dma_start3A_5 : memref<80xi32, #tpu.memory_space<vmem>>) semaphore(%arg14 : memref<!tpu.dma_semaphore, #tpu.memory_space<semaphore_mem>>)
    %dma_start3A_9 = arith.constant 1 : i32
    %dma_start3A_10 = arith.constant 0 : i32
    %dma_start3A_11 = tpu.memref_slice %arg8[%dma_start3A_9, %dma_start3A_10] : memref<250x80xi32, #tpu.memory_space<vmem>> -> memref<1x80xi32, #tpu.memory_space<vmem>>
    %dma_start3A_12 = tpu.memref_squeeze %dma_start3A_11 : memref<1x80xi32, #tpu.memory_space<vmem>> -> memref<80xi32, #tpu.memory_space<vmem>>
    %dma_start3A_13 = arith.constant 0 : i32
    %dma_start3A_14 = arith.constant 0 : i32
    %dma_start3A_15 = tpu.memref_slice %arg2[%dma_start3A_13, %dma_start3A_14] : memref<10000x128xf32, #tpu.memory_space<hbm>> -> memref<10000x128xf32, #tpu.memory_space<hbm>>
    tpu.enqueue_indirect_dma source(%dma_start3A_15 : memref<10000x128xf32, #tpu.memory_space<hbm>>) target(%arg11 : memref<80x128xf32, #tpu.memory_space<vmem>>) offsets(%dma_start3A_12 : memref<80xi32, #tpu.memory_space<vmem>>) semaphore(%arg15 : memref<!tpu.dma_semaphore, #tpu.memory_space<semaphore_mem>>)
    %scan3A = arith.constant 0 : i32
    %scan3A_16 = arith.constant 124 : i32
    %scan3A_17 = arith.addi %scan3A, %scan3A_16 : i32
    %scan3A_18 = arith.constant 1 : i32
    scf.for %scan3A_39 = %scan3A to %scan3A_17 step %scan3A_18  : i32 {
      %mul3A_40 = arith.constant 2 : i32
      %mul3A_41 = arith.muli %scan3A_39, %mul3A_40 : i32
      %dma_wait3A_42 = arith.constant 0 : i32
      %dma_wait3A_43 = tpu.memref_slice %arg8[%mul3A_41, %dma_wait3A_42] : memref<250x80xi32, #tpu.memory_space<vmem>> -> memref<1x80xi32, #tpu.memory_space<vmem>>
      %dma_wait3A_44 = tpu.memref_squeeze %dma_wait3A_43 : memref<1x80xi32, #tpu.memory_space<vmem>> -> memref<80xi32, #tpu.memory_space<vmem>>
      %dma_wait3A_45 = arith.constant 0 : i32
      %dma_wait3A_46 = arith.constant 0 : i32
      %dma_wait3A_47 = tpu.memref_slice %arg2[%dma_wait3A_45, %dma_wait3A_46] : memref<10000x128xf32, #tpu.memory_space<hbm>> -> memref<10000x128xf32, #tpu.memory_space<hbm>>
      tpu.wait_indirect_dma semaphore(%arg14 : memref<!tpu.dma_semaphore, #tpu.memory_space<semaphore_mem>>) src(%dma_wait3A_47 : memref<10000x128xf32, #tpu.memory_space<hbm>>) dst(%arg10 : memref<80x128xf32, #tpu.memory_space<vmem>>)
      "tpu.region"() ({
        %run_scoped3A_73 = tpu.sem_alloc : memref<!tpu.dma_semaphore, #tpu.memory_space<semaphore_mem>>
        %dma_start3A_74 = arith.constant 0 : i32
        %dma_start3A_75 = tpu.memref_slice %arg9[%mul3A_41, %dma_start3A_74] : memref<250x80xi32, #tpu.memory_space<vmem>> -> memref<1x80xi32, #tpu.memory_space<vmem>>
        %dma_start3A_76 = tpu.memref_squeeze %dma_start3A_75 : memref<1x80xi32, #tpu.memory_space<vmem>> -> memref<80xi32, #tpu.memory_space<vmem>>
        %dma_start3A_77 = arith.constant 0 : i32
        %dma_start3A_78 = arith.constant 0 : i32
        %dma_start3A_79 = tpu.memref_slice %arg13[%dma_start3A_77, %dma_start3A_78] : memref<5120x128xf32, #tpu.memory_space<vmem_shared>> -> memref<5120x128xf32, #tpu.memory_space<vmem_shared>>
        tpu.enqueue_indirect_dma source(%arg10 : memref<80x128xf32, #tpu.memory_space<vmem>>) target(%dma_start3A_79 : memref<5120x128xf32, #tpu.memory_space<vmem_shared>>) offsets(%dma_start3A_76 : memref<80xi32, #tpu.memory_space<vmem>>) semaphore(%run_scoped3A_73 : memref<!tpu.dma_semaphore, #tpu.memory_space<semaphore_mem>>) {add = true}
        %dma_wait3A_80 = arith.constant 0 : i32
        %dma_wait3A_81 = tpu.memref_slice %arg9[%mul3A_41, %dma_wait3A_80] : memref<250x80xi32, #tpu.memory_space<vmem>> -> memref<1x80xi32, #tpu.memory_space<vmem>>
        %dma_wait3A_82 = tpu.memref_squeeze %dma_wait3A_81 : memref<1x80xi32, #tpu.memory_space<vmem>> -> memref<80xi32, #tpu.memory_space<vmem>>
        %dma_wait3A_83 = arith.constant 0 : i32
        %dma_wait3A_84 = arith.constant 0 : i32
        %dma_wait3A_85 = tpu.memref_slice %arg13[%dma_wait3A_83, %dma_wait3A_84] : memref<5120x128xf32, #tpu.memory_space<vmem_shared>> -> memref<5120x128xf32, #tpu.memory_space<vmem_shared>>
        tpu.wait_indirect_dma semaphore(%run_scoped3A_73 : memref<!tpu.dma_semaphore, #tpu.memory_space<semaphore_mem>>) src(%arg10 : memref<80x128xf32, #tpu.memory_space<vmem>>) dst(%dma_wait3A_85 : memref<5120x128xf32, #tpu.memory_space<vmem_shared>>)
        tpu.yield
      }) : () -> ()
      %add3A = arith.constant 2 : i32
      %add3A_48 = arith.addi %mul3A_41, %add3A : i32
      %dma_start3A_49 = arith.constant 0 : i32
      %dma_start3A_50 = tpu.memref_slice %arg8[%add3A_48, %dma_start3A_49] : memref<250x80xi32, #tpu.memory_space<vmem>> -> memref<1x80xi32, #tpu.memory_space<vmem>>
      %dma_start3A_51 = tpu.memref_squeeze %dma_start3A_50 : memref<1x80xi32, #tpu.memory_space<vmem>> -> memref<80xi32, #tpu.memory_space<vmem>>
      %dma_start3A_52 = arith.constant 0 : i32
      %dma_start3A_53 = arith.constant 0 : i32
      %dma_start3A_54 = tpu.memref_slice %arg2[%dma_start3A_52, %dma_start3A_53] : memref<10000x128xf32, #tpu.memory_space<hbm>> -> memref<10000x128xf32, #tpu.memory_space<hbm>>
      tpu.enqueue_indirect_dma source(%dma_start3A_54 : memref<10000x128xf32, #tpu.memory_space<hbm>>) target(%arg10 : memref<80x128xf32, #tpu.memory_space<vmem>>) offsets(%dma_start3A_51 : memref<80xi32, #tpu.memory_space<vmem>>) semaphore(%arg14 : memref<!tpu.dma_semaphore, #tpu.memory_space<semaphore_mem>>)
      %add3A_55 = arith.constant 1 : i32
      %add3A_56 = arith.addi %mul3A_41, %add3A_55 : i32
      %dma_wait3A_57 = arith.constant 0 : i32
      %dma_wait3A_58 = tpu.memref_slice %arg8[%add3A_56, %dma_wait3A_57] : memref<250x80xi32, #tpu.memory_space<vmem>> -> memref<1x80xi32, #tpu.memory_space<vmem>>
      %dma_wait3A_59 = tpu.memref_squeeze %dma_wait3A_58 : memref<1x80xi32, #tpu.memory_space<vmem>> -> memref<80xi32, #tpu.memory_space<vmem>>
      %dma_wait3A_60 = arith.constant 0 : i32
      %dma_wait3A_61 = arith.constant 0 : i32
      %dma_wait3A_62 = tpu.memref_slice %arg2[%dma_wait3A_60, %dma_wait3A_61] : memref<10000x128xf32, #tpu.memory_space<hbm>> -> memref<10000x128xf32, #tpu.memory_space<hbm>>
      tpu.wait_indirect_dma semaphore(%arg15 : memref<!tpu.dma_semaphore, #tpu.memory_space<semaphore_mem>>) src(%dma_wait3A_62 : memref<10000x128xf32, #tpu.memory_space<hbm>>) dst(%arg11 : memref<80x128xf32, #tpu.memory_space<vmem>>)
      %add3A_63 = arith.constant 1 : i32
      %add3A_64 = arith.addi %mul3A_41, %add3A_63 : i32
      "tpu.region"() ({
        %run_scoped3A_73 = tpu.sem_alloc : memref<!tpu.dma_semaphore, #tpu.memory_space<semaphore_mem>>
        %dma_start3A_74 = arith.constant 0 : i32
        %dma_start3A_75 = tpu.memref_slice %arg9[%add3A_64, %dma_start3A_74] : memref<250x80xi32, #tpu.memory_space<vmem>> -> memref<1x80xi32, #tpu.memory_space<vmem>>
        %dma_start3A_76 = tpu.memref_squeeze %dma_start3A_75 : memref<1x80xi32, #tpu.memory_space<vmem>> -> memref<80xi32, #tpu.memory_space<vmem>>
        %dma_start3A_77 = arith.constant 0 : i32
        %dma_start3A_78 = arith.constant 0 : i32
        %dma_start3A_79 = tpu.memref_slice %arg13[%dma_start3A_77, %dma_start3A_78] : memref<5120x128xf32, #tpu.memory_space<vmem_shared>> -> memref<5120x128xf32, #tpu.memory_space<vmem_shared>>
        tpu.enqueue_indirect_dma source(%arg11 : memref<80x128xf32, #tpu.memory_space<vmem>>) target(%dma_start3A_79 : memref<5120x128xf32, #tpu.memory_space<vmem_shared>>) offsets(%dma_start3A_76 : memref<80xi32, #tpu.memory_space<vmem>>) semaphore(%run_scoped3A_73 : memref<!tpu.dma_semaphore, #tpu.memory_space<semaphore_mem>>) {add = true}
        %dma_wait3A_80 = arith.constant 0 : i32
        %dma_wait3A_81 = tpu.memref_slice %arg9[%add3A_64, %dma_wait3A_80] : memref<250x80xi32, #tpu.memory_space<vmem>> -> memref<1x80xi32, #tpu.memory_space<vmem>>
        %dma_wait3A_82 = tpu.memref_squeeze %dma_wait3A_81 : memref<1x80xi32, #tpu.memory_space<vmem>> -> memref<80xi32, #tpu.memory_space<vmem>>
        %dma_wait3A_83 = arith.constant 0 : i32
        %dma_wait3A_84 = arith.constant 0 : i32
        %dma_wait3A_85 = tpu.memref_slice %arg13[%dma_wait3A_83, %dma_wait3A_84] : memref<5120x128xf32, #tpu.memory_space<vmem_shared>> -> memref<5120x128xf32, #tpu.memory_space<vmem_shared>>
        tpu.wait_indirect_dma semaphore(%run_scoped3A_73 : memref<!tpu.dma_semaphore, #tpu.memory_space<semaphore_mem>>) src(%arg11 : memref<80x128xf32, #tpu.memory_space<vmem>>) dst(%dma_wait3A_85 : memref<5120x128xf32, #tpu.memory_space<vmem_shared>>)
        tpu.yield
      }) : () -> ()
      %add3A_65 = arith.constant 3 : i32
      %add3A_66 = arith.addi %mul3A_41, %add3A_65 : i32
      %dma_start3A_67 = arith.constant 0 : i32
      %dma_start3A_68 = tpu.memref_slice %arg8[%add3A_66, %dma_start3A_67] : memref<250x80xi32, #tpu.memory_space<vmem>> -> memref<1x80xi32, #tpu.memory_space<vmem>>
      %dma_start3A_69 = tpu.memref_squeeze %dma_start3A_68 : memref<1x80xi32, #tpu.memory_space<vmem>> -> memref<80xi32, #tpu.memory_space<vmem>>
      %dma_start3A_70 = arith.constant 0 : i32
      %dma_start3A_71 = arith.constant 0 : i32
      %dma_start3A_72 = tpu.memref_slice %arg2[%dma_start3A_70, %dma_start3A_71] : memref<10000x128xf32, #tpu.memory_space<hbm>> -> memref<10000x128xf32, #tpu.memory_space<hbm>>
      tpu.enqueue_indirect_dma source(%dma_start3A_72 : memref<10000x128xf32, #tpu.memory_space<hbm>>) target(%arg11 : memref<80x128xf32, #tpu.memory_space<vmem>>) offsets(%dma_start3A_69 : memref<80xi32, #tpu.memory_space<vmem>>) semaphore(%arg15 : memref<!tpu.dma_semaphore, #tpu.memory_space<semaphore_mem>>)
    }
    %scan3A_19 = arith.constant 124 : i32
    %dma_wait3A = arith.constant 248 : i32
    %dma_wait3A_20 = arith.constant 0 : i32
    %dma_wait3A_21 = tpu.memref_slice %arg8[%dma_wait3A, %dma_wait3A_20] : memref<250x80xi32, #tpu.memory_space<vmem>> -> memref<1x80xi32, #tpu.memory_space<vmem>>
    %dma_wait3A_22 = tpu.memref_squeeze %dma_wait3A_21 : memref<1x80xi32, #tpu.memory_space<vmem>> -> memref<80xi32, #tpu.memory_space<vmem>>
    %dma_wait3A_23 = arith.constant 0 : i32
    %dma_wait3A_24 = arith.constant 0 : i32
    %dma_wait3A_25 = tpu.memref_slice %arg2[%dma_wait3A_23, %dma_wait3A_24] : memref<10000x128xf32, #tpu.memory_space<hbm>> -> memref<10000x128xf32, #tpu.memory_space<hbm>>
    tpu.wait_indirect_dma semaphore(%arg14 : memref<!tpu.dma_semaphore, #tpu.memory_space<semaphore_mem>>) src(%dma_wait3A_25 : memref<10000x128xf32, #tpu.memory_space<hbm>>) dst(%arg10 : memref<80x128xf32, #tpu.memory_space<vmem>>)
    %run_scoped3A = arith.constant 248 : i32
    "tpu.region"() ({
      %run_scoped3A_39 = tpu.sem_alloc : memref<!tpu.dma_semaphore, #tpu.memory_space<semaphore_mem>>
      %dma_start3A_40 = arith.constant 0 : i32
      %dma_start3A_41 = tpu.memref_slice %arg9[%run_scoped3A, %dma_start3A_40] : memref<250x80xi32, #tpu.memory_space<vmem>> -> memref<1x80xi32, #tpu.memory_space<vmem>>
      %dma_start3A_42 = tpu.memref_squeeze %dma_start3A_41 : memref<1x80xi32, #tpu.memory_space<vmem>> -> memref<80xi32, #tpu.memory_space<vmem>>
      %dma_start3A_43 = arith.constant 0 : i32
      %dma_start3A_44 = arith.constant 0 : i32
      %dma_start3A_45 = tpu.memref_slice %arg13[%dma_start3A_43, %dma_start3A_44] : memref<5120x128xf32, #tpu.memory_space<vmem_shared>> -> memref<5120x128xf32, #tpu.memory_space<vmem_shared>>
      tpu.enqueue_indirect_dma source(%arg10 : memref<80x128xf32, #tpu.memory_space<vmem>>) target(%dma_start3A_45 : memref<5120x128xf32, #tpu.memory_space<vmem_shared>>) offsets(%dma_start3A_42 : memref<80xi32, #tpu.memory_space<vmem>>) semaphore(%run_scoped3A_39 : memref<!tpu.dma_semaphore, #tpu.memory_space<semaphore_mem>>) {add = true}
      %dma_wait3A_46 = arith.constant 0 : i32
      %dma_wait3A_47 = tpu.memref_slice %arg9[%run_scoped3A, %dma_wait3A_46] : memref<250x80xi32, #tpu.memory_space<vmem>> -> memref<1x80xi32, #tpu.memory_space<vmem>>
      %dma_wait3A_48 = tpu.memref_squeeze %dma_wait3A_47 : memref<1x80xi32, #tpu.memory_space<vmem>> -> memref<80xi32, #tpu.memory_space<vmem>>
      %dma_wait3A_49 = arith.constant 0 : i32
      %dma_wait3A_50 = arith.constant 0 : i32
      %dma_wait3A_51 = tpu.memref_slice %arg13[%dma_wait3A_49, %dma_wait3A_50] : memref<5120x128xf32, #tpu.memory_space<vmem_shared>> -> memref<5120x128xf32, #tpu.memory_space<vmem_shared>>
      tpu.wait_indirect_dma semaphore(%run_scoped3A_39 : memref<!tpu.dma_semaphore, #tpu.memory_space<semaphore_mem>>) src(%arg10 : memref<80x128xf32, #tpu.memory_space<vmem>>) dst(%dma_wait3A_51 : memref<5120x128xf32, #tpu.memory_space<vmem_shared>>)
      tpu.yield
    }) : () -> ()
    %dma_wait3A_26 = arith.constant 249 : i32
    %dma_wait3A_27 = arith.constant 0 : i32
    %dma_wait3A_28 = tpu.memref_slice %arg8[%dma_wait3A_26, %dma_wait3A_27] : memref<250x80xi32, #tpu.memory_space<vmem>> -> memref<1x80xi32, #tpu.memory_space<vmem>>
    %dma_wait3A_29 = tpu.memref_squeeze %dma_wait3A_28 : memref<1x80xi32, #tpu.memory_space<vmem>> -> memref<80xi32, #tpu.memory_space<vmem>>
    %dma_wait3A_30 = arith.constant 0 : i32
    %dma_wait3A_31 = arith.constant 0 : i32
    %dma_wait3A_32 = tpu.memref_slice %arg2[%dma_wait3A_30, %dma_wait3A_31] : memref<10000x128xf32, #tpu.memory_space<hbm>> -> memref<10000x128xf32, #tpu.memory_space<hbm>>
    tpu.wait_indirect_dma semaphore(%arg15 : memref<!tpu.dma_semaphore, #tpu.memory_space<semaphore_mem>>) src(%dma_wait3A_32 : memref<10000x128xf32, #tpu.memory_space<hbm>>) dst(%arg11 : memref<80x128xf32, #tpu.memory_space<vmem>>)
    %run_scoped3A_33 = arith.constant 249 : i32
    "tpu.region"() ({
      %run_scoped3A_39 = tpu.sem_alloc : memref<!tpu.dma_semaphore, #tpu.memory_space<semaphore_mem>>
      %dma_start3A_40 = arith.constant 0 : i32
      %dma_start3A_41 = tpu.memref_slice %arg9[%run_scoped3A_33, %dma_start3A_40] : memref<250x80xi32, #tpu.memory_space<vmem>> -> memref<1x80xi32, #tpu.memory_space<vmem>>
      %dma_start3A_42 = tpu.memref_squeeze %dma_start3A_41 : memref<1x80xi32, #tpu.memory_space<vmem>> -> memref<80xi32, #tpu.memory_space<vmem>>
      %dma_start3A_43 = arith.constant 0 : i32
      %dma_start3A_44 = arith.constant 0 : i32
      %dma_start3A_45 = tpu.memref_slice %arg13[%dma_start3A_43, %dma_start3A_44] : memref<5120x128xf32, #tpu.memory_space<vmem_shared>> -> memref<5120x128xf32, #tpu.memory_space<vmem_shared>>
      tpu.enqueue_indirect_dma source(%arg11 : memref<80x128xf32, #tpu.memory_space<vmem>>) target(%dma_start3A_45 : memref<5120x128xf32, #tpu.memory_space<vmem_shared>>) offsets(%dma_start3A_42 : memref<80xi32, #tpu.memory_space<vmem>>) semaphore(%run_scoped3A_39 : memref<!tpu.dma_semaphore, #tpu.memory_space<semaphore_mem>>) {add = true}
      %dma_wait3A_46 = arith.constant 0 : i32
      %dma_wait3A_47 = tpu.memref_slice %arg9[%run_scoped3A_33, %dma_wait3A_46] : memref<250x80xi32, #tpu.memory_space<vmem>> -> memref<1x80xi32, #tpu.memory_space<vmem>>
      %dma_wait3A_48 = tpu.memref_squeeze %dma_wait3A_47 : memref<1x80xi32, #tpu.memory_space<vmem>> -> memref<80xi32, #tpu.memory_space<vmem>>
      %dma_wait3A_49 = arith.constant 0 : i32
      %dma_wait3A_50 = arith.constant 0 : i32
      %dma_wait3A_51 = tpu.memref_slice %arg13[%dma_wait3A_49, %dma_wait3A_50] : memref<5120x128xf32, #tpu.memory_space<vmem_shared>> -> memref<5120x128xf32, #tpu.memory_space<vmem_shared>>
      tpu.wait_indirect_dma semaphore(%run_scoped3A_39 : memref<!tpu.dma_semaphore, #tpu.memory_space<semaphore_mem>>) src(%arg11 : memref<80x128xf32, #tpu.memory_space<vmem>>) dst(%dma_wait3A_51 : memref<5120x128xf32, #tpu.memory_space<vmem_shared>>)
      tpu.yield
    }) : () -> ()
    %barrier3A_34 = arith.constant 0 : index
    tpu.barrier barrier_id(%barrier3A_34)
    %mul3A_35 = arith.constant 320 : i32
    %mul3A_36 = arith.muli %arg1, %mul3A_35 : i32
    %mul3A_37 = arith.constant 320 : i32
    %mul3A_38 = arith.muli %arg1, %mul3A_37 : i32
    "tpu.region"() ({
      %run_scoped3A_39 = tpu.sem_alloc : memref<!tpu.dma_semaphore, #tpu.memory_space<semaphore_mem>>
      %dma_start3A_40 = arith.constant 0 : i32
      %dma_start3A_41 = tpu.memref_slice %arg7[%arg0, %mul3A_38, %dma_start3A_40] : memref<2x5120x128xf32, #tpu.memory_space<hbm>> -> memref<1x320x128xf32, #tpu.memory_space<hbm>>
      %dma_start3A_42 = tpu.memref_squeeze %dma_start3A_41 : memref<1x320x128xf32, #tpu.memory_space<hbm>> -> memref<320x128xf32, #tpu.memory_space<hbm>>
      %dma_start3A_43 = arith.constant 0 : i32
      %dma_start3A_44 = tpu.memref_slice %arg13[%mul3A_36, %dma_start3A_43] : memref<5120x128xf32, #tpu.memory_space<vmem_shared>> -> memref<320x128xf32, #tpu.memory_space<vmem_shared>>
      tpu.enqueue_dma source(%dma_start3A_44 : memref<320x128xf32, #tpu.memory_space<vmem_shared>>) target(%dma_start3A_42 : memref<320x128xf32, #tpu.memory_space<hbm>>) target_semaphore(%run_scoped3A_39 : memref<!tpu.dma_semaphore, #tpu.memory_space<semaphore_mem>>)
      %dma_wait3A_45 = arith.constant 0 : i32
      %dma_wait3A_46 = tpu.memref_slice %arg7[%arg0, %mul3A_38, %dma_wait3A_45] : memref<2x5120x128xf32, #tpu.memory_space<hbm>> -> memref<1x320x128xf32, #tpu.memory_space<hbm>>
      %dma_wait3A_47 = tpu.memref_squeeze %dma_wait3A_46 : memref<1x320x128xf32, #tpu.memory_space<hbm>> -> memref<320x128xf32, #tpu.memory_space<hbm>>
      %dma_wait3A_48 = arith.constant 0 : i32
      %dma_wait3A_49 = tpu.memref_slice %arg13[%mul3A_36, %dma_wait3A_48] : memref<5120x128xf32, #tpu.memory_space<vmem_shared>> -> memref<320x128xf32, #tpu.memory_space<vmem_shared>>
      tpu.wait_dma2 semaphore(%run_scoped3A_39 : memref<!tpu.dma_semaphore, #tpu.memory_space<semaphore_mem>>) src(%dma_wait3A_49 : memref<320x128xf32, #tpu.memory_space<vmem_shared>>) dst(%dma_wait3A_47 : memref<320x128xf32, #tpu.memory_space<hbm>>)
      tpu.yield
    }) : () -> ()
    return
  }
}

#map = affine_map<(d0, d1) -> (0, 0)>
#map1 = affine_map<(d0, d1) -> (0, 0, 0)>
#map2 = affine_map<(d0, d1) -> (0, 0, 0, 0)>
module attributes {stable_mosaic.version = 14 : i64} {
  func.func @scat(%arg0: i32, %arg1: i32, %arg2: memref<10000x128xf32, #tpu.memory_space<hbm>>, %arg3: memref<16x250x80xi32, #tpu.memory_space<hbm>>, %arg4: memref<2x16x250x80xi32, #tpu.memory_space<hbm>>, %arg5: memref<5120x128xf32, #tpu.memory_space<hbm>>, %arg6: memref<8x128xf32, #tpu.memory_space<hbm>>, %arg7: memref<2x5120x128xf32, #tpu.memory_space<hbm>>, %arg8: memref<250x80xi32, #tpu.memory_space<vmem>>, %arg9: memref<250x80xi32, #tpu.memory_space<vmem>>, %arg10: memref<80x128xf32, #tpu.memory_space<vmem>>, %arg11: memref<80x128xf32, #tpu.memory_space<vmem>>, %arg12: memref<8x128xf32, #tpu.memory_space<vmem>>, %arg13: memref<5120x128xf32, #tpu.memory_space<vmem_shared>>, %arg14: memref<!tpu.dma_semaphore, #tpu.memory_space<semaphore_mem>>, %arg15: memref<!tpu.dma_semaphore, #tpu.memory_space<semaphore_mem>>) attributes {dimension_semantics = [#tpu.dimension_semantics<core_parallel>, #tpu.dimension_semantics<subcore_parallel>], iteration_bounds = array<i64: 2, 16>, scalar_prefetch = 0 : i64, scratch_operands = 8 : i64, tpu.core_type = #tpu.core_type<sc_vector_subcore>, window_params = [{transform_indices = #map}, {transform_indices = #map1}, {transform_indices = #map2}, {transform_indices = #map}, {transform_indices = #map}, {transform_indices = #map1}]} {
    "tpu.region"() ({
      %run_scoped3A_39 = tpu.sem_alloc : memref<!tpu.dma_semaphore, #tpu.memory_space<semaphore_mem>>
      tpu.enqueue_dma source(%arg6 : memref<8x128xf32, #tpu.memory_space<hbm>>) target(%arg12 : memref<8x128xf32, #tpu.memory_space<vmem>>) target_semaphore(%run_scoped3A_39 : memref<!tpu.dma_semaphore, #tpu.memory_space<semaphore_mem>>)
      tpu.wait_dma2 semaphore(%run_scoped3A_39 : memref<!tpu.dma_semaphore, #tpu.memory_space<semaphore_mem>>) src(%arg6 : memref<8x128xf32, #tpu.memory_space<hbm>>) dst(%arg12 : memref<8x128xf32, #tpu.memory_space<vmem>>)
      tpu.yield
    }) : () -> ()
    %mul3A = arith.constant 320 : i32
    %mul3A_0 = arith.muli %arg1, %mul3A : i32
    %mul3A_1 = arith.constant 320 : i32
    %mul3A_2 = arith.muli %arg1, %mul3A_1 : i32
    "tpu.region"() ({
      %run_scoped3A_39 = tpu.sem_alloc : memref<!tpu.dma_semaphore, #tpu.memory_space<semaphore_mem>>
      %dma_start3A_40 = arith.constant 0 : i32
      %dma_start3A_41 = tpu.memref_slice %arg13[%mul3A_2, %dma_start3A_40] : memref<5120x128xf32, #tpu.memory_space<vmem_shared>> -> memref<320x128xf32, #tpu.memory_space<vmem_shared>>
      %dma_start3A_42 = arith.constant 0 : i32
      %dma_start3A_43 = tpu.memref_slice %arg5[%mul3A_0, %dma_start3A_42] : memref<5120x128xf32, #tpu.memory_space<hbm>> -> memref<320x128xf32, #tpu.memory_space<hbm>>
      tpu.enqueue_dma source(%dma_start3A_43 : memref<320x128xf32, #tpu.memory_space<hbm>>) target(%dma_start3A_41 : memref<320x128xf32, #tpu.memory_space<vmem_shared>>) target_semaphore(%run_scoped3A_39 : memref<!tpu.dma_semaphore, #tpu.memory_space<semaphore_mem>>)
      %dma_wait3A_44 = arith.constant 0 : i32
      %dma_wait3A_45 = tpu.memref_slice %arg13[%mul3A_2, %dma_wait3A_44] : memref<5120x128xf32, #tpu.memory_space<vmem_shared>> -> memref<320x128xf32, #tpu.memory_space<vmem_shared>>
      %dma_wait3A_46 = arith.constant 0 : i32
      %dma_wait3A_47 = tpu.memref_slice %arg5[%mul3A_0, %dma_wait3A_46] : memref<5120x128xf32, #tpu.memory_space<hbm>> -> memref<320x128xf32, #tpu.memory_space<hbm>>
      tpu.wait_dma2 semaphore(%run_scoped3A_39 : memref<!tpu.dma_semaphore, #tpu.memory_space<semaphore_mem>>) src(%dma_wait3A_47 : memref<320x128xf32, #tpu.memory_space<hbm>>) dst(%dma_wait3A_45 : memref<320x128xf32, #tpu.memory_space<vmem_shared>>)
      tpu.yield
    }) : () -> ()
    "tpu.region"() ({
      %run_scoped3A_39 = tpu.sem_alloc : memref<!tpu.dma_semaphore, #tpu.memory_space<semaphore_mem>>
      %dma_start3A_40 = arith.constant 0 : i32
      %dma_start3A_41 = arith.constant 0 : i32
      %dma_start3A_42 = tpu.memref_slice %arg3[%arg1, %dma_start3A_40, %dma_start3A_41] : memref<16x250x80xi32, #tpu.memory_space<hbm>> -> memref<1x250x80xi32, #tpu.memory_space<hbm>>
      %dma_start3A_43 = tpu.memref_squeeze %dma_start3A_42 : memref<1x250x80xi32, #tpu.memory_space<hbm>> -> memref<250x80xi32, #tpu.memory_space<hbm>>
      %dma_start3A_44 = arith.constant 0 : i32
      %dma_start3A_45 = arith.constant 0 : i32
      %dma_start3A_46 = tpu.memref_slice %arg3[%arg1, %dma_start3A_44, %dma_start3A_45] : memref<16x250x80xi32, #tpu.memory_space<hbm>> -> memref<1x250x80xi32, #tpu.memory_space<hbm>>
      %dma_start3A_47 = tpu.memref_squeeze %dma_start3A_46 : memref<1x250x80xi32, #tpu.memory_space<hbm>> -> memref<250x80xi32, #tpu.memory_space<hbm>>
      tpu.enqueue_dma source(%dma_start3A_47 : memref<250x80xi32, #tpu.memory_space<hbm>>) target(%arg8 : memref<250x80xi32, #tpu.memory_space<vmem>>) target_semaphore(%run_scoped3A_39 : memref<!tpu.dma_semaphore, #tpu.memory_space<semaphore_mem>>)
      %dma_wait3A_48 = arith.constant 0 : i32
      %dma_wait3A_49 = arith.constant 0 : i32
      %dma_wait3A_50 = tpu.memref_slice %arg3[%arg1, %dma_wait3A_48, %dma_wait3A_49] : memref<16x250x80xi32, #tpu.memory_space<hbm>> -> memref<1x250x80xi32, #tpu.memory_space<hbm>>
      %dma_wait3A_51 = tpu.memref_squeeze %dma_wait3A_50 : memref<1x250x80xi32, #tpu.memory_space<hbm>> -> memref<250x80xi32, #tpu.memory_space<hbm>>
      %dma_wait3A_52 = arith.constant 0 : i32
      %dma_wait3A_53 = arith.constant 0 : i32
      %dma_wait3A_54 = tpu.memref_slice %arg3[%arg1, %dma_wait3A_52, %dma_wait3A_53] : memref<16x250x80xi32, #tpu.memory_space<hbm>> -> memref<1x250x80xi32, #tpu.memory_space<hbm>>
      %dma_wait3A_55 = tpu.memref_squeeze %dma_wait3A_54 : memref<1x250x80xi32, #tpu.memory_space<hbm>> -> memref<250x80xi32, #tpu.memory_space<hbm>>
      tpu.wait_dma2 semaphore(%run_scoped3A_39 : memref<!tpu.dma_semaphore, #tpu.memory_space<semaphore_mem>>) src(%dma_wait3A_55 : memref<250x80xi32, #tpu.memory_space<hbm>>) dst(%arg8 : memref<250x80xi32, #tpu.memory_space<vmem>>)
      tpu.yield
    }) : () -> ()
    "tpu.region"() ({
      %run_scoped3A_39 = tpu.sem_alloc : memref<!tpu.dma_semaphore, #tpu.memory_space<semaphore_mem>>
      %dma_start3A_40 = arith.constant 0 : i32
      %dma_start3A_41 = arith.constant 0 : i32
      %dma_start3A_42 = tpu.memref_slice %arg4[%arg0, %arg1, %dma_start3A_40, %dma_start3A_41] : memref<2x16x250x80xi32, #tpu.memory_space<hbm>> -> memref<1x1x250x80xi32, #tpu.memory_space<hbm>>
      %dma_start3A_43 = tpu.memref_squeeze %dma_start3A_42 : memref<1x1x250x80xi32, #tpu.memory_space<hbm>> -> memref<250x80xi32, #tpu.memory_space<hbm>>
      %dma_start3A_44 = arith.constant 0 : i32
      %dma_start3A_45 = arith.constant 0 : i32
      %dma_start3A_46 = tpu.memref_slice %arg4[%arg0, %arg1, %dma_start3A_44, %dma_start3A_45] : memref<2x16x250x80xi32, #tpu.memory_space<hbm>> -> memref<1x1x250x80xi32, #tpu.memory_space<hbm>>
      %dma_start3A_47 = tpu.memref_squeeze %dma_start3A_46 : memref<1x1x250x80xi32, #tpu.memory_space<hbm>> -> memref<250x80xi32, #tpu.memory_space<hbm>>
      tpu.enqueue_dma source(%dma_start3A_47 : memref<250x80xi32, #tpu.memory_space<hbm>>) target(%arg9 : memref<250x80xi32, #tpu.memory_space<vmem>>) target_semaphore(%run_scoped3A_39 : memref<!tpu.dma_semaphore, #tpu.memory_space<semaphore_mem>>)
      %dma_wait3A_48 = arith.constant 0 : i32
      %dma_wait3A_49 = arith.constant 0 : i32
      %dma_wait3A_50 = tpu.memref_slice %arg4[%arg0, %arg1, %dma_wait3A_48, %dma_wait3A_49] : memref<2x16x250x80xi32, #tpu.memory_space<hbm>> -> memref<1x1x250x80xi32, #tpu.memory_space<hbm>>
      %dma_wait3A_51 = tpu.memref_squeeze %dma_wait3A_50 : memref<1x1x250x80xi32, #tpu.memory_space<hbm>> -> memref<250x80xi32, #tpu.memory_space<hbm>>
      %dma_wait3A_52 = arith.constant 0 : i32
      %dma_wait3A_53 = arith.constant 0 : i32
      %dma_wait3A_54 = tpu.memref_slice %arg4[%arg0, %arg1, %dma_wait3A_52, %dma_wait3A_53] : memref<2x16x250x80xi32, #tpu.memory_space<hbm>> -> memref<1x1x250x80xi32, #tpu.memory_space<hbm>>
      %dma_wait3A_55 = tpu.memref_squeeze %dma_wait3A_54 : memref<1x1x250x80xi32, #tpu.memory_space<hbm>> -> memref<250x80xi32, #tpu.memory_space<hbm>>
      tpu.wait_dma2 semaphore(%run_scoped3A_39 : memref<!tpu.dma_semaphore, #tpu.memory_space<semaphore_mem>>) src(%dma_wait3A_55 : memref<250x80xi32, #tpu.memory_space<hbm>>) dst(%arg9 : memref<250x80xi32, #tpu.memory_space<vmem>>)
      tpu.yield
    }) : () -> ()
    %barrier3A = arith.constant 0 : index
    tpu.barrier barrier_id(%barrier3A)
    %dma_start3A = arith.constant 0 : i32
    %dma_start3A_3 = arith.constant 0 : i32
    %dma_start3A_4 = tpu.memref_slice %arg8[%dma_start3A, %dma_start3A_3] : memref<250x80xi32, #tpu.memory_space<vmem>> -> memref<1x80xi32, #tpu.memory_space<vmem>>
    %dma_start3A_5 = tpu.memref_squeeze %dma_start3A_4 : memref<1x80xi32, #tpu.memory_space<vmem>> -> memref<80xi32, #tpu.memory_space<vmem>>
    %dma_start3A_6 = arith.constant 0 : i32
    %dma_start3A_7 = arith.constant 0 : i32
    %dma_start3A_8 = tpu.memref_slice %arg2[%dma_start3A_6, %dma_start3A_7] : memref<10000x128xf32, #tpu.memory_space<hbm>> -> memref<10000x128xf32, #tpu.memory_space<hbm>>
    tpu.enqueue_indirect_dma source(%dma_start3A_8 : memref<10000x128xf32, #tpu.memory_space<hbm>>) target(%arg10 : memref<80x128xf32, #tpu.memory_space<vmem>>) offsets(%dma_start3A_5 : memref<80xi32, #tpu.memory_space<vmem>>) semaphore(%arg14 : memref<!tpu.dma_semaphore, #tpu.memory_space<semaphore_mem>>)
    %dma_start3A_9 = arith.constant 1 : i32
    %dma_start3A_10 = arith.constant 0 : i32
    %dma_start3A_11 = tpu.memref_slice %arg8[%dma_start3A_9, %dma_start3A_10] : memref<250x80xi32, #tpu.memory_space<vmem>> -> memref<1x80xi32, #tpu.memory_space<vmem>>
    %dma_start3A_12 = tpu.memref_squeeze %dma_start3A_11 : memref<1x80xi32, #tpu.memory_space<vmem>> -> memref<80xi32, #tpu.memory_space<vmem>>
    %dma_start3A_13 = arith.constant 0 : i32
    %dma_start3A_14 = arith.constant 0 : i32
    %dma_start3A_15 = tpu.memref_slice %arg2[%dma_start3A_13, %dma_start3A_14] : memref<10000x128xf32, #tpu.memory_space<hbm>> -> memref<10000x128xf32, #tpu.memory_space<hbm>>
    tpu.enqueue_indirect_dma source(%dma_start3A_15 : memref<10000x128xf32, #tpu.memory_space<hbm>>) target(%arg11 : memref<80x128xf32, #tpu.memory_space<vmem>>) offsets(%dma_start3A_12 : memref<80xi32, #tpu.memory_space<vmem>>) semaphore(%arg15 : memref<!tpu.dma_semaphore, #tpu.memory_space<semaphore_mem>>)
    %scan3A = arith.constant 0 : i32
    %scan3A_16 = arith.constant 124 : i32
    %scan3A_17 = arith.addi %scan3A, %scan3A_16 : i32
    %scan3A_18 = arith.constant 1 : i32
    scf.for %scan3A_39 = %scan3A to %scan3A_17 step %scan3A_18  : i32 {
      %mul3A_40 = arith.constant 2 : i32
      %mul3A_41 = arith.muli %scan3A_39, %mul3A_40 : i32
      %dma_wait3A_42 = arith.constant 0 : i32
      %dma_wait3A_43 = tpu.memref_slice %arg8[%mul3A_41, %dma_wait3A_42] : memref<250x80xi32, #tpu.memory_space<vmem>> -> memref<1x80xi32, #tpu.memory_space<vmem>>
      %dma_wait3A_44 = tpu.memref_squeeze %dma_wait3A_43 : memref<1x80xi32, #tpu.memory_space<vmem>> -> memref<80xi32, #tpu.memory_space<vmem>>
      %dma_wait3A_45 = arith.constant 0 : i32
      %dma_wait3A_46 = arith.constant 0 : i32
      %dma_wait3A_47 = tpu.memref_slice %arg2[%dma_wait3A_45, %dma_wait3A_46] : memref<10000x128xf32, #tpu.memory_space<hbm>> -> memref<10000x128xf32, #tpu.memory_space<hbm>>
      tpu.wait_indirect_dma semaphore(%arg14 : memref<!tpu.dma_semaphore, #tpu.memory_space<semaphore_mem>>) src(%dma_wait3A_47 : memref<10000x128xf32, #tpu.memory_space<hbm>>) dst(%arg10 : memref<80x128xf32, #tpu.memory_space<vmem>>)
      "tpu.region"() ({
        %run_scoped3A_73 = tpu.sem_alloc : memref<!tpu.dma_semaphore, #tpu.memory_space<semaphore_mem>>
        %dma_start3A_74 = arith.constant 0 : i32
        %dma_start3A_75 = tpu.memref_slice %arg9[%mul3A_41, %dma_start3A_74] : memref<250x80xi32, #tpu.memory_space<vmem>> -> memref<1x80xi32, #tpu.memory_space<vmem>>
        %dma_start3A_76 = tpu.memref_squeeze %dma_start3A_75 : memref<1x80xi32, #tpu.memory_space<vmem>> -> memref<80xi32, #tpu.memory_space<vmem>>
        %dma_start3A_77 = arith.constant 0 : i32
        %dma_start3A_78 = arith.constant 0 : i32
        %dma_start3A_79 = tpu.memref_slice %arg13[%dma_start3A_77, %dma_start3A_78] : memref<5120x128xf32, #tpu.memory_space<vmem_shared>> -> memref<5120x128xf32, #tpu.memory_space<vmem_shared>>
        tpu.enqueue_indirect_dma source(%arg10 : memref<80x128xf32, #tpu.memory_space<vmem>>) target(%dma_start3A_79 : memref<5120x128xf32, #tpu.memory_space<vmem_shared>>) offsets(%dma_start3A_76 : memref<80xi32, #tpu.memory_space<vmem>>) semaphore(%run_scoped3A_73 : memref<!tpu.dma_semaphore, #tpu.memory_space<semaphore_mem>>) {add = true}
        %dma_wait3A_80 = arith.constant 0 : i32
        %dma_wait3A_81 = tpu.memref_slice %arg9[%mul3A_41, %dma_wait3A_80] : memref<250x80xi32, #tpu.memory_space<vmem>> -> memref<1x80xi32, #tpu.memory_space<vmem>>
        %dma_wait3A_82 = tpu.memref_squeeze %dma_wait3A_81 : memref<1x80xi32, #tpu.memory_space<vmem>> -> memref<80xi32, #tpu.memory_space<vmem>>
        %dma_wait3A_83 = arith.constant 0 : i32
        %dma_wait3A_84 = arith.constant 0 : i32
        %dma_wait3A_85 = tpu.memref_slice %arg13[%dma_wait3A_83, %dma_wait3A_84] : memref<5120x128xf32, #tpu.memory_space<vmem_shared>> -> memref<5120x128xf32, #tpu.memory_space<vmem_shared>>
        tpu.wait_indirect_dma semaphore(%run_scoped3A_73 : memref<!tpu.dma_semaphore, #tpu.memory_space<semaphore_mem>>) src(%arg10 : memref<80x128xf32, #tpu.memory_space<vmem>>) dst(%dma_wait3A_85 : memref<5120x128xf32, #tpu.memory_space<vmem_shared>>)
        tpu.yield
      }) : () -> ()
      %add3A = arith.constant 2 : i32
      %add3A_48 = arith.addi %mul3A_41, %add3A : i32
      %dma_start3A_49 = arith.constant 0 : i32
      %dma_start3A_50 = tpu.memref_slice %arg8[%add3A_48, %dma_start3A_49] : memref<250x80xi32, #tpu.memory_space<vmem>> -> memref<1x80xi32, #tpu.memory_space<vmem>>
      %dma_start3A_51 = tpu.memref_squeeze %dma_start3A_50 : memref<1x80xi32, #tpu.memory_space<vmem>> -> memref<80xi32, #tpu.memory_space<vmem>>
      %dma_start3A_52 = arith.constant 0 : i32
      %dma_start3A_53 = arith.constant 0 : i32
      %dma_start3A_54 = tpu.memref_slice %arg2[%dma_start3A_52, %dma_start3A_53] : memref<10000x128xf32, #tpu.memory_space<hbm>> -> memref<10000x128xf32, #tpu.memory_space<hbm>>
      tpu.enqueue_indirect_dma source(%dma_start3A_54 : memref<10000x128xf32, #tpu.memory_space<hbm>>) target(%arg10 : memref<80x128xf32, #tpu.memory_space<vmem>>) offsets(%dma_start3A_51 : memref<80xi32, #tpu.memory_space<vmem>>) semaphore(%arg14 : memref<!tpu.dma_semaphore, #tpu.memory_space<semaphore_mem>>)
      %add3A_55 = arith.constant 1 : i32
      %add3A_56 = arith.addi %mul3A_41, %add3A_55 : i32
      %dma_wait3A_57 = arith.constant 0 : i32
      %dma_wait3A_58 = tpu.memref_slice %arg8[%add3A_56, %dma_wait3A_57] : memref<250x80xi32, #tpu.memory_space<vmem>> -> memref<1x80xi32, #tpu.memory_space<vmem>>
      %dma_wait3A_59 = tpu.memref_squeeze %dma_wait3A_58 : memref<1x80xi32, #tpu.memory_space<vmem>> -> memref<80xi32, #tpu.memory_space<vmem>>
      %dma_wait3A_60 = arith.constant 0 : i32
      %dma_wait3A_61 = arith.constant 0 : i32
      %dma_wait3A_62 = tpu.memref_slice %arg2[%dma_wait3A_60, %dma_wait3A_61] : memref<10000x128xf32, #tpu.memory_space<hbm>> -> memref<10000x128xf32, #tpu.memory_space<hbm>>
      tpu.wait_indirect_dma semaphore(%arg15 : memref<!tpu.dma_semaphore, #tpu.memory_space<semaphore_mem>>) src(%dma_wait3A_62 : memref<10000x128xf32, #tpu.memory_space<hbm>>) dst(%arg11 : memref<80x128xf32, #tpu.memory_space<vmem>>)
      %add3A_63 = arith.constant 1 : i32
      %add3A_64 = arith.addi %mul3A_41, %add3A_63 : i32
      "tpu.region"() ({
        %run_scoped3A_73 = tpu.sem_alloc : memref<!tpu.dma_semaphore, #tpu.memory_space<semaphore_mem>>
        %dma_start3A_74 = arith.constant 0 : i32
        %dma_start3A_75 = tpu.memref_slice %arg9[%add3A_64, %dma_start3A_74] : memref<250x80xi32, #tpu.memory_space<vmem>> -> memref<1x80xi32, #tpu.memory_space<vmem>>
        %dma_start3A_76 = tpu.memref_squeeze %dma_start3A_75 : memref<1x80xi32, #tpu.memory_space<vmem>> -> memref<80xi32, #tpu.memory_space<vmem>>
        %dma_start3A_77 = arith.constant 0 : i32
        %dma_start3A_78 = arith.constant 0 : i32
        %dma_start3A_79 = tpu.memref_slice %arg13[%dma_start3A_77, %dma_start3A_78] : memref<5120x128xf32, #tpu.memory_space<vmem_shared>> -> memref<5120x128xf32, #tpu.memory_space<vmem_shared>>
        tpu.enqueue_indirect_dma source(%arg11 : memref<80x128xf32, #tpu.memory_space<vmem>>) target(%dma_start3A_79 : memref<5120x128xf32, #tpu.memory_space<vmem_shared>>) offsets(%dma_start3A_76 : memref<80xi32, #tpu.memory_space<vmem>>) semaphore(%run_scoped3A_73 : memref<!tpu.dma_semaphore, #tpu.memory_space<semaphore_mem>>) {add = true}
        %dma_wait3A_80 = arith.constant 0 : i32
        %dma_wait3A_81 = tpu.memref_slice %arg9[%add3A_64, %dma_wait3A_80] : memref<250x80xi32, #tpu.memory_space<vmem>> -> memref<1x80xi32, #tpu.memory_space<vmem>>
        %dma_wait3A_82 = tpu.memref_squeeze %dma_wait3A_81 : memref<1x80xi32, #tpu.memory_space<vmem>> -> memref<80xi32, #tpu.memory_space<vmem>>
        %dma_wait3A_83 = arith.constant 0 : i32
        %dma_wait3A_84 = arith.constant 0 : i32
        %dma_wait3A_85 = tpu.memref_slice %arg13[%dma_wait3A_83, %dma_wait3A_84] : memref<5120x128xf32, #tpu.memory_space<vmem_shared>> -> memref<5120x128xf32, #tpu.memory_space<vmem_shared>>
        tpu.wait_indirect_dma semaphore(%run_scoped3A_73 : memref<!tpu.dma_semaphore, #tpu.memory_space<semaphore_mem>>) src(%arg11 : memref<80x128xf32, #tpu.memory_space<vmem>>) dst(%dma_wait3A_85 : memref<5120x128xf32, #tpu.memory_space<vmem_shared>>)
        tpu.yield
      }) : () -> ()
      %add3A_65 = arith.constant 3 : i32
      %add3A_66 = arith.addi %mul3A_41, %add3A_65 : i32
      %dma_start3A_67 = arith.constant 0 : i32
      %dma_start3A_68 = tpu.memref_slice %arg8[%add3A_66, %dma_start3A_67] : memref<250x80xi32, #tpu.memory_space<vmem>> -> memref<1x80xi32, #tpu.memory_space<vmem>>
      %dma_start3A_69 = tpu.memref_squeeze %dma_start3A_68 : memref<1x80xi32, #tpu.memory_space<vmem>> -> memref<80xi32, #tpu.memory_space<vmem>>
      %dma_start3A_70 = arith.constant 0 : i32
      %dma_start3A_71 = arith.constant 0 : i32
      %dma_start3A_72 = tpu.memref_slice %arg2[%dma_start3A_70, %dma_start3A_71] : memref<10000x128xf32, #tpu.memory_space<hbm>> -> memref<10000x128xf32, #tpu.memory_space<hbm>>
      tpu.enqueue_indirect_dma source(%dma_start3A_72 : memref<10000x128xf32, #tpu.memory_space<hbm>>) target(%arg11 : memref<80x128xf32, #tpu.memory_space<vmem>>) offsets(%dma_start3A_69 : memref<80xi32, #tpu.memory_space<vmem>>) semaphore(%arg15 : memref<!tpu.dma_semaphore, #tpu.memory_space<semaphore_mem>>)
    }
    %scan3A_19 = arith.constant 124 : i32
    %dma_wait3A = arith.constant 248 : i32
    %dma_wait3A_20 = arith.constant 0 : i32
    %dma_wait3A_21 = tpu.memref_slice %arg8[%dma_wait3A, %dma_wait3A_20] : memref<250x80xi32, #tpu.memory_space<vmem>> -> memref<1x80xi32, #tpu.memory_space<vmem>>
    %dma_wait3A_22 = tpu.memref_squeeze %dma_wait3A_21 : memref<1x80xi32, #tpu.memory_space<vmem>> -> memref<80xi32, #tpu.memory_space<vmem>>
    %dma_wait3A_23 = arith.constant 0 : i32
    %dma_wait3A_24 = arith.constant 0 : i32
    %dma_wait3A_25 = tpu.memref_slice %arg2[%dma_wait3A_23, %dma_wait3A_24] : memref<10000x128xf32, #tpu.memory_space<hbm>> -> memref<10000x128xf32, #tpu.memory_space<hbm>>
    tpu.wait_indirect_dma semaphore(%arg14 : memref<!tpu.dma_semaphore, #tpu.memory_space<semaphore_mem>>) src(%dma_wait3A_25 : memref<10000x128xf32, #tpu.memory_space<hbm>>) dst(%arg10 : memref<80x128xf32, #tpu.memory_space<vmem>>)
    %run_scoped3A = arith.constant 248 : i32
    "tpu.region"() ({
      %run_scoped3A_39 = tpu.sem_alloc : memref<!tpu.dma_semaphore, #tpu.memory_space<semaphore_mem>>
      %dma_start3A_40 = arith.constant 0 : i32
      %dma_start3A_41 = tpu.memref_slice %arg9[%run_scoped3A, %dma_start3A_40] : memref<250x80xi32, #tpu.memory_space<vmem>> -> memref<1x80xi32, #tpu.memory_space<vmem>>
      %dma_start3A_42 = tpu.memref_squeeze %dma_start3A_41 : memref<1x80xi32, #tpu.memory_space<vmem>> -> memref<80xi32, #tpu.memory_space<vmem>>
      %dma_start3A_43 = arith.constant 0 : i32
      %dma_start3A_44 = arith.constant 0 : i32
      %dma_start3A_45 = tpu.memref_slice %arg13[%dma_start3A_43, %dma_start3A_44] : memref<5120x128xf32, #tpu.memory_space<vmem_shared>> -> memref<5120x128xf32, #tpu.memory_space<vmem_shared>>
      tpu.enqueue_indirect_dma source(%arg10 : memref<80x128xf32, #tpu.memory_space<vmem>>) target(%dma_start3A_45 : memref<5120x128xf32, #tpu.memory_space<vmem_shared>>) offsets(%dma_start3A_42 : memref<80xi32, #tpu.memory_space<vmem>>) semaphore(%run_scoped3A_39 : memref<!tpu.dma_semaphore, #tpu.memory_space<semaphore_mem>>) {add = true}
      %dma_wait3A_46 = arith.constant 0 : i32
      %dma_wait3A_47 = tpu.memref_slice %arg9[%run_scoped3A, %dma_wait3A_46] : memref<250x80xi32, #tpu.memory_space<vmem>> -> memref<1x80xi32, #tpu.memory_space<vmem>>
      %dma_wait3A_48 = tpu.memref_squeeze %dma_wait3A_47 : memref<1x80xi32, #tpu.memory_space<vmem>> -> memref<80xi32, #tpu.memory_space<vmem>>
      %dma_wait3A_49 = arith.constant 0 : i32
      %dma_wait3A_50 = arith.constant 0 : i32
      %dma_wait3A_51 = tpu.memref_slice %arg13[%dma_wait3A_49, %dma_wait3A_50] : memref<5120x128xf32, #tpu.memory_space<vmem_shared>> -> memref<5120x128xf32, #tpu.memory_space<vmem_shared>>
      tpu.wait_indirect_dma semaphore(%run_scoped3A_39 : memref<!tpu.dma_semaphore, #tpu.memory_space<semaphore_mem>>) src(%arg10 : memref<80x128xf32, #tpu.memory_space<vmem>>) dst(%dma_wait3A_51 : memref<5120x128xf32, #tpu.memory_space<vmem_shared>>)
      tpu.yield
    }) : () -> ()
    %dma_wait3A_26 = arith.constant 249 : i32
    %dma_wait3A_27 = arith.constant 0 : i32
    %dma_wait3A_28 = tpu.memref_slice %arg8[%dma_wait3A_26, %dma_wait3A_27] : memref<250x80xi32, #tpu.memory_space<vmem>> -> memref<1x80xi32, #tpu.memory_space<vmem>>
    %dma_wait3A_29 = tpu.memref_squeeze %dma_wait3A_28 : memref<1x80xi32, #tpu.memory_space<vmem>> -> memref<80xi32, #tpu.memory_space<vmem>>
    %dma_wait3A_30 = arith.constant 0 : i32
    %dma_wait3A_31 = arith.constant 0 : i32
    %dma_wait3A_32 = tpu.memref_slice %arg2[%dma_wait3A_30, %dma_wait3A_31] : memref<10000x128xf32, #tpu.memory_space<hbm>> -> memref<10000x128xf32, #tpu.memory_space<hbm>>
    tpu.wait_indirect_dma semaphore(%arg15 : memref<!tpu.dma_semaphore, #tpu.memory_space<semaphore_mem>>) src(%dma_wait3A_32 : memref<10000x128xf32, #tpu.memory_space<hbm>>) dst(%arg11 : memref<80x128xf32, #tpu.memory_space<vmem>>)
    %run_scoped3A_33 = arith.constant 249 : i32
    "tpu.region"() ({
      %run_scoped3A_39 = tpu.sem_alloc : memref<!tpu.dma_semaphore, #tpu.memory_space<semaphore_mem>>
      %dma_start3A_40 = arith.constant 0 : i32
      %dma_start3A_41 = tpu.memref_slice %arg9[%run_scoped3A_33, %dma_start3A_40] : memref<250x80xi32, #tpu.memory_space<vmem>> -> memref<1x80xi32, #tpu.memory_space<vmem>>
      %dma_start3A_42 = tpu.memref_squeeze %dma_start3A_41 : memref<1x80xi32, #tpu.memory_space<vmem>> -> memref<80xi32, #tpu.memory_space<vmem>>
      %dma_start3A_43 = arith.constant 0 : i32
      %dma_start3A_44 = arith.constant 0 : i32
      %dma_start3A_45 = tpu.memref_slice %arg13[%dma_start3A_43, %dma_start3A_44] : memref<5120x128xf32, #tpu.memory_space<vmem_shared>> -> memref<5120x128xf32, #tpu.memory_space<vmem_shared>>
      tpu.enqueue_indirect_dma source(%arg11 : memref<80x128xf32, #tpu.memory_space<vmem>>) target(%dma_start3A_45 : memref<5120x128xf32, #tpu.memory_space<vmem_shared>>) offsets(%dma_start3A_42 : memref<80xi32, #tpu.memory_space<vmem>>) semaphore(%run_scoped3A_39 : memref<!tpu.dma_semaphore, #tpu.memory_space<semaphore_mem>>) {add = true}
      %dma_wait3A_46 = arith.constant 0 : i32
      %dma_wait3A_47 = tpu.memref_slice %arg9[%run_scoped3A_33, %dma_wait3A_46] : memref<250x80xi32, #tpu.memory_space<vmem>> -> memref<1x80xi32, #tpu.memory_space<vmem>>
      %dma_wait3A_48 = tpu.memref_squeeze %dma_wait3A_47 : memref<1x80xi32, #tpu.memory_space<vmem>> -> memref<80xi32, #tpu.memory_space<vmem>>
      %dma_wait3A_49 = arith.constant 0 : i32
      %dma_wait3A_50 = arith.constant 0 : i32
      %dma_wait3A_51 = tpu.memref_slice %arg13[%dma_wait3A_49, %dma_wait3A_50] : memref<5120x128xf32, #tpu.memory_space<vmem_shared>> -> memref<5120x128xf32, #tpu.memory_space<vmem_shared>>
      tpu.wait_indirect_dma semaphore(%run_scoped3A_39 : memref<!tpu.dma_semaphore, #tpu.memory_space<semaphore_mem>>) src(%arg11 : memref<80x128xf32, #tpu.memory_space<vmem>>) dst(%dma_wait3A_51 : memref<5120x128xf32, #tpu.memory_space<vmem_shared>>)
      tpu.yield
    }) : () -> ()
    %barrier3A_34 = arith.constant 0 : index
    tpu.barrier barrier_id(%barrier3A_34)
    %mul3A_35 = arith.constant 320 : i32
    %mul3A_36 = arith.muli %arg1, %mul3A_35 : i32
    %mul3A_37 = arith.constant 320 : i32
    %mul3A_38 = arith.muli %arg1, %mul3A_37 : i32
    "tpu.region"() ({
      %run_scoped3A_39 = tpu.sem_alloc : memref<!tpu.dma_semaphore, #tpu.memory_space<semaphore_mem>>
      %dma_start3A_40 = arith.constant 0 : i32
      %dma_start3A_41 = tpu.memref_slice %arg7[%arg0, %mul3A_38, %dma_start3A_40] : memref<2x5120x128xf32, #tpu.memory_space<hbm>> -> memref<1x320x128xf32, #tpu.memory_space<hbm>>
      %dma_start3A_42 = tpu.memref_squeeze %dma_start3A_41 : memref<1x320x128xf32, #tpu.memory_space<hbm>> -> memref<320x128xf32, #tpu.memory_space<hbm>>
      %dma_start3A_43 = arith.constant 0 : i32
      %dma_start3A_44 = tpu.memref_slice %arg13[%mul3A_36, %dma_start3A_43] : memref<5120x128xf32, #tpu.memory_space<vmem_shared>> -> memref<320x128xf32, #tpu.memory_space<vmem_shared>>
      tpu.enqueue_dma source(%dma_start3A_44 : memref<320x128xf32, #tpu.memory_space<vmem_shared>>) target(%dma_start3A_42 : memref<320x128xf32, #tpu.memory_space<hbm>>) target_semaphore(%run_scoped3A_39 : memref<!tpu.dma_semaphore, #tpu.memory_space<semaphore_mem>>)
      %dma_wait3A_45 = arith.constant 0 : i32
      %dma_wait3A_46 = tpu.memref_slice %arg7[%arg0, %mul3A_38, %dma_wait3A_45] : memref<2x5120x128xf32, #tpu.memory_space<hbm>> -> memref<1x320x128xf32, #tpu.memory_space<hbm>>
      %dma_wait3A_47 = tpu.memref_squeeze %dma_wait3A_46 : memref<1x320x128xf32, #tpu.memory_space<hbm>> -> memref<320x128xf32, #tpu.memory_space<hbm>>
      %dma_wait3A_48 = arith.constant 0 : i32
      %dma_wait3A_49 = tpu.memref_slice %arg13[%mul3A_36, %dma_wait3A_48] : memref<5120x128xf32, #tpu.memory_space<vmem_shared>> -> memref<320x128xf32, #tpu.memory_space<vmem_shared>>
      tpu.wait_dma2 semaphore(%run_scoped3A_39 : memref<!tpu.dma_semaphore, #tpu.memory_space<semaphore_mem>>) src(%dma_wait3A_49 : memref<320x128xf32, #tpu.memory_space<vmem_shared>>) dst(%dma_wait3A_47 : memref<320x128xf32, #tpu.memory_space<hbm>>)
      tpu.yield
    }) : () -> ()
    return
  }
}

module attributes {stable_mosaic.version = 14 : i64} {
  func.func @_tc_dis_body(%arg0: i32, %arg1: memref<1000x1xf32, #tpu.memory_space<vmem>>, %arg2: memref<1000x128xf32, #tpu.memory_space<vmem>>, %arg3: memref<1000x1xf32, #tpu.memory_space<vmem>>, %arg4: memref<1000x128xf32, #tpu.memory_space<vmem>>) attributes {dimension_semantics = [#tpu.dimension_semantics<arbitrary>], iteration_bounds = array<i64: 10>, scalar_prefetch = 0 : i64, scratch_operands = 0 : i64, tpu.core_type = #tpu.core_type<tc>, window_params = [{transform_indices = @transform_0, window_bounds = array<i64: 1000, 1>}, {transform_indices = @transform_1, window_bounds = array<i64: 1000, 128>}, {transform_indices = @transform_2, window_bounds = array<i64: 1000, 1>}, {transform_indices = @transform_3, window_bounds = array<i64: 1000, 128>}]} {
    %get3A = arith.constant 0 : index
    %get3A_0 = arith.constant 0 : index
    %get3A_1 = vector.load %arg1[%get3A, %get3A_0] : memref<1000x1xf32, #tpu.memory_space<vmem>>, vector<1000x1xf32>
    %sqrt3A = math.sqrt %get3A_1 : vector<1000x1xf32>
    %swap3A = arith.constant 0 : index
    %swap3A_2 = arith.constant 0 : index
    %swap3A_3 = vector.load %arg3[%swap3A, %swap3A_2] : memref<1000x1xf32, #tpu.memory_space<vmem>>, vector<1000x1xf32>
    tpu.vector_store %arg3[%swap3A, %swap3A_2], %sqrt3A {strides = array<i32>} : memref<1000x1xf32, #tpu.memory_space<vmem>>, vector<1000x1xf32>,
    %get3A_4 = arith.constant 0 : index
    %get3A_5 = arith.constant 0 : index
    %get3A_6 = vector.load %arg2[%get3A_4, %get3A_5] : memref<1000x128xf32, #tpu.memory_space<vmem>>, vector<1000x128xf32>
    %mul3A = vector.broadcast %sqrt3A : vector<1000x1xf32> to vector<1000x128xf32>
    %mul3A_7 = arith.mulf %get3A_6, %mul3A : vector<1000x128xf32>
    %swap3A_8 = arith.constant 0 : index
    %swap3A_9 = arith.constant 0 : index
    %swap3A_10 = vector.load %arg4[%swap3A_8, %swap3A_9] : memref<1000x128xf32, #tpu.memory_space<vmem>>, vector<1000x128xf32>
    tpu.vector_store %arg4[%swap3A_8, %swap3A_9], %mul3A_7 {strides = array<i32>} : memref<1000x128xf32, #tpu.memory_space<vmem>>, vector<1000x128xf32>,
    return
  }
  func.func @transform_0(%arg0: i32) -> (i32, i32) {
    %c0_i32 = arith.constant 0 : i32
    %c0_i32_0 = arith.constant 0 : i32
    return %arg0, %c0_i32 : i32, i32
  }
  func.func @transform_1(%arg0: i32) -> (i32, i32) {
    %c0_i32 = arith.constant 0 : i32
    %c0_i32_0 = arith.constant 0 : i32
    return %arg0, %c0_i32 : i32, i32
  }
  func.func @transform_2(%arg0: i32) -> (i32, i32) {
    %c0_i32 = arith.constant 0 : i32
    %c0_i32_0 = arith.constant 0 : i32
    return %arg0, %c0_i32 : i32, i32
  }
  func.func @transform_3(%arg0: i32) -> (i32, i32) {
    %c0_i32 = arith.constant 0 : i32
    %c0_i32_0 = arith.constant 0 : i32
    return %arg0, %c0_i32 : i32, i32
  }
}

module attributes {stable_mosaic.version = 14 : i64} {
  func.func @_tc_scale_body(%arg0: i32, %arg1: memref<4000x1xf32, #tpu.memory_space<vmem>>, %arg2: memref<4000x128xf32, #tpu.memory_space<vmem>>, %arg3: memref<4000x128xf32, #tpu.memory_space<vmem>>) attributes {dimension_semantics = [#tpu.dimension_semantics<arbitrary>], iteration_bounds = array<i64: 80>, scalar_prefetch = 0 : i64, scratch_operands = 0 : i64, tpu.core_type = #tpu.core_type<tc>, window_params = [{transform_indices = @transform_0, window_bounds = array<i64: 4000, 1>}, {transform_indices = @transform_1, window_bounds = array<i64: 4000, 128>}, {transform_indices = @transform_2, window_bounds = array<i64: 4000, 128>}]} {
    %get3A = arith.constant 0 : index
    %get3A_0 = arith.constant 0 : index
    %get3A_1 = vector.load %arg1[%get3A, %get3A_0] : memref<4000x1xf32, #tpu.memory_space<vmem>>, vector<4000x1xf32>
    %get3A_2 = arith.constant 0 : index
    %get3A_3 = arith.constant 0 : index
    %get3A_4 = vector.load %arg2[%get3A_2, %get3A_3] : memref<4000x128xf32, #tpu.memory_space<vmem>>, vector<4000x128xf32>
    %mul3A = vector.broadcast %get3A_1 : vector<4000x1xf32> to vector<4000x128xf32>
    %mul3A_5 = arith.mulf %mul3A, %get3A_4 : vector<4000x128xf32>
    %swap3A = arith.constant 0 : index
    %swap3A_6 = arith.constant 0 : index
    %swap3A_7 = vector.load %arg3[%swap3A, %swap3A_6] : memref<4000x128xf32, #tpu.memory_space<vmem>>, vector<4000x128xf32>
    tpu.vector_store %arg3[%swap3A, %swap3A_6], %mul3A_5 {strides = array<i32>} : memref<4000x128xf32, #tpu.memory_space<vmem>>, vector<4000x128xf32>,
    return
  }
  func.func @transform_0(%arg0: i32) -> (i32, i32) {
    %c0_i32 = arith.constant 0 : i32
    %c0_i32_0 = arith.constant 0 : i32
    return %arg0, %c0_i32 : i32, i32
  }
  func.func @transform_1(%arg0: i32) -> (i32, i32) {
    %c0_i32 = arith.constant 0 : i32
    %c0_i32_0 = arith.constant 0 : i32
    return %arg0, %c0_i32 : i32, i32
  }
  func.func @transform_2(%arg0: i32) -> (i32, i32) {
    %c0_i32 = arith.constant 0 : i32
    %c0_i32_0 = arith.constant 0 : i32
    return %arg0, %c0_i32 : i32, i32
  }
}

module attributes {stable_mosaic.version = 14 : i64} {
  func.func @_tc_mlp_body(%arg0: i32, %arg1: memref<1000x128xf32, #tpu.memory_space<vmem>>, %arg2: memref<1000x128xf32, #tpu.memory_space<vmem>>, %arg3: memref<1000x128xf32, #tpu.memory_space<vmem>>, %arg4: memref<1000x1xf32, #tpu.memory_space<vmem>>, %arg5: memref<384x256xf32, #tpu.memory_space<vmem>>, %arg6: memref<1x256xf32, #tpu.memory_space<vmem>>, %arg7: memref<256x128xf32, #tpu.memory_space<vmem>>, %arg8: memref<1x128xf32, #tpu.memory_space<vmem>>, %arg9: memref<1000x128xf32, #tpu.memory_space<vmem>>, %arg10: memref<1000x128xf32, #tpu.memory_space<vmem>>) attributes {dimension_semantics = [#tpu.dimension_semantics<arbitrary>], iteration_bounds = array<i64: 10>, scalar_prefetch = 0 : i64, scratch_operands = 0 : i64, tpu.core_type = #tpu.core_type<tc>, window_params = [{transform_indices = @transform_0, window_bounds = array<i64: 1000, 128>}, {transform_indices = @transform_1, window_bounds = array<i64: 1000, 128>}, {transform_indices = @transform_2, window_bounds = array<i64: 1000, 128>}, {transform_indices = @transform_3, window_bounds = array<i64: 1000, 1>}, {pipeline_mode = #tpu.pipeline_mode<synchronous>, transform_indices = @transform_4, window_bounds = array<i64: 384, 256>}, {pipeline_mode = #tpu.pipeline_mode<synchronous>, transform_indices = @transform_5, window_bounds = array<i64: 1, 256>}, {pipeline_mode = #tpu.pipeline_mode<synchronous>, transform_indices = @transform_6, window_bounds = array<i64: 256, 128>}, {pipeline_mode = #tpu.pipeline_mode<synchronous>, transform_indices = @transform_7, window_bounds = array<i64: 1, 128>}, {transform_indices = @transform_8, window_bounds = array<i64: 1000, 128>}, {transform_indices = @transform_9, window_bounds = array<i64: 1000, 128>}]} {
    %get3A = arith.constant 0 : index
    %get3A_0 = arith.constant 0 : index
    %get3A_1 = vector.load %arg4[%get3A, %get3A_0] : memref<1000x1xf32, #tpu.memory_space<vmem>>, vector<1000x1xf32>
    %get3A_2 = arith.constant 0 : index
    %get3A_3 = arith.constant 0 : index
    %get3A_4 = vector.load %arg2[%get3A_2, %get3A_3] : memref<1000x128xf32, #tpu.memory_space<vmem>>, vector<1000x128xf32>
    %mul3A = vector.broadcast %get3A_1 : vector<1000x1xf32> to vector<1000x128xf32>
    %mul3A_5 = arith.mulf %get3A_4, %mul3A : vector<1000x128xf32>
    %get3A_6 = arith.constant 0 : index
    %get3A_7 = arith.constant 0 : index
    %get3A_8 = vector.load %arg3[%get3A_6, %get3A_7] : memref<1000x128xf32, #tpu.memory_space<vmem>>, vector<1000x128xf32>
    %mul3A_9 = vector.broadcast %get3A_1 : vector<1000x1xf32> to vector<1000x128xf32>
    %mul3A_10 = arith.mulf %get3A_8, %mul3A_9 : vector<1000x128xf32>
    %get3A_11 = arith.constant 0 : index
    %get3A_12 = arith.constant 0 : index
    %get3A_13 = vector.load %arg1[%get3A_11, %get3A_12] : memref<1000x128xf32, #tpu.memory_space<vmem>>, vector<1000x128xf32>
    %concatenate3A = tpu.concatenate %get3A_13, %mul3A_5, %mul3A_10 in 1 : vector<1000x128xf32>, vector<1000x128xf32>, vector<1000x128xf32> -> vector<1000x384xf32>
    %get3A_14 = arith.constant 0 : index
    %get3A_15 = arith.constant 0 : index
    %get3A_16 = vector.load %arg5[%get3A_14, %get3A_15] : memref<384x256xf32, #tpu.memory_space<vmem>>, vector<384x256xf32>
    %dot_general3A = arith.constant dense<0.000000e+00> : vector<1000x256xf32>
    %dot_general3A_17 = tpu.matmul %concatenate3A, %get3A_16, %dot_general3A {dimension_numbers = #tpu.dot_dimension_numbers<[1], [0], [0], [1], [0, 0, 1, 1], [], []>, transpose_lhs_hint = false} : vector<1000x384xf32>, vector<384x256xf32>, vector<1000x256xf32> -> vector<1000x256xf32>
    %get3A_18 = arith.constant 0 : index
    %get3A_19 = arith.constant 0 : index
    %get3A_20 = vector.load %arg6[%get3A_18, %get3A_19] : memref<1x256xf32, #tpu.memory_space<vmem>>, vector<1x256xf32>
    %add3A = vector.broadcast %get3A_20 : vector<1x256xf32> to vector<1000x256xf32>
    %add3A_21 = arith.addf %dot_general3A_17, %add3A : vector<1000x256xf32>
    %mul3A_22 = arith.constant 5.000000e-01 : f32
    %mul3A_23 = vector.broadcast %mul3A_22 : f32 to vector<1000x256xf32>
    %mul3A_24 = arith.mulf %mul3A_23, %add3A_21 : vector<1000x256xf32>
    %mul3A_25 = arith.constant 0.707106769 : f32
    %mul3A_26 = vector.broadcast %mul3A_25 : f32 to vector<1000x256xf32>
    %mul3A_27 = arith.mulf %add3A_21, %mul3A_26 : vector<1000x256xf32>
    %erf3A = math.erf %mul3A_27 : vector<1000x256xf32>
    %add3A_28 = arith.constant 1.000000e+00 : f32
    %add3A_29 = vector.broadcast %add3A_28 : f32 to vector<1000x256xf32>
    %add3A_30 = arith.addf %add3A_29, %erf3A : vector<1000x256xf32>
    %mul3A_31 = arith.mulf %mul3A_24, %add3A_30 : vector<1000x256xf32>
    %get3A_32 = arith.constant 0 : index
    %get3A_33 = arith.constant 0 : index
    %get3A_34 = vector.load %arg7[%get3A_32, %get3A_33] : memref<256x128xf32, #tpu.memory_space<vmem>>, vector<256x128xf32>
    %dot_general3A_35 = arith.constant dense<0.000000e+00> : vector<1000x128xf32>
    %dot_general3A_36 = tpu.matmul %mul3A_31, %get3A_34, %dot_general3A_35 {dimension_numbers = #tpu.dot_dimension_numbers<[1], [0], [0], [1], [0, 0, 1, 1], [], []>, transpose_lhs_hint = false} : vector<1000x256xf32>, vector<256x128xf32>, vector<1000x128xf32> -> vector<1000x128xf32>
    %get3A_37 = arith.constant 0 : index
    %get3A_38 = arith.constant 0 : index
    %get3A_39 = vector.load %arg8[%get3A_37, %get3A_38] : memref<1x128xf32, #tpu.memory_space<vmem>>, vector<1x128xf32>
    %add3A_40 = vector.broadcast %get3A_39 : vector<1x128xf32> to vector<1000x128xf32>
    %add3A_41 = arith.addf %dot_general3A_36, %add3A_40 : vector<1000x128xf32>
    %swap3A = arith.constant 0 : index
    %swap3A_42 = arith.constant 0 : index
    %swap3A_43 = vector.load %arg9[%swap3A, %swap3A_42] : memref<1000x128xf32, #tpu.memory_space<vmem>>, vector<1000x128xf32>
    tpu.vector_store %arg9[%swap3A, %swap3A_42], %add3A_41 {strides = array<i32>} : memref<1000x128xf32, #tpu.memory_space<vmem>>, vector<1000x128xf32>,
    %mul3A_44 = vector.broadcast %get3A_1 : vector<1000x1xf32> to vector<1000x128xf32>
    %mul3A_45 = arith.mulf %add3A_41, %mul3A_44 : vector<1000x128xf32>
    %swap3A_46 = arith.constant 0 : index
    %swap3A_47 = arith.constant 0 : index
    %swap3A_48 = vector.load %arg10[%swap3A_46, %swap3A_47] : memref<1000x128xf32, #tpu.memory_space<vmem>>, vector<1000x128xf32>
    tpu.vector_store %arg10[%swap3A_46, %swap3A_47], %mul3A_45 {strides = array<i32>} : memref<1000x128xf32, #tpu.memory_space<vmem>>, vector<1000x128xf32>,
    return
  }
  func.func @transform_0(%arg0: i32) -> (i32, i32) {
    %c0_i32 = arith.constant 0 : i32
    %c0_i32_0 = arith.constant 0 : i32
    return %arg0, %c0_i32 : i32, i32
  }
  func.func @transform_1(%arg0: i32) -> (i32, i32) {
    %c0_i32 = arith.constant 0 : i32
    %c0_i32_0 = arith.constant 0 : i32
    return %arg0, %c0_i32 : i32, i32
  }
  func.func @transform_2(%arg0: i32) -> (i32, i32) {
    %c0_i32 = arith.constant 0 : i32
    %c0_i32_0 = arith.constant 0 : i32
    return %arg0, %c0_i32 : i32, i32
  }
  func.func @transform_3(%arg0: i32) -> (i32, i32) {
    %c0_i32 = arith.constant 0 : i32
    %c0_i32_0 = arith.constant 0 : i32
    return %arg0, %c0_i32 : i32, i32
  }
  func.func @transform_4(%arg0: i32) -> (i32, i32) {
    %c0_i32 = arith.constant 0 : i32
    %c0_i32_0 = arith.constant 0 : i32
    %c0_i32_1 = arith.constant 0 : i32
    return %c0_i32, %c0_i32_0 : i32, i32
  }
  func.func @transform_5(%arg0: i32) -> (i32, i32) {
    %c0_i32 = arith.constant 0 : i32
    %c0_i32_0 = arith.constant 0 : i32
    %c0_i32_1 = arith.constant 0 : i32
    return %c0_i32, %c0_i32_0 : i32, i32
  }
  func.func @transform_6(%arg0: i32) -> (i32, i32) {
    %c0_i32 = arith.constant 0 : i32
    %c0_i32_0 = arith.constant 0 : i32
    %c0_i32_1 = arith.constant 0 : i32
    return %c0_i32, %c0_i32_0 : i32, i32
  }
  func.func @transform_7(%arg0: i32) -> (i32, i32) {
    %c0_i32 = arith.constant 0 : i32
    %c0_i32_0 = arith.constant 0 : i32
    %c0_i32_1 = arith.constant 0 : i32
    return %c0_i32, %c0_i32_0 : i32, i32
  }
  func.func @transform_8(%arg0: i32) -> (i32, i32) {
    %c0_i32 = arith.constant 0 : i32
    %c0_i32_0 = arith.constant 0 : i32
    return %arg0, %c0_i32 : i32, i32
  }
  func.func @transform_9(%arg0: i32) -> (i32, i32) {
    %c0_i32 = arith.constant 0 : i32
    %c0_i32_0 = arith.constant 0 : i32
    return %arg0, %c0_i32 : i32, i32
  }
}

module attributes {stable_mosaic.version = 14 : i64} {
  func.func @_tc_mlp_body(%arg0: i32, %arg1: memref<1000x128xf32, #tpu.memory_space<vmem>>, %arg2: memref<1000x128xf32, #tpu.memory_space<vmem>>, %arg3: memref<1000x128xf32, #tpu.memory_space<vmem>>, %arg4: memref<1000x1xf32, #tpu.memory_space<vmem>>, %arg5: memref<384x256xf32, #tpu.memory_space<vmem>>, %arg6: memref<1x256xf32, #tpu.memory_space<vmem>>, %arg7: memref<256x128xf32, #tpu.memory_space<vmem>>, %arg8: memref<1x128xf32, #tpu.memory_space<vmem>>, %arg9: memref<1000x128xf32, #tpu.memory_space<vmem>>, %arg10: memref<1000x128xf32, #tpu.memory_space<vmem>>) attributes {dimension_semantics = [#tpu.dimension_semantics<arbitrary>], iteration_bounds = array<i64: 10>, scalar_prefetch = 0 : i64, scratch_operands = 0 : i64, tpu.core_type = #tpu.core_type<tc>, window_params = [{transform_indices = @transform_0, window_bounds = array<i64: 1000, 128>}, {transform_indices = @transform_1, window_bounds = array<i64: 1000, 128>}, {transform_indices = @transform_2, window_bounds = array<i64: 1000, 128>}, {transform_indices = @transform_3, window_bounds = array<i64: 1000, 1>}, {pipeline_mode = #tpu.pipeline_mode<synchronous>, transform_indices = @transform_4, window_bounds = array<i64: 384, 256>}, {pipeline_mode = #tpu.pipeline_mode<synchronous>, transform_indices = @transform_5, window_bounds = array<i64: 1, 256>}, {pipeline_mode = #tpu.pipeline_mode<synchronous>, transform_indices = @transform_6, window_bounds = array<i64: 256, 128>}, {pipeline_mode = #tpu.pipeline_mode<synchronous>, transform_indices = @transform_7, window_bounds = array<i64: 1, 128>}, {transform_indices = @transform_8, window_bounds = array<i64: 1000, 128>}, {transform_indices = @transform_9, window_bounds = array<i64: 1000, 128>}]} {
    %get3A = arith.constant 0 : index
    %get3A_0 = arith.constant 0 : index
    %get3A_1 = vector.load %arg4[%get3A, %get3A_0] : memref<1000x1xf32, #tpu.memory_space<vmem>>, vector<1000x1xf32>
    %get3A_2 = arith.constant 0 : index
    %get3A_3 = arith.constant 0 : index
    %get3A_4 = vector.load %arg2[%get3A_2, %get3A_3] : memref<1000x128xf32, #tpu.memory_space<vmem>>, vector<1000x128xf32>
    %mul3A = vector.broadcast %get3A_1 : vector<1000x1xf32> to vector<1000x128xf32>
    %mul3A_5 = arith.mulf %get3A_4, %mul3A : vector<1000x128xf32>
    %get3A_6 = arith.constant 0 : index
    %get3A_7 = arith.constant 0 : index
    %get3A_8 = vector.load %arg3[%get3A_6, %get3A_7] : memref<1000x128xf32, #tpu.memory_space<vmem>>, vector<1000x128xf32>
    %mul3A_9 = vector.broadcast %get3A_1 : vector<1000x1xf32> to vector<1000x128xf32>
    %mul3A_10 = arith.mulf %get3A_8, %mul3A_9 : vector<1000x128xf32>
    %get3A_11 = arith.constant 0 : index
    %get3A_12 = arith.constant 0 : index
    %get3A_13 = vector.load %arg1[%get3A_11, %get3A_12] : memref<1000x128xf32, #tpu.memory_space<vmem>>, vector<1000x128xf32>
    %concatenate3A = tpu.concatenate %get3A_13, %mul3A_5, %mul3A_10 in 1 : vector<1000x128xf32>, vector<1000x128xf32>, vector<1000x128xf32> -> vector<1000x384xf32>
    %get3A_14 = arith.constant 0 : index
    %get3A_15 = arith.constant 0 : index
    %get3A_16 = vector.load %arg5[%get3A_14, %get3A_15] : memref<384x256xf32, #tpu.memory_space<vmem>>, vector<384x256xf32>
    %dot_general3A = arith.constant dense<0.000000e+00> : vector<1000x256xf32>
    %dot_general3A_17 = tpu.matmul %concatenate3A, %get3A_16, %dot_general3A {dimension_numbers = #tpu.dot_dimension_numbers<[1], [0], [0], [1], [0, 0, 1, 1], [], []>, transpose_lhs_hint = false} : vector<1000x384xf32>, vector<384x256xf32>, vector<1000x256xf32> -> vector<1000x256xf32>
    %get3A_18 = arith.constant 0 : index
    %get3A_19 = arith.constant 0 : index
    %get3A_20 = vector.load %arg6[%get3A_18, %get3A_19] : memref<1x256xf32, #tpu.memory_space<vmem>>, vector<1x256xf32>
    %add3A = vector.broadcast %get3A_20 : vector<1x256xf32> to vector<1000x256xf32>
    %add3A_21 = arith.addf %dot_general3A_17, %add3A : vector<1000x256xf32>
    %mul3A_22 = arith.constant 5.000000e-01 : f32
    %mul3A_23 = vector.broadcast %mul3A_22 : f32 to vector<1000x256xf32>
    %mul3A_24 = arith.mulf %mul3A_23, %add3A_21 : vector<1000x256xf32>
    %mul3A_25 = arith.constant 0.707106769 : f32
    %mul3A_26 = vector.broadcast %mul3A_25 : f32 to vector<1000x256xf32>
    %mul3A_27 = arith.mulf %add3A_21, %mul3A_26 : vector<1000x256xf32>
    %erf3A = math.erf %mul3A_27 : vector<1000x256xf32>
    %add3A_28 = arith.constant 1.000000e+00 : f32
    %add3A_29 = vector.broadcast %add3A_28 : f32 to vector<1000x256xf32>
    %add3A_30 = arith.addf %add3A_29, %erf3A : vector<1000x256xf32>
    %mul3A_31 = arith.mulf %mul3A_24, %add3A_30 : vector<1000x256xf32>
    %get3A_32 = arith.constant 0 : index
    %get3A_33 = arith.constant 0 : index
    %get3A_34 = vector.load %arg7[%get3A_32, %get3A_33] : memref<256x128xf32, #tpu.memory_space<vmem>>, vector<256x128xf32>
    %dot_general3A_35 = arith.constant dense<0.000000e+00> : vector<1000x128xf32>
    %dot_general3A_36 = tpu.matmul %mul3A_31, %get3A_34, %dot_general3A_35 {dimension_numbers = #tpu.dot_dimension_numbers<[1], [0], [0], [1], [0, 0, 1, 1], [], []>, transpose_lhs_hint = false} : vector<1000x256xf32>, vector<256x128xf32>, vector<1000x128xf32> -> vector<1000x128xf32>
    %get3A_37 = arith.constant 0 : index
    %get3A_38 = arith.constant 0 : index
    %get3A_39 = vector.load %arg8[%get3A_37, %get3A_38] : memref<1x128xf32, #tpu.memory_space<vmem>>, vector<1x128xf32>
    %add3A_40 = vector.broadcast %get3A_39 : vector<1x128xf32> to vector<1000x128xf32>
    %add3A_41 = arith.addf %dot_general3A_36, %add3A_40 : vector<1000x128xf32>
    %swap3A = arith.constant 0 : index
    %swap3A_42 = arith.constant 0 : index
    %swap3A_43 = vector.load %arg9[%swap3A, %swap3A_42] : memref<1000x128xf32, #tpu.memory_space<vmem>>, vector<1000x128xf32>
    tpu.vector_store %arg9[%swap3A, %swap3A_42], %add3A_41 {strides = array<i32>} : memref<1000x128xf32, #tpu.memory_space<vmem>>, vector<1000x128xf32>,
    %mul3A_44 = vector.broadcast %get3A_1 : vector<1000x1xf32> to vector<1000x128xf32>
    %mul3A_45 = arith.mulf %add3A_41, %mul3A_44 : vector<1000x128xf32>
    %swap3A_46 = arith.constant 0 : index
    %swap3A_47 = arith.constant 0 : index
    %swap3A_48 = vector.load %arg10[%swap3A_46, %swap3A_47] : memref<1000x128xf32, #tpu.memory_space<vmem>>, vector<1000x128xf32>
    tpu.vector_store %arg10[%swap3A_46, %swap3A_47], %mul3A_45 {strides = array<i32>} : memref<1000x128xf32, #tpu.memory_space<vmem>>, vector<1000x128xf32>,
    return
  }
  func.func @transform_0(%arg0: i32) -> (i32, i32) {
    %c0_i32 = arith.constant 0 : i32
    %c0_i32_0 = arith.constant 0 : i32
    return %arg0, %c0_i32 : i32, i32
  }
  func.func @transform_1(%arg0: i32) -> (i32, i32) {
    %c0_i32 = arith.constant 0 : i32
    %c0_i32_0 = arith.constant 0 : i32
    return %arg0, %c0_i32 : i32, i32
  }
  func.func @transform_2(%arg0: i32) -> (i32, i32) {
    %c0_i32 = arith.constant 0 : i32
    %c0_i32_0 = arith.constant 0 : i32
    return %arg0, %c0_i32 : i32, i32
  }
  func.func @transform_3(%arg0: i32) -> (i32, i32) {
    %c0_i32 = arith.constant 0 : i32
    %c0_i32_0 = arith.constant 0 : i32
    return %arg0, %c0_i32 : i32, i32
  }
  func.func @transform_4(%arg0: i32) -> (i32, i32) {
    %c0_i32 = arith.constant 0 : i32
    %c0_i32_0 = arith.constant 0 : i32
    %c0_i32_1 = arith.constant 0 : i32
    return %c0_i32, %c0_i32_0 : i32, i32
  }
  func.func @transform_5(%arg0: i32) -> (i32, i32) {
    %c0_i32 = arith.constant 0 : i32
    %c0_i32_0 = arith.constant 0 : i32
    %c0_i32_1 = arith.constant 0 : i32
    return %c0_i32, %c0_i32_0 : i32, i32
  }
  func.func @transform_6(%arg0: i32) -> (i32, i32) {
    %c0_i32 = arith.constant 0 : i32
    %c0_i32_0 = arith.constant 0 : i32
    %c0_i32_1 = arith.constant 0 : i32
    return %c0_i32, %c0_i32_0 : i32, i32
  }
  func.func @transform_7(%arg0: i32) -> (i32, i32) {
    %c0_i32 = arith.constant 0 : i32
    %c0_i32_0 = arith.constant 0 : i32
    %c0_i32_1 = arith.constant 0 : i32
    return %c0_i32, %c0_i32_0 : i32, i32
  }
  func.func @transform_8(%arg0: i32) -> (i32, i32) {
    %c0_i32 = arith.constant 0 : i32
    %c0_i32_0 = arith.constant 0 : i32
    return %arg0, %c0_i32 : i32, i32
  }
  func.func @transform_9(%arg0: i32) -> (i32, i32) {
    %c0_i32 = arith.constant 0 : i32
    %c0_i32_0 = arith.constant 0 : i32
    return %arg0, %c0_i32 : i32, i32
  }
}

</mosaic_0001>

<sc_bundles>
// kernel: kernel.13.cloned.1.call-start
scs
__scs_entry_jumppad:
0x0: {  	(pc) =	sbr.rel $0x88, $3  }
0x1: {  	(tag) =	ssettag $0x0;
	lr =	simm.s32 $0x1  }
0x2: {  	[smem:$0x3F9A] =	sst lr;
	_ =	strace $0xD0000000  }
0x3: {  	_ = 	snop  }
0x4: {  	_ = 	snop  }
0x5: {  	_ = 	snop  }
0x6: {  	_ = 	snop  }
0x7: {  	_ = 	snop  }
__scs_overlays_trampoline_lowered:
0x8: {  	[smem:$0x3FA9] =	sst s0  }
0x9: {  	[smem:$0x3FAA] =	sst s1  }
0xa: {  	[smem:$0x3FAB] =	sst s2  }
0xb: {  	[smem:$0x3FAC] =	sst s3  }
0xc: {  	[smem:$0x3FAD] =	sst s4  }
0xd: {  	[smem:$0x3FAE] =	sst s5  }
0xe: {  	[smem:$0x3FAF] =	sst s6  }
0xf: {  	[smem:$0x3FB0] =	sst s7  }
0x10: {  	[smem:$0x3FB1] =	sst s8  }
0x11: {  	[smem:$0x3FB2] =	sst s9;
	s0 =	simm.s32 @!p0 $0x0  }
0x12: {  	s1 =	sld [smem:$0x3F98];
	s0 =	simm.s32 @p0 $0x1  }
0x13: {  	[smem:$0x3FB3] =	sst s0;
	s0 =	simm.s32 @!p1 $0x0  }
0x14: {  	s2 =	sld [smem:$0x3F97];
	s0 =	simm.s32 @p1 $0x1  }
0x15: {  	[smem:$0x3FB4] =	sst s0;
	s0 =	simm.s32 @!p2 $0x0  }
0x16: {  	s3 =	sld [smem:$0x3FDB];
	s0 =	simm.s32 @p2 $0x1  }
0x17: {  	s4 =	simm.s32 $0x1BF5;
	[smem:$0x3FB6] =	sst s0  }
0x18: {  	s0 =	sld [smem:$0x3F99];
	_ =	swait.ge [sflag:s4], $0x0  }
0x19: {  	s7 =	sld [smem:$0x3F9A]  }
0x1a: {  	s8 =	sadd.s32 $0xFFFFE003, lr  }
0x1b: {  	s9 =	sadd.s32 $0xFFFFFEF7, lr;
	s5 =	simm.s32 $0xFFFFFFFF;
	p2 =	slt.u32 s8, $0xFFFFF086  }
0x1c: {  	p1 =	slt.u32 s9, $0xF7A;
	s5 =	simm.s32 @!p2 $0x0  }
0x1d: {  	s5 =	simm.s32 @p1 $0x1;
	p0 =	seq.s32 s7, s2  }
0x1e: {  	s7 =	smul.u32 @!p0 $0xF7A, s2;
	p2 =	seq.s32 @!p0 s5, $0x0  }
0x1f: {  	s9 =	smul.u32 $0xF7A, s1;
	s8 =	simm.s32 @!p0 $0x1BF5;
	p2 =	por !p2, p0  }
0x20: {  	[sflag:s8] =	ssyncset.s32 @!p0 $0xFFFFF086;
	s6 =	sadd.s32 @!p0 s3, s7;
	s7 =	simm.s32 @!p0 $0x108  }
0x21: {  	s3 =	sadd.s32 s3, s9;
	s6 =	sadd.s32 @!p0 $0x88, s6;
	s7 =	simm.s32 @p2 $0x1082  }
0x22: {  	[simem:s7], [sflag:s8] =	dma.local @!p0 [hbm:s6], $0xF7A  }
0x23: {  	s9 =	sor.u32 $0xD0000000, s2;
	s6 =	simm.s32 $0x108;
	_ =	swait.ge @!p0 [sflag:s8], $0x0  }
0x24: {  	s3 =	sadd.s32 $0x88, s3;
	s6 =	simm.s32 @!p1 $0x1082;
	[sflag:s4] =	ssyncset.s32 $0xFFFFF086  }
0x25: {  	[simem:s6], [sflag:s4] =	dma.local [hbm:s3], $0xF7A  }
0x26: {  	[smem:$0x3F9A] =	sst s1;
	(tag) =	ssettag s2;
	_ =	strace s9  }
0x27: {  	s1 =	sld [smem:$0x3FAA]  }
0x28: {  	s2 =	sld [smem:$0x3FAB]  }
0x29: {  	s4 =	sld [smem:$0x3FAD]  }
0x2a: {  	p0 =	seq.s32 s5, $0x0;
	s5 =	sld [smem:$0x3FAE]  }
0x2b: {  	s6 =	sld [smem:$0x3FAF]  }
0x2c: {  	s7 =	sld [smem:$0x3FB0]  }
0x2d: {  	s3 =	simm.s32 $0x108;
	s8 =	sld [smem:$0x3FB1]  }
0x2e: {  	s3 =	simm.s32 @!p0 $0x1082;
	s9 =	sld [smem:$0x3FB2]  }
0x2f: {  	lr =	sadd.s32 s0, s3;
	s0 =	sld [smem:$0x3FA9]  }
0x30: {  	s3 =	sld [smem:$0x3FAC]  }
0x31: {  	[smem:$0x3FB5] =	sst s10  }
0x32: {  	s10 =	sld [smem:$0x3FB3];
	_ =	sdelay $0x3  }
0x33: {  	p0 =	seq.s32 s10, $0x1;
	s10 =	sld [smem:$0x3FB5];
	_ =	sdelay $0x3  }
0x34: {  	[smem:$0x3FB5] =	sst s10  }
0x35: {  	s10 =	sld [smem:$0x3FB4];
	_ =	sdelay $0x3  }
0x36: {  	p1 =	seq.s32 s10, $0x1;
	s10 =	sld [smem:$0x3FB5];
	_ =	sdelay $0x3  }
0x37: {  	[smem:$0x3FB5] =	sst s10  }
0x38: {  	s10 =	sld [smem:$0x3FB6]  }
0x39: {  	_ = 	snop;
	(pc) =	sbr.ind lr, $3  }
0x3a: {  	_ = 	snop  }
0x3b: {  	_ = 	snop  }
0x3c: {  	p2 =	seq.s32 s10, $0x1;
	s10 =	sld [smem:$0x3FB5]  }
0x3d: {  	_ =	shalt  }
0x3e: {  	_ =	shalt  }
0x3f: {  	_ =	shalt  }
0x40: {  	_ =	shalt  }
0x41: {  	_ =	shalt  }
0x42: {  	_ =	shalt  }
0x43: {  	_ =	shalt  }
0x44: {  	_ =	shalt  }
0x45: {  	_ =	shalt  }
0x46: {  	_ =	shalt  }
0x47: {  	_ =	shalt  }
0x48: {  	_ =	shalt  }
0x49: {  	_ =	shalt  }
0x4a: {  	_ =	shalt  }
0x4b: {  	_ =	shalt  }
0x4c: {  	_ =	shalt  }
0x4d: {  	_ =	shalt  }
0x4e: {  	_ =	shalt  }
0x4f: {  	_ =	shalt  }
0x50: {  	_ =	shalt  }
0x51: {  	_ =	shalt  }
0x52: {  	_ =	shalt  }
0x53: {  	_ =	shalt  }
0x54: {  	_ =	shalt  }
0x55: {  	_ =	shalt  }
0x56: {  	_ =	shalt  }
0x57: {  	_ =	shalt  }
0x58: {  	_ =	shalt  }
0x59: {  	_ =	shalt  }
0x5a: {  	_ =	shalt  }
0x5b: {  	_ =	shalt  }
0x5c: {  	_ =	shalt  }
0x5d: {  	_ =	shalt  }
0x5e: {  	_ =	shalt  }
0x5f: {  	_ =	shalt  }
0x60: {  	_ =	shalt  }
0x61: {  	_ =	shalt  }
0x62: {  	_ =	shalt  }
0x63: {  	_ =	shalt  }
0x64: {  	_ =	shalt  }
0x65: {  	_ =	shalt  }
0x66: {  	_ =	shalt  }
0x67: {  	_ =	shalt  }
0x68: {  	_ =	shalt  }
0x69: {  	_ =	shalt  }
0x6a: {  	_ =	shalt  }
0x6b: {  	_ =	shalt  }
0x6c: {  	_ =	shalt  }
0x6d: {  	_ =	shalt  }
0x6e: {  	_ =	shalt  }
0x6f: {  	_ =	shalt  }
0x70: {  	_ =	shalt  }
0x71: {  	_ =	shalt  }
0x72: {  	_ =	shalt  }
0x73: {  	_ =	shalt  }
0x74: {  	_ =	shalt  }
0x75: {  	_ =	shalt  }
0x76: {  	_ =	shalt  }
0x77: {  	_ =	shalt  }
0x78: {  	_ =	shalt  }
0x79: {  	_ =	shalt  }
0x7a: {  	_ =	shalt  }
0x7b: {  	_ =	shalt  }
0x7c: {  	_ =	shalt  }
0x7d: {  	_ =	shalt  }
0x7e: {  	_ =	shalt  }
0x7f: {  	_ =	shalt  }
0x80: {  	_ =	shalt  }
0x81: {  	_ =	shalt  }
0x82: {  	_ =	shalt  }
0x83: {  	_ =	shalt  }
0x84: {  	_ =	shalt  }
0x85: {  	_ =	shalt  }
0x86: {  	_ =	shalt  }
0x87: {  	_ =	shalt  }
.Lfunc_end0:
.L_simem_size_0:
called_computation_lowered:
.L_overlay_start_0:
0x88: {  	s2 =	sld [smem:$0x3FD9]  }
0x89: {  	s3 =	sld [smem:$0x3FFE];
	_ =	sdelay $0x1  }
0x8a: {  	s1 =	srdreg.scid  }
0x8b: {  	s0 =	sand.u32 $0x1, s1  }
0x8c: {  	s17 =	sshll.u32 s0, $0xA;
	s2 =	sadd.s32 s3, s2  }
0x8d: {  	s2 =	sadd.s32 s2, s17  }
0x8e: {  	[smem:$0x3FC1] =	sst s2  }
0x8f: {  	_ = 	snop  }
0x90: {  	s2 =	sld [smem:$0x3FD0];
	(tm) =	ssettm $0x1  }
0x91: {  	s18 =	sld [smem:$0x3FFB];
	_ =	sdelay $0x3  }
0x92: {  	_ =	strace s18  }
0x93: {  	s3 =	sld [smem:$0x3FFC];
	_ =	sdelay $0x3  }
0x94: {  	_ =	strace s3  }
0x95: {  	s3 =	sld [smem:$0x3FFD];
	_ =	sdelay $0x3  }
0x96: {  	_ =	strace s3  }
0x97: {  	_ =	strace $0x8FFFFFFF  }
0x98: {  	s19 =	sld [smem:$0x3FDB];
	_ =	sdelay $0x1  }
0x99: {  	s4 =	simm.s32 $_scs_section_size  }
0x9a: {  	s5 =	simm.s32 $_size__tile_overlayer_lowered;
	s6 =	simm.s32 $_tile_overlayer_lowered  }
0x9b: {  	s22 =	simm.s32 $0x1BFF;
	s21 =	sshll.u32 s6, $0x1;
	s3 =	sadd.s32 s4, s19  }
0x9c: {  	s7 =	simm.s32 $0x0;
	s20 =	sshll.u32 s5, $0x1;
	s5 =	sadd.s32 s21, s3  }
0x9d: {  	[timem:s7], [sflag:s22] =	dma.local [hbm:s5], s20  }
0x9e: {  	_ =	swait.ge [sflag:s22], s20  }
0x9f: {  	s4 =	ssub.s32 $0x0, s20;
	[sflag:s22] =	ssyncset.done $0x0  }
0xa0: {  	[sflag:s22] =	ssyncadd.s32 s4;
	_ =	sdelay $0x1  }
0xa1: {  	s23 =	simm.s32 $0x1B8B  }
0xa2: {  	_ =	swait.ge [sflag:s23], $0x1  }
0xa3: {  	[sflag:s23] =	ssyncset.done $0x0  }
0xa4: {  	s25 =	simm.s32 $0x1B8E;
	s24 =	sld [smem:$0x3FFE];
	[sflag:s23] =	ssyncadd.s32 $0xFFFFFFFF  }
0xa5: {  	s26 =	simm.s32 $execute0_lowered;
	[smem:$0x3FD2] =	sst s25  }
0xa6: {  	s5 =	sshll.u32 s26, $0x1;
	_ =	strace $0x80000046;
	[dreg:$0x1] =	wrdreg $0xFFFFFFFF  }
0xa7: {  	s28 =	simm.s32 $_size_execute0_lowered;
	s3 =	sadd.s32 s3, s5;
	[dreg:$0x0] =	wrdreg $0x0  }
0xa8: {  	s5 =	sshll.u32 s28, $0x1;
	[dreg:$0x2] =	wrdreg s3  }
0xa9: {  	[dreg:$0x3] =	wrdreg s5  }
0xaa: {  	[dreg:$0x4] =	wrdreg $0xC0  }
0xab: {  	_ =	task [dreg:s7], $0x5FFFF  }
0xac: {  	[dreg:$0x1] =	wrdreg $0xFFFFFFFF  }
0xad: {  	[dreg:$0x0] =	wrdreg $0x60  }
0xae: {  	[dreg:$0x2] =	wrdreg s2  }
0xaf: {  	[dreg:$0x3] =	wrdreg s24  }
0xb0: {  	[dreg:$0x4] =	wrdreg $0x9  }
0xb1: {  	_ =	task.clear_ibuf [dreg:s7], $0x5FFFF;
	_ =	strace $0x90000046  }
0xb2: {  	s29 =	simm.s32 $0x9;
	_ =	strace $0x80000048  }
0xb3: {  	_ =	swait.ge [sflag:s29], $0x1  }
0xb4: {  	[sflag:s29] =	ssyncadd.s32 $0xFFFFFFFF  }
0xb5: {  	_ =	strace $0x90000048  }
0xb6: {  	_ =	sfence  }
0xb7: {  	s30 =	sld [smem:$0x0];
	_ =	sdelay $0x2  }
0xb8: {  	s31 =	sshll.u32 s1, $0xD;
	s1 =	sshrl.u32 s1, $0x2  }
0xb9: {  	s3 =	sand.u32 $0x4000, s31;
	s1 =	sadd.s32 s1, s30  }
0xba: {  	s0 =	sor.u32 s3, s0;
	s1 =	sshll.u32 s1, $0x11  }
0xbb: {  	s0 =	sor.u32 s1, s0  }
0xbc: {  	s0 =	sadd.s32 $0x8F2B, s0  }
0xbd: {  	[sflag:s0] =	ssyncadd.remote.s32 $0x1  }
0xbe: {  	_ =	sfence.sel $0xFFFF  }
0xbf: {  	[dreg:$0x0] =	wrdreg $0xFFFFFFFF;
	(pc) =	sbr.abs _section_cstart, $3  }
0xc0: {  	[dreg:$0x1] =	wrdreg $0xFFFFFFFF  }
0xc1: {  	_ =	task.clear_ibuf [dreg:s7], $0x2FFFF;
	_ =	strace $0x9FFFFFFF  }
0xc2: {  	(tm) =	ssettm $0x7FFFFFFF  }
0xc3: {  	_ =	shalt  }
tec
execute0_lowered:
.L_overlay_start_1:
0x0: {  	(tag) =	ssettag $0x1  }
0x1: {  	s1 =	srdreg.scid  }
0x2: {  	s0 =	stileid.u32;
	s4 =	rddreg [dreg:$0x0]  }
0x3: {  	s6 =	rddreg [dreg:$0x1];
	s2 =	simm.s32 $0x0;
	s3 =	sand.u32 $0x1, s1  }
0x4: {  	s9 =	simm.s32 $0x400;
	s28 =	sshrl.u32 s0, $0x3;
	s5 =	smul.u32 $0x27800, s3  }
0x5: {  	s10 =	simm.s32 $0x2780;
	s1 =	rddreg [dreg:$0x2];
	s7 =	smul.u32 $0x13C00, s28  }
0x6: {  	s11 =	simm.s32 $0x0;
	s8 =	sshll.u32 s0, $0x7;
	[smem:$0x7FF] =	sst s2  }
0x7: {  	s29 =	sand.u32 $0x380, s8;
	_ =	strace $0x80000047;
	s5 =	sadd.s32 s5, s7  }
0x8: {  	s30 =	ssub.s32 $0x2, s3;
	s3 =	sadd.s32 $0xD800, s6;
	s5 =	sor.u32 s29, s5  }
0x9: {  	s8 =	simm.s32 $0x80;
	s31 =	sshrl.u32 s30, $0x1;
	s5 =	sshrl.u32 s5, $0x3  }
0xa: {  	s7 =	ssub.s32 s30, s31;
	s6 =	sadd.s32 s5, s6;
	s4 =	sadd.s32 s4, s5  }
0xb: {  	v0 =	vimm.f32 $1.000000000e+00;
	s5 =	sadd.s32 $0xDE00, s6;
	s6 =	smax.u32 s7, $0x1;
	s7 =	simm.s32 $0x1  }
.LBB2_1:
0xc: {  	[tilespmem:s2], [sflag:$0x1] =	stream.linear.gather [hbm4b:s3+s2], $0x2780, $0x38;
	[tilespmem:$0x4F00] =	vst v63  }
0xd: {  	_ =	swait.ge [sflag:s7], $0x2780  }
0xe: {  	[sflag:s7] =	ssyncset.done $0x0  }
0xf: {  	[sflag:s7] =	ssyncadd.s32 $0xFFFFD880  }
0x10: {  	[tilespmem:s10], [sflag:$0x1] =	stream.strided.gather [hbm4b:s4+s8], $0x2780, s9, s8, $0x38;
	[tilespmem:$0x4F00] =	vst v63  }
0x11: {  	_ =	swait.ge [sflag:s7], $0x2780  }
0x12: {  	[sflag:s7] =	ssyncset.done $0x0  }
0x13: {  	s13 =	simm.s32 $0x0;
	s12 =	simm.s32 $0x40;
	[sflag:s7] =	ssyncadd.s32 $0xFFFFD880  }
.LBB2_2:
0x14: {  	p0 =	sne.s32 s12, $0x9C00;
	v1 =	vld [tilespmem:s13+$0x2780];
	_ =	sdelay $0x3  }
.Ltmp0:
0x15: {  	(pc) =	sbr.rel @p0 .LBB2_2-.Ltmp0, $2  }
0x16: {  	_ =	sdelay $0x2  }
0x17: {  	s13 =	sshra.s32 s12, $0x2;
	s12 =	sadd.s32 $0x40, s12;
	[tilespmem:v1+s2+$0x0] =	vst.idx.add.f32.msk $0xffff, v0  }
0x18: {  	v1 =	vld [tilespmem:s13+$0x2780];
	_ =	sdelay $0x5  }
0x19: {  	s11 =	sadd.s32 $0x1, s11  }
0x1a: {  	p0 =	sne.s32 s11, s6  }
.Ltmp1:
0x1b: {  	[tilespmem:v1+s2+$0x0] =	vst.idx.add.f32.msk $0xffff, v0;
	(pc) =	sbr.rel @p0 .LBB2_1-.Ltmp1, $4  }
0x1c: {  	[hbm4b:s5+s8] =	stream.strided.scatter [tilespmem:s2], [sflag:$0x1], $0x2780, s9, s8, $0x38;
	[tilespmem:$0x4F00] =	vst v63  }
0x1d: {  	_ =	swait.ge [sflag:s7], $0x2780  }
0x1e: {  	[sflag:s7] =	ssyncset.done $0x0  }
0x1f: {  	[sflag:s7] =	ssyncadd.s32 $0xFFFFD880  }
0x20: {  	_ =	sfence.sel $0x180000  }
0x21: {  	[bflag:$0x0] =	sbarrier.arrive $0xFFFF  }
0x22: {  	p0 =	sne.s32 s0, $0x0;
	_ =	strace $0x90000047  }
0x23: {  	s0 =	sadd.s32 @!p0 $0x100000, s1;
	[bflag:$0x2] =	sbarrier.arrive $0xFFFF  }
0x24: {  	[sflag:s0] =	ssyncadd.tile.s32 @!p0 $0x1;
	_ =	shalt  }
.Lfunc_end2:
_tile_overlayer_lowered:
.L_overlay_start_2:
0x25: {  	(tag) =	ssettag $0x2  }
0x26: {  	s0 =	rddreg [dreg:$0x0];
	s2 =	stileid.u32  }
0x27: {  	s1 =	rddreg [dreg:$0x1];
	p0 =	sne.s32 s2, $0x0  }
0x28: {  	s3 =	rddreg [dreg:$0x2];
	[bflag:$0x3] =	sbarrier.arrive $0xFFFF;
	s2 =	simm.s32 @!p0 $0x1C01  }
0x29: {  	[timem:s3], [sflag:s2] =	dma.local @!p0 [hbm:s0], s1  }
0x2a: {  	s0 =	simm.s32 @!p0 $0x1  }
0x2b: {  	_ =	swait.ge @!p0 [sflag:s0], s1  }
0x2c: {  	s1 =	ssub.s32 @!p0 $0x0, s1;
	[sflag:s0] =	ssyncset.done @!p0 $0x0  }
0x2d: {  	[sflag:s0] =	ssyncadd.s32 @!p0 s1  }
0x2e: {  	[bflag:$0x3] =	sbarrier.arrive $0xFFFF  }
0x2f: {  	_ =	shalt  }

// kernel: kernel.16.cloned.1.call-start
scs
__scs_entry_jumppad:
0x0: {  	(pc) =	sbr.rel $0x88, $3  }
0x1: {  	(tag) =	ssettag $0x0;
	lr =	simm.s32 $0x1  }
0x2: {  	[smem:$0x3F9A] =	sst lr;
	_ =	strace $0xD0000000  }
0x3: {  	_ = 	snop  }
0x4: {  	_ = 	snop  }
0x5: {  	_ = 	snop  }
0x6: {  	_ = 	snop  }
0x7: {  	_ = 	snop  }
__scs_overlays_trampoline_lowered:
0x8: {  	[smem:$0x3FA9] =	sst s0  }
0x9: {  	[smem:$0x3FAA] =	sst s1  }
0xa: {  	[smem:$0x3FAB] =	sst s2  }
0xb: {  	[smem:$0x3FAC] =	sst s3  }
0xc: {  	[smem:$0x3FAD] =	sst s4  }
0xd: {  	[smem:$0x3FAE] =	sst s5  }
0xe: {  	[smem:$0x3FAF] =	sst s6  }
0xf: {  	[smem:$0x3FB0] =	sst s7  }
0x10: {  	[smem:$0x3FB1] =	sst s8  }
0x11: {  	[smem:$0x3FB2] =	sst s9;
	s0 =	simm.s32 @!p0 $0x0  }
0x12: {  	s1 =	sld [smem:$0x3F98];
	s0 =	simm.s32 @p0 $0x1  }
0x13: {  	[smem:$0x3FB3] =	sst s0;
	s0 =	simm.s32 @!p1 $0x0  }
0x14: {  	s2 =	sld [smem:$0x3F97];
	s0 =	simm.s32 @p1 $0x1  }
0x15: {  	[smem:$0x3FB4] =	sst s0;
	s0 =	simm.s32 @!p2 $0x0  }
0x16: {  	s3 =	sld [smem:$0x3FDB];
	s0 =	simm.s32 @p2 $0x1  }
0x17: {  	s4 =	simm.s32 $0x1BF5;
	[smem:$0x3FB6] =	sst s0  }
0x18: {  	s0 =	sld [smem:$0x3F99];
	_ =	swait.ge [sflag:s4], $0x0  }
0x19: {  	s7 =	sld [smem:$0x3F9A]  }
0x1a: {  	s8 =	sadd.s32 $0xFFFFE003, lr  }
0x1b: {  	s9 =	sadd.s32 $0xFFFFFEF7, lr;
	s5 =	simm.s32 $0xFFFFFFFF;
	p2 =	slt.u32 s8, $0xFFFFF086  }
0x1c: {  	p1 =	slt.u32 s9, $0xF7A;
	s5 =	simm.s32 @!p2 $0x0  }
0x1d: {  	s5 =	simm.s32 @p1 $0x1;
	p0 =	seq.s32 s7, s2  }
0x1e: {  	s7 =	smul.u32 @!p0 $0xF7A, s2;
	p2 =	seq.s32 @!p0 s5, $0x0  }
0x1f: {  	s9 =	smul.u32 $0xF7A, s1;
	s8 =	simm.s32 @!p0 $0x1BF5;
	p2 =	por !p2, p0  }
0x20: {  	[sflag:s8] =	ssyncset.s32 @!p0 $0xFFFFF086;
	s6 =	sadd.s32 @!p0 s3, s7;
	s7 =	simm.s32 @!p0 $0x108  }
0x21: {  	s3 =	sadd.s32 s3, s9;
	s6 =	sadd.s32 @!p0 $0x88, s6;
	s7 =	simm.s32 @p2 $0x1082  }
0x22: {  	[simem:s7], [sflag:s8] =	dma.local @!p0 [hbm:s6], $0xF7A  }
0x23: {  	s9 =	sor.u32 $0xD0000000, s2;
	s6 =	simm.s32 $0x108;
	_ =	swait.ge @!p0 [sflag:s8], $0x0  }
0x24: {  	s3 =	sadd.s32 $0x88, s3;
	s6 =	simm.s32 @!p1 $0x1082;
	[sflag:s4] =	ssyncset.s32 $0xFFFFF086  }
0x25: {  	[simem:s6], [sflag:s4] =	dma.local [hbm:s3], $0xF7A  }
0x26: {  	[smem:$0x3F9A] =	sst s1;
	(tag) =	ssettag s2;
	_ =	strace s9  }
0x27: {  	s1 =	sld [smem:$0x3FAA]  }
0x28: {  	s2 =	sld [smem:$0x3FAB]  }
0x29: {  	s4 =	sld [smem:$0x3FAD]  }
0x2a: {  	p0 =	seq.s32 s5, $0x0;
	s5 =	sld [smem:$0x3FAE]  }
0x2b: {  	s6 =	sld [smem:$0x3FAF]  }
0x2c: {  	s7 =	sld [smem:$0x3FB0]  }
0x2d: {  	s3 =	simm.s32 $0x108;
	s8 =	sld [smem:$0x3FB1]  }
0x2e: {  	s3 =	simm.s32 @!p0 $0x1082;
	s9 =	sld [smem:$0x3FB2]  }
0x2f: {  	lr =	sadd.s32 s0, s3;
	s0 =	sld [smem:$0x3FA9]  }
0x30: {  	s3 =	sld [smem:$0x3FAC]  }
0x31: {  	[smem:$0x3FB5] =	sst s10  }
0x32: {  	s10 =	sld [smem:$0x3FB3];
	_ =	sdelay $0x3  }
0x33: {  	p0 =	seq.s32 s10, $0x1;
	s10 =	sld [smem:$0x3FB5];
	_ =	sdelay $0x3  }
0x34: {  	[smem:$0x3FB5] =	sst s10  }
0x35: {  	s10 =	sld [smem:$0x3FB4];
	_ =	sdelay $0x3  }
0x36: {  	p1 =	seq.s32 s10, $0x1;
	s10 =	sld [smem:$0x3FB5];
	_ =	sdelay $0x3  }
0x37: {  	[smem:$0x3FB5] =	sst s10  }
0x38: {  	s10 =	sld [smem:$0x3FB6]  }
0x39: {  	_ = 	snop;
	(pc) =	sbr.ind lr, $3  }
0x3a: {  	_ = 	snop  }
0x3b: {  	_ = 	snop  }
0x3c: {  	p2 =	seq.s32 s10, $0x1;
	s10 =	sld [smem:$0x3FB5]  }
0x3d: {  	_ =	shalt  }
0x3e: {  	_ =	shalt  }
0x3f: {  	_ =	shalt  }
0x40: {  	_ =	shalt  }
0x41: {  	_ =	shalt  }
0x42: {  	_ =	shalt  }
0x43: {  	_ =	shalt  }
0x44: {  	_ =	shalt  }
0x45: {  	_ =	shalt  }
0x46: {  	_ =	shalt  }
0x47: {  	_ =	shalt  }
0x48: {  	_ =	shalt  }
0x49: {  	_ =	shalt  }
0x4a: {  	_ =	shalt  }
0x4b: {  	_ =	shalt  }
0x4c: {  	_ =	shalt  }
0x4d: {  	_ =	shalt  }
0x4e: {  	_ =	shalt  }
0x4f: {  	_ =	shalt  }
0x50: {  	_ =	shalt  }
0x51: {  	_ =	shalt  }
0x52: {  	_ =	shalt  }
0x53: {  	_ =	shalt  }
0x54: {  	_ =	shalt  }
0x55: {  	_ =	shalt  }
0x56: {  	_ =	shalt  }
0x57: {  	_ =	shalt  }
0x58: {  	_ =	shalt  }
0x59: {  	_ =	shalt  }
0x5a: {  	_ =	shalt  }
0x5b: {  	_ =	shalt  }
0x5c: {  	_ =	shalt  }
0x5d: {  	_ =	shalt  }
0x5e: {  	_ =	shalt  }
0x5f: {  	_ =	shalt  }
0x60: {  	_ =	shalt  }
0x61: {  	_ =	shalt  }
0x62: {  	_ =	shalt  }
0x63: {  	_ =	shalt  }
0x64: {  	_ =	shalt  }
0x65: {  	_ =	shalt  }
0x66: {  	_ =	shalt  }
0x67: {  	_ =	shalt  }
0x68: {  	_ =	shalt  }
0x69: {  	_ =	shalt  }
0x6a: {  	_ =	shalt  }
0x6b: {  	_ =	shalt  }
0x6c: {  	_ =	shalt  }
0x6d: {  	_ =	shalt  }
0x6e: {  	_ =	shalt  }
0x6f: {  	_ =	shalt  }
0x70: {  	_ =	shalt  }
0x71: {  	_ =	shalt  }
0x72: {  	_ =	shalt  }
0x73: {  	_ =	shalt  }
0x74: {  	_ =	shalt  }
0x75: {  	_ =	shalt  }
0x76: {  	_ =	shalt  }
0x77: {  	_ =	shalt  }
0x78: {  	_ =	shalt  }
0x79: {  	_ =	shalt  }
0x7a: {  	_ =	shalt  }
0x7b: {  	_ =	shalt  }
0x7c: {  	_ =	shalt  }
0x7d: {  	_ =	shalt  }
0x7e: {  	_ =	shalt  }
0x7f: {  	_ =	shalt  }
0x80: {  	_ =	shalt  }
0x81: {  	_ =	shalt  }
0x82: {  	_ =	shalt  }
0x83: {  	_ =	shalt  }
0x84: {  	_ =	shalt  }
0x85: {  	_ =	shalt  }
0x86: {  	_ =	shalt  }
0x87: {  	_ =	shalt  }
.Lfunc_end0:
.L_simem_size_0:
called_computation.1_lowered:
.L_overlay_start_0:
0x88: {  	s2 =	sld [smem:$0x3FD9]  }
0x89: {  	s3 =	sld [smem:$0x3FFE];
	_ =	sdelay $0x1  }
0x8a: {  	s1 =	srdreg.scid  }
0x8b: {  	s0 =	sand.u32 $0x1, s1  }
0x8c: {  	s16 =	sshll.u32 s0, $0xA;
	s2 =	sadd.s32 s3, s2  }
0x8d: {  	s2 =	sadd.s32 s2, s16  }
0x8e: {  	[smem:$0x3FC1] =	sst s2  }
0x8f: {  	_ = 	snop  }
0x90: {  	(tm) =	ssettm $0x1  }
0x91: {  	s17 =	sld [smem:$0x3FFB];
	_ =	sdelay $0x3  }
0x92: {  	_ =	strace s17  }
0x93: {  	s2 =	sld [smem:$0x3FFC];
	_ =	sdelay $0x3  }
0x94: {  	_ =	strace s2  }
0x95: {  	s2 =	sld [smem:$0x3FFD];
	_ =	sdelay $0x3  }
0x96: {  	_ =	strace s2  }
0x97: {  	_ =	strace $0x8FFFFFFF  }
0x98: {  	s18 =	sld [smem:$0x3FDB];
	_ =	sdelay $0x1  }
0x99: {  	s19 =	simm.s32 $_scs_section_size  }
0x9a: {  	s4 =	simm.s32 $_size__tile_overlayer_lowered;
	s5 =	simm.s32 $_tile_overlayer_lowered  }
0x9b: {  	s22 =	simm.s32 $0x1BFF;
	s21 =	sshll.u32 s5, $0x1;
	s2 =	sadd.s32 s19, s18  }
0x9c: {  	s6 =	simm.s32 $0x0;
	s20 =	sshll.u32 s4, $0x1;
	s4 =	sadd.s32 s21, s2  }
0x9d: {  	[timem:s6], [sflag:s22] =	dma.local [hbm:s4], s20  }
0x9e: {  	_ =	swait.ge [sflag:s22], s20  }
0x9f: {  	s3 =	ssub.s32 $0x0, s20;
	[sflag:s22] =	ssyncset.done $0x0  }
0xa0: {  	[sflag:s22] =	ssyncadd.s32 s3;
	_ =	sdelay $0x1  }
0xa1: {  	s23 =	simm.s32 $0x1B8B  }
0xa2: {  	_ =	swait.ge [sflag:s23], $0x1  }
0xa3: {  	[sflag:s23] =	ssyncset.done $0x0  }
0xa4: {  	s25 =	simm.s32 $0x1B8E;
	s24 =	sld [smem:$0x3FFE];
	[sflag:s23] =	ssyncadd.s32 $0xFFFFFFFF  }
0xa5: {  	s26 =	simm.s32 $execute0_lowered;
	[smem:$0x3FD2] =	sst s25  }
0xa6: {  	s4 =	sshll.u32 s26, $0x1;
	_ =	strace $0x80000049;
	[dreg:$0x1] =	wrdreg $0xFFFFFFFF  }
0xa7: {  	s28 =	simm.s32 $_size_execute0_lowered;
	s2 =	sadd.s32 s2, s4;
	[dreg:$0x0] =	wrdreg $0x0  }
0xa8: {  	s4 =	sshll.u32 s28, $0x1;
	[dreg:$0x2] =	wrdreg s2  }
0xa9: {  	[dreg:$0x3] =	wrdreg s4  }
0xaa: {  	[dreg:$0x4] =	wrdreg $0xC0  }
0xab: {  	_ =	task [dreg:s6], $0x5FFFF  }
0xac: {  	[dreg:$0x1] =	wrdreg $0xFFFFFFFF  }
0xad: {  	[dreg:$0x0] =	wrdreg $0x60  }
0xae: {  	[dreg:$0x2] =	wrdreg s24  }
0xaf: {  	[dreg:$0x3] =	wrdreg $0x9  }
0xb0: {  	_ =	task.clear_ibuf [dreg:s6], $0x4FFFF;
	_ =	strace $0x90000049  }
0xb1: {  	s29 =	simm.s32 $0x9;
	_ =	strace $0x8000004B  }
0xb2: {  	_ =	swait.ge [sflag:s29], $0x1  }
0xb3: {  	[sflag:s29] =	ssyncadd.s32 $0xFFFFFFFF  }
0xb4: {  	_ =	strace $0x9000004B  }
0xb5: {  	_ =	sfence  }
0xb6: {  	s30 =	sld [smem:$0x0];
	_ =	sdelay $0x2  }
0xb7: {  	s31 =	sshll.u32 s1, $0xD;
	s1 =	sshrl.u32 s1, $0x2  }
0xb8: {  	s3 =	sand.u32 $0x4000, s31;
	s1 =	sadd.s32 s1, s30  }
0xb9: {  	s0 =	sor.u32 s3, s0;
	s1 =	sshll.u32 s1, $0x11  }
0xba: {  	s0 =	sor.u32 s1, s0  }
0xbb: {  	s0 =	sadd.s32 $0x8F2B, s0  }
0xbc: {  	[sflag:s0] =	ssyncadd.remote.s32 $0x1  }
0xbd: {  	_ =	sfence.sel $0xFFFF  }
0xbe: {  	[dreg:$0x0] =	wrdreg $0xFFFFFFFF;
	(pc) =	sbr.abs _section_cstart, $3  }
0xbf: {  	[dreg:$0x1] =	wrdreg $0xFFFFFFFF  }
0xc0: {  	_ =	task.clear_ibuf [dreg:s6], $0x2FFFF;
	_ =	strace $0x9FFFFFFF  }
0xc1: {  	(tm) =	ssettm $0x7FFFFFFF  }
tec
execute0_lowered:
.L_overlay_start_1:
0x0: {  	(tag) =	ssettag $0x1  }
0x1: {  	s0 =	srdreg.scid;
	s4 =	rddreg [dreg:$0x0]  }
0x2: {  	s2 =	simm.s32 $0x0;
	s8 =	simm.s32 $0x2780;
	s3 =	sand.u32 $0x1, s0  }
0x3: {  	s9 =	simm.s32 $0x4F00;
	s0 =	stileid.u32;
	s1 =	sshll.u32 s3, $0x4  }
0x4: {  	s10 =	simm.s32 $0x0;
	[smem:$0x7FF] =	sst s2;
	s5 =	sor.u32 s0, s1  }
0x5: {  	s6 =	ssub.s32 $0x2, s3;
	s3 =	sadd.s32 $0x34A00, s4;
	s5 =	smul.u32 $0x4E2, s5  }
0x6: {  	s1 =	rddreg [dreg:$0x1];
	_ =	strace $0x8000004A;
	s7 =	sshrl.u32 s6, $0x1  }
0x7: {  	s6 =	ssub.s32 s6, s7;
	s7 =	simm.s32 $0x1;
	s5 =	sadd.s32 s5, s4  }
0x8: {  	s6 =	smax.u32 s6, $0x1;
	s4 =	sadd.s32 $0x3A00, s5;
	s5 =	sadd.s32 $0x35000, s5  }
.LBB2_1:
0x9: {  	[tilespmem:s2], [sflag:$0x1] =	stream.linear.gather [hbm4b:s3+s2], $0x2780, $0x38;
	[tilespmem:$0x7680] =	vst v63  }
0xa: {  	_ =	swait.ge [sflag:s7], $0x2780  }
0xb: {  	[sflag:s7] =	ssyncset.done $0x0  }
0xc: {  	[sflag:s7] =	ssyncadd.s32 $0xFFFFD880  }
0xd: {  	[tilespmem:s8], [sflag:$0x1] =	stream.linear.gather [hbm4b:s4+s2], $0x2710, $0x38;
	[tilespmem:$0x7680] =	vst v63  }
0xe: {  	_ =	swait.ge [sflag:s7], $0x2710  }
0xf: {  	[sflag:s7] =	ssyncset.done $0x0  }
0x10: {  	s11 =	simm.s32 $0x0;
	[sflag:s7] =	ssyncadd.s32 $0xFFFFD8F0  }
0x11: {  	v0 =	vld [tilespmem:s11+$0x2780];
	_ =	sdelay $0x7  }
0x12: {  	s12 =	simm.s32 $0x10;
	s13 =	simm.s32 $0x80;
	v0 =	vld.idx.msk [tilespmem:v0+s2+$0x0], $0xffff  }
.LBB2_2:
0x13: {  	p0 =	sne.s32 s13, $0x9C00;
	v1 =	vld [tilespmem:s12+$0x2780];
	_ =	sdelay $0x3  }
.Ltmp0:
0x14: {  	(pc) =	sbr.rel @p0 .LBB2_2-.Ltmp0, $2  }
0x15: {  	[tilespmem:s11+$0x4F00] =	vst v0;
	s11 =	smov.u32 s12;
	_ =	sdelay $0x2  }
0x16: {  	s12 =	sshra.s32 s13, $0x2;
	s13 =	sadd.s32 $0x40, s13;
	v0 =	vld.idx.msk [tilespmem:v1+s2+$0x0], $0xffff  }
0x17: {  	v1 =	vld [tilespmem:s12+$0x2780];
	_ =	sdelay $0x6  }
0x18: {  	[tilespmem:s11+$0x4F00] =	vst v0  }
0x19: {  	v0 =	vld.idx.msk [tilespmem:v1+s2+$0x0], $0xffff;
	_ =	sdelay $0x2  }
0x1a: {  	s10 =	sadd.s32 $0x1, s10  }
0x1b: {  	p0 =	sne.s32 s10, s6  }
.Ltmp1:
0x1c: {  	[tilespmem:s12+$0x4F00] =	vst v0;
	(pc) =	sbr.rel @p0 .LBB2_1-.Ltmp1, $4  }
0x1d: {  	[hbm4b:s5+s2] =	stream.linear.scatter [tilespmem:s9], [sflag:$0x1], $0x2710, $0x38;
	[tilespmem:$0x7680] =	vst v63  }
0x1e: {  	_ =	swait.ge [sflag:s7], $0x2710  }
0x1f: {  	[sflag:s7] =	ssyncset.done $0x0  }
0x20: {  	[sflag:s7] =	ssyncadd.s32 $0xFFFFD8F0  }
0x21: {  	_ =	sfence.sel $0x180000  }
0x22: {  	[bflag:$0x0] =	sbarrier.arrive $0xFFFF  }
0x23: {  	p0 =	sne.s32 s0, $0x0;
	_ =	strace $0x9000004A  }
0x24: {  	s0 =	sadd.s32 @!p0 $0x100000, s1;
	[bflag:$0x2] =	sbarrier.arrive $0xFFFF  }
0x25: {  	[sflag:s0] =	ssyncadd.tile.s32 @!p0 $0x1;
	_ =	shalt  }
.Lfunc_end2:
_tile_overlayer_lowered:
.L_overlay_start_2:
0x26: {  	(tag) =	ssettag $0x2  }
0x27: {  	s0 =	rddreg [dreg:$0x0];
	s2 =	stileid.u32  }
0x28: {  	s1 =	rddreg [dreg:$0x1];
	p0 =	sne.s32 s2, $0x0  }
0x29: {  	s3 =	rddreg [dreg:$0x2];
	[bflag:$0x3] =	sbarrier.arrive $0xFFFF;
	s2 =	simm.s32 @!p0 $0x1C01  }
0x2a: {  	[timem:s3], [sflag:s2] =	dma.local @!p0 [hbm:s0], s1  }
0x2b: {  	s0 =	simm.s32 @!p0 $0x1  }
0x2c: {  	_ =	swait.ge @!p0 [sflag:s0], s1  }
0x2d: {  	s1 =	ssub.s32 @!p0 $0x0, s1;
	[sflag:s0] =	ssyncset.done @!p0 $0x0  }
0x2e: {  	[sflag:s0] =	ssyncadd.s32 @!p0 s1  }
0x2f: {  	[bflag:$0x3] =	sbarrier.arrive $0xFFFF  }
0x30: {  	_ =	shalt  }

// kernel: kernel.19.cloned.1.call-start
scs
__scs_entry_jumppad:
0x0: {  	(pc) =	sbr.rel $0x88, $3  }
0x1: {  	(tag) =	ssettag $0x0;
	lr =	simm.s32 $0x1  }
0x2: {  	[smem:$0x3F9A] =	sst lr;
	_ =	strace $0xD0000000  }
0x3: {  	_ = 	snop  }
0x4: {  	_ = 	snop  }
0x5: {  	_ = 	snop  }
0x6: {  	_ = 	snop  }
0x7: {  	_ = 	snop  }
__scs_overlays_trampoline_lowered:
0x8: {  	[smem:$0x3FA9] =	sst s0  }
0x9: {  	[smem:$0x3FAA] =	sst s1  }
0xa: {  	[smem:$0x3FAB] =	sst s2  }
0xb: {  	[smem:$0x3FAC] =	sst s3  }
0xc: {  	[smem:$0x3FAD] =	sst s4  }
0xd: {  	[smem:$0x3FAE] =	sst s5  }
0xe: {  	[smem:$0x3FAF] =	sst s6  }
0xf: {  	[smem:$0x3FB0] =	sst s7  }
0x10: {  	[smem:$0x3FB1] =	sst s8  }
0x11: {  	[smem:$0x3FB2] =	sst s9;
	s0 =	simm.s32 @!p0 $0x0  }
0x12: {  	s1 =	sld [smem:$0x3F98];
	s0 =	simm.s32 @p0 $0x1  }
0x13: {  	[smem:$0x3FB3] =	sst s0;
	s0 =	simm.s32 @!p1 $0x0  }
0x14: {  	s2 =	sld [smem:$0x3F97];
	s0 =	simm.s32 @p1 $0x1  }
0x15: {  	[smem:$0x3FB4] =	sst s0;
	s0 =	simm.s32 @!p2 $0x0  }
0x16: {  	s3 =	sld [smem:$0x3FDB];
	s0 =	simm.s32 @p2 $0x1  }
0x17: {  	s4 =	simm.s32 $0x1BF5;
	[smem:$0x3FB6] =	sst s0  }
0x18: {  	s0 =	sld [smem:$0x3F99];
	_ =	swait.ge [sflag:s4], $0x0  }
0x19: {  	s7 =	sld [smem:$0x3F9A]  }
0x1a: {  	s8 =	sadd.s32 $0xFFFFE003, lr  }
0x1b: {  	s9 =	sadd.s32 $0xFFFFFEF7, lr;
	s5 =	simm.s32 $0xFFFFFFFF;
	p2 =	slt.u32 s8, $0xFFFFF086  }
0x1c: {  	p1 =	slt.u32 s9, $0xF7A;
	s5 =	simm.s32 @!p2 $0x0  }
0x1d: {  	s5 =	simm.s32 @p1 $0x1;
	p0 =	seq.s32 s7, s2  }
0x1e: {  	s7 =	smul.u32 @!p0 $0xF7A, s2;
	p2 =	seq.s32 @!p0 s5, $0x0  }
0x1f: {  	s9 =	smul.u32 $0xF7A, s1;
	s8 =	simm.s32 @!p0 $0x1BF5;
	p2 =	por !p2, p0  }
0x20: {  	[sflag:s8] =	ssyncset.s32 @!p0 $0xFFFFF086;
	s6 =	sadd.s32 @!p0 s3, s7;
	s7 =	simm.s32 @!p0 $0x108  }
0x21: {  	s3 =	sadd.s32 s3, s9;
	s6 =	sadd.s32 @!p0 $0x88, s6;
	s7 =	simm.s32 @p2 $0x1082  }
0x22: {  	[simem:s7], [sflag:s8] =	dma.local @!p0 [hbm:s6], $0xF7A  }
0x23: {  	s9 =	sor.u32 $0xD0000000, s2;
	s6 =	simm.s32 $0x108;
	_ =	swait.ge @!p0 [sflag:s8], $0x0  }
0x24: {  	s3 =	sadd.s32 $0x88, s3;
	s6 =	simm.s32 @!p1 $0x1082;
	[sflag:s4] =	ssyncset.s32 $0xFFFFF086  }
0x25: {  	[simem:s6], [sflag:s4] =	dma.local [hbm:s3], $0xF7A  }
0x26: {  	[smem:$0x3F9A] =	sst s1;
	(tag) =	ssettag s2;
	_ =	strace s9  }
0x27: {  	s1 =	sld [smem:$0x3FAA]  }
0x28: {  	s2 =	sld [smem:$0x3FAB]  }
0x29: {  	s4 =	sld [smem:$0x3FAD]  }
0x2a: {  	p0 =	seq.s32 s5, $0x0;
	s5 =	sld [smem:$0x3FAE]  }
0x2b: {  	s6 =	sld [smem:$0x3FAF]  }
0x2c: {  	s7 =	sld [smem:$0x3FB0]  }
0x2d: {  	s3 =	simm.s32 $0x108;
	s8 =	sld [smem:$0x3FB1]  }
0x2e: {  	s3 =	simm.s32 @!p0 $0x1082;
	s9 =	sld [smem:$0x3FB2]  }
0x2f: {  	lr =	sadd.s32 s0, s3;
	s0 =	sld [smem:$0x3FA9]  }
0x30: {  	s3 =	sld [smem:$0x3FAC]  }
0x31: {  	[smem:$0x3FB5] =	sst s10  }
0x32: {  	s10 =	sld [smem:$0x3FB3];
	_ =	sdelay $0x3  }
0x33: {  	p0 =	seq.s32 s10, $0x1;
	s10 =	sld [smem:$0x3FB5];
	_ =	sdelay $0x3  }
0x34: {  	[smem:$0x3FB5] =	sst s10  }
0x35: {  	s10 =	sld [smem:$0x3FB4];
	_ =	sdelay $0x3  }
0x36: {  	p1 =	seq.s32 s10, $0x1;
	s10 =	sld [smem:$0x3FB5];
	_ =	sdelay $0x3  }
0x37: {  	[smem:$0x3FB5] =	sst s10  }
0x38: {  	s10 =	sld [smem:$0x3FB6]  }
0x39: {  	_ = 	snop;
	(pc) =	sbr.ind lr, $3  }
0x3a: {  	_ = 	snop  }
0x3b: {  	_ = 	snop  }
0x3c: {  	p2 =	seq.s32 s10, $0x1;
	s10 =	sld [smem:$0x3FB5]  }
0x3d: {  	_ =	shalt  }
0x3e: {  	_ =	shalt  }
0x3f: {  	_ =	shalt  }
0x40: {  	_ =	shalt  }
0x41: {  	_ =	shalt  }
0x42: {  	_ =	shalt  }
0x43: {  	_ =	shalt  }
0x44: {  	_ =	shalt  }
0x45: {  	_ =	shalt  }
0x46: {  	_ =	shalt  }
0x47: {  	_ =	shalt  }
0x48: {  	_ =	shalt  }
0x49: {  	_ =	shalt  }
0x4a: {  	_ =	shalt  }
0x4b: {  	_ =	shalt  }
0x4c: {  	_ =	shalt  }
0x4d: {  	_ =	shalt  }
0x4e: {  	_ =	shalt  }
0x4f: {  	_ =	shalt  }
0x50: {  	_ =	shalt  }
0x51: {  	_ =	shalt  }
0x52: {  	_ =	shalt  }
0x53: {  	_ =	shalt  }
0x54: {  	_ =	shalt  }
0x55: {  	_ =	shalt  }
0x56: {  	_ =	shalt  }
0x57: {  	_ =	shalt  }
0x58: {  	_ =	shalt  }
0x59: {  	_ =	shalt  }
0x5a: {  	_ =	shalt  }
0x5b: {  	_ =	shalt  }
0x5c: {  	_ =	shalt  }
0x5d: {  	_ =	shalt  }
0x5e: {  	_ =	shalt  }
0x5f: {  	_ =	shalt  }
0x60: {  	_ =	shalt  }
0x61: {  	_ =	shalt  }
0x62: {  	_ =	shalt  }
0x63: {  	_ =	shalt  }
0x64: {  	_ =	shalt  }
0x65: {  	_ =	shalt  }
0x66: {  	_ =	shalt  }
0x67: {  	_ =	shalt  }
0x68: {  	_ =	shalt  }
0x69: {  	_ =	shalt  }
0x6a: {  	_ =	shalt  }
0x6b: {  	_ =	shalt  }
0x6c: {  	_ =	shalt  }
0x6d: {  	_ =	shalt  }
0x6e: {  	_ =	shalt  }
0x6f: {  	_ =	shalt  }
0x70: {  	_ =	shalt  }
0x71: {  	_ =	shalt  }
0x72: {  	_ =	shalt  }
0x73: {  	_ =	shalt  }
0x74: {  	_ =	shalt  }
0x75: {  	_ =	shalt  }
0x76: {  	_ =	shalt  }
0x77: {  	_ =	shalt  }
0x78: {  	_ =	shalt  }
0x79: {  	_ =	shalt  }
0x7a: {  	_ =	shalt  }
0x7b: {  	_ =	shalt  }
0x7c: {  	_ =	shalt  }
0x7d: {  	_ =	shalt  }
0x7e: {  	_ =	shalt  }
0x7f: {  	_ =	shalt  }
0x80: {  	_ =	shalt  }
0x81: {  	_ =	shalt  }
0x82: {  	_ =	shalt  }
0x83: {  	_ =	shalt  }
0x84: {  	_ =	shalt  }
0x85: {  	_ =	shalt  }
0x86: {  	_ =	shalt  }
0x87: {  	_ =	shalt  }
.Lfunc_end0:
.L_simem_size_0:
called_computation.2_lowered:
.L_overlay_start_0:
0x88: {  	s2 =	sld [smem:$0x3FD9]  }
0x89: {  	s3 =	sld [smem:$0x3FFE];
	_ =	sdelay $0x1  }
0x8a: {  	s1 =	srdreg.scid  }
0x8b: {  	s0 =	sand.u32 $0x1, s1  }
0x8c: {  	s16 =	sshll.u32 s0, $0xA;
	s2 =	sadd.s32 s3, s2  }
0x8d: {  	s2 =	sadd.s32 s2, s16  }
0x8e: {  	[smem:$0x3FC1] =	sst s2  }
0x8f: {  	_ = 	snop  }
0x90: {  	(tm) =	ssettm $0x1  }
0x91: {  	s17 =	sld [smem:$0x3FFB];
	_ =	sdelay $0x3  }
0x92: {  	_ =	strace s17  }
0x93: {  	s2 =	sld [smem:$0x3FFC];
	_ =	sdelay $0x3  }
0x94: {  	_ =	strace s2  }
0x95: {  	s2 =	sld [smem:$0x3FFD];
	_ =	sdelay $0x3  }
0x96: {  	_ =	strace s2  }
0x97: {  	_ =	strace $0x8FFFFFFF  }
0x98: {  	s18 =	sld [smem:$0x3FDB];
	_ =	sdelay $0x1  }
0x99: {  	s19 =	simm.s32 $_scs_section_size  }
0x9a: {  	s4 =	simm.s32 $_size__tile_overlayer_lowered;
	s5 =	simm.s32 $_tile_overlayer_lowered  }
0x9b: {  	s22 =	simm.s32 $0x1BFF;
	s21 =	sshll.u32 s5, $0x1;
	s2 =	sadd.s32 s19, s18  }
0x9c: {  	s6 =	simm.s32 $0x0;
	s20 =	sshll.u32 s4, $0x1;
	s4 =	sadd.s32 s21, s2  }
0x9d: {  	[timem:s6], [sflag:s22] =	dma.local [hbm:s4], s20  }
0x9e: {  	_ =	swait.ge [sflag:s22], s20  }
0x9f: {  	s3 =	ssub.s32 $0x0, s20;
	[sflag:s22] =	ssyncset.done $0x0  }
0xa0: {  	[sflag:s22] =	ssyncadd.s32 s3;
	_ =	sdelay $0x1  }
0xa1: {  	s23 =	simm.s32 $0x1B8B  }
0xa2: {  	_ =	swait.ge [sflag:s23], $0x1  }
0xa3: {  	[sflag:s23] =	ssyncset.done $0x0  }
0xa4: {  	s25 =	simm.s32 $0x1B8E;
	s24 =	sld [smem:$0x3FFE];
	[sflag:s23] =	ssyncadd.s32 $0xFFFFFFFF  }
0xa5: {  	s26 =	simm.s32 $execute0_lowered;
	[smem:$0x3FD2] =	sst s25  }
0xa6: {  	s4 =	sshll.u32 s26, $0x1;
	_ =	strace $0x8000004C;
	[dreg:$0x1] =	wrdreg $0xFFFFFFFF  }
0xa7: {  	s28 =	simm.s32 $_size_execute0_lowered;
	s2 =	sadd.s32 s2, s4;
	[dreg:$0x0] =	wrdreg $0x0  }
0xa8: {  	s4 =	sshll.u32 s28, $0x1;
	[dreg:$0x2] =	wrdreg s2  }
0xa9: {  	[dreg:$0x3] =	wrdreg s4  }
0xaa: {  	[dreg:$0x4] =	wrdreg $0xC0  }
0xab: {  	_ =	task [dreg:s6], $0x5FFFF  }
0xac: {  	[dreg:$0x1] =	wrdreg $0xFFFFFFFF  }
0xad: {  	[dreg:$0x0] =	wrdreg $0x60  }
0xae: {  	[dreg:$0x2] =	wrdreg s24  }
0xaf: {  	[dreg:$0x3] =	wrdreg $0xD4000  }
0xb0: {  	[dreg:$0x4] =	wrdreg $0x9  }
0xb1: {  	_ =	task.clear_ibuf [dreg:s6], $0x5FFFF;
	_ =	strace $0x9000004C  }
0xb2: {  	s29 =	simm.s32 $0x9;
	_ =	strace $0x8000004E  }
0xb3: {  	_ =	swait.ge [sflag:s29], $0x1  }
0xb4: {  	[sflag:s29] =	ssyncadd.s32 $0xFFFFFFFF  }
0xb5: {  	_ =	strace $0x9000004E  }
0xb6: {  	_ =	sfence  }
0xb7: {  	s30 =	sld [smem:$0x0];
	_ =	sdelay $0x2  }
0xb8: {  	s31 =	sshll.u32 s1, $0xD;
	s1 =	sshrl.u32 s1, $0x2  }
0xb9: {  	s3 =	sand.u32 $0x4000, s31;
	s1 =	sadd.s32 s1, s30  }
0xba: {  	s0 =	sor.u32 s3, s0;
	s1 =	sshll.u32 s1, $0x11  }
0xbb: {  	s0 =	sor.u32 s1, s0  }
0xbc: {  	s0 =	sadd.s32 $0x8F2B, s0  }
0xbd: {  	[sflag:s0] =	ssyncadd.remote.s32 $0x1  }
0xbe: {  	_ =	sfence.sel $0xFFFF  }
0xbf: {  	[dreg:$0x0] =	wrdreg $0xFFFFFFFF;
	(pc) =	sbr.abs _section_cstart, $3  }
0xc0: {  	[dreg:$0x1] =	wrdreg $0xFFFFFFFF  }
0xc1: {  	_ =	task.clear_ibuf [dreg:s6], $0x2FFFF;
	_ =	strace $0x9FFFFFFF  }
0xc2: {  	(tm) =	ssettm $0x7FFFFFFF  }
0xc3: {  	_ =	shalt  }
tec
execute0_lowered:
.L_overlay_start_1:
0x0: {  	(tag) =	ssettag $0x1  }
0x1: {  	s5 =	rddreg [dreg:$0x0]  }
0x2: {  	s2 =	rddreg [dreg:$0x1]  }
0x3: {  	s0 =	rddreg [dreg:$0x2];
	s3 =	simm.s32 $0x0  }
0x4: {  	s1 =	stileid.u32;
	s4 =	srdreg.scid;
	s16 =	simm.s32 $0x8000  }
0x5: {  	s17 =	simm.s32 $0xA800;
	s18 =	simm.s32 $0x1;
	s19 =	simm.s32 $0x50  }
0x6: {  	s20 =	simm.s32 $0x2;
	s21 =	simm.s32 $0x7C00;
	s6 =	smul.u32 $0xA000, s1  }
0x7: {  	s22 =	simm.s32 $0x7C80;
	s23 =	simm.s32 $0x0;
	s11 =	smul.u32 $0x28000, s1  }
0x8: {  	[smem:$0x7FF] =	sst s3;
	s7 =	sand.u32 $0x1, s4;
	s13 =	smul.u32 $0x271000, s1  }
0x9: {  	s8 =	sadd.s32 $0x540E00, s5;
	s9 =	sshll.u32 s1, $0xC;
	s30 =	smul.u32 $0x4E200, s1  }
0xa: {  	s14 =	sshll.u32 s1, $0x6;
	_ =	strace $0x8000004D;
	s4 =	smul.u32 $0xA0000, s7  }
0xb: {  	s9 =	sadd.s32 s9, s5;
	s28 =	ssub.s32 $0x2, s7;
	s29 =	sshll.u32 s7, $0x10  }
0xc: {  	s14 =	sor.u32 $0x1C03, s14;
	s10 =	sshrl.u32 s6, $0x3;
	s12 =	sshrl.u32 s28, $0x1  }
0xd: {  	s11 =	sshrl.u32 s11, $0x2;
	s7 =	sadd.s32 s29, s9;
	s31 =	sshrl.u32 s13, $0x3  }
0xe: {  	s13 =	simm.s32 $0x3;
	s4 =	sadd.s32 s6, s4;
	s25 =	sadd.s32 s10, s5  }
0xf: {  	s12 =	ssub.s32 s28, s12;
	s15 =	sadd.s32 s11, s2;
	s6 =	sadd.s32 $0x3EE00, s7  }
0x10: {  	s11 =	sadd.s32 s8, s31;
	s7 =	sadd.s32 s8, s30;
	s26 =	sshrl.u32 s4, $0x3  }
0x11: {  	s4 =	sadd.s32 $0x34A00, s5;
	s8 =	sadd.s32 $0x500, s11;
	s11 =	sadd.s32 $0xF00, s7  }
0x12: {  	s15 =	sshrl.u32 s15, $0x3;
	s10 =	sadd.s32 s26, s5;
	s5 =	sadd.s32 $0x5EE00, s25  }
0x13: {  	s9 =	sadd.s32 $0x72E00, s10;
	s10 =	smax.u32 s12, $0x1;
	s12 =	simm.s32 $0xD000  }
.LBB2_1:
0x14: {  	[tilespmem:s12], [sflag:$0x3] =	stream.linear.gather [hbm4b:s4+s3], $0x400, $0x38;
	[tilespmem:$0x17400] =	vst v63  }
0x15: {  	_ =	swait.ge [sflag:s13], $0x400  }
0x16: {  	[sflag:s13] =	ssyncset.done $0x0  }
0x17: {  	[sflag:s13] =	ssyncadd.s32 $0xFFFFFC00  }
0x18: {  	[spmem:s15], [sflag:s14] =	dma.local [hbm:s5], $0x1400  }
0x19: {  	_ =	swait.ge [sflag:s13], $0x1400  }
0x1a: {  	[sflag:s13] =	ssyncset.done $0x0  }
0x1b: {  	[sflag:s13] =	ssyncadd.s32 $0xFFFFEC00  }
0x1c: {  	[tilespmem:s3], [sflag:$0x3] =	stream.linear.gather [hbm4b:s6+s3], $0x7D00, $0x38;
	[tilespmem:$0x17400] =	vst v63  }
0x1d: {  	_ =	swait.ge [sflag:s13], $0x7D00  }
0x1e: {  	[sflag:s13] =	ssyncset.done $0x0  }
0x1f: {  	[sflag:s13] =	ssyncadd.s32 $0xFFFF8300  }
0x20: {  	[bflag:$0x0] =	sbarrier.arrive $0xFFFF  }
0x21: {  	[tilespmem:s16], [sflag:$0x1] =	stream.linear.gather [hbm4b:s7+s3], $0x2800, $0x38;
	[tilespmem:$0x17400] =	vst v63  }
0x22: {  	_ = 	snop  }
0x23: {  	[tilespmem:s17], [sflag:$0x2] =	stream.linear.gather [hbm4b:s8+s3], $0x2800, $0x38;
	[tilespmem:$0x17400] =	vst v63  }
0x24: {  	_ =	swait.ge [sflag:s18], $0x2800  }
0x25: {  	[sflag:s18] =	ssyncset.done $0x0  }
0x26: {  	s24 =	simm.s32 $0x0;
	[sflag:s18] =	ssyncadd.s32 $0xFFFFD800  }
0x27: {  	[spmem:s2] =	stream.indirect.scatter.add.f32 [tilespmem:s16], [sflag:$0x3], $0x80, s24, s19, $0xb8;
	[tilespmem:$0x17400] =	vst v63  }
0x28: {  	_ =	swait.ge [sflag:s13], $0x2800  }
0x29: {  	[sflag:s13] =	ssyncset.done $0x0  }
0x2a: {  	s30 =	sadd.s32 $0xFFFFFB00, s11;
	[sflag:s13] =	ssyncadd.s32 $0xFFFFD800  }
0x2b: {  	[tilespmem:s16], [sflag:$0x1] =	stream.linear.gather [hbm4b:s30+s3], $0x2800, $0x38;
	[tilespmem:$0x17400] =	vst v63  }
0x2c: {  	_ =	swait.ge [sflag:s20], $0x2800  }
0x2d: {  	[sflag:s20] =	ssyncset.done $0x0  }
0x2e: {  	s31 =	simm.s32 $0x80;
	[sflag:s20] =	ssyncadd.s32 $0xFFFFD800  }
0x2f: {  	[spmem:s2] =	stream.indirect.scatter.add.f32 [tilespmem:s17], [sflag:$0x3], $0x80, s31, s19, $0xb8;
	[tilespmem:$0x17400] =	vst v63  }
0x30: {  	_ =	swait.ge [sflag:s13], $0x2800  }
0x31: {  	s25 =	sadd.s32 $0xA00, s11;
	[sflag:s13] =	ssyncset.done $0x0  }
0x32: {  	s26 =	smov.u32 s11;
	s24 =	simm.s32 $0x400;
	[sflag:s13] =	ssyncadd.s32 $0xFFFFD800  }
.LBB2_2:
0x33: {  	[tilespmem:s17], [sflag:$0x2] =	stream.linear.gather [hbm4b:s26+s3], $0x2800, $0x38;
	[tilespmem:$0x17400] =	vst v63  }
0x34: {  	s28 =	smov.u32 s24;
	s26 =	smov.u32 s25  }
0x35: {  	p0 =	sne.s32 s24, $0x1EC00;
	s24 =	sadd.s32 $0x400, s24;
	_ =	swait.ge [sflag:s18], $0x2800  }
0x36: {  	[sflag:s18] =	ssyncset.done $0x0  }
0x37: {  	s28 =	sshra.s32 s28, $0x2;
	[sflag:s18] =	ssyncadd.s32 $0xFFFFD800  }
0x38: {  	[spmem:s2] =	stream.indirect.scatter.add.f32 [tilespmem:s16], [sflag:$0x3], $0x80, s28, s19, $0xb8;
	[tilespmem:$0x17400] =	vst v63  }
0x39: {  	_ =	swait.ge [sflag:s13], $0x2800  }
0x3a: {  	[sflag:s13] =	ssyncset.done $0x0  }
0x3b: {  	s29 =	sadd.s32 $0xFFFFFB00, s25;
	[sflag:s13] =	ssyncadd.s32 $0xFFFFD800  }
0x3c: {  	[tilespmem:s16], [sflag:$0x1] =	stream.linear.gather [hbm4b:s29+s3], $0x2800, $0x38;
	[tilespmem:$0x17400] =	vst v63  }
0x3d: {  	_ =	swait.ge [sflag:s20], $0x2800  }
0x3e: {  	[sflag:s20] =	ssyncset.done $0x0  }
.Ltmp0:
0x3f: {  	s28 =	sadd.s32 $0x80, s28;
	[sflag:s20] =	ssyncadd.s32 $0xFFFFD800;
	(pc) =	sbr.rel @p0 .LBB2_2-.Ltmp0, $4  }
0x40: {  	[spmem:s2] =	stream.indirect.scatter.add.f32 [tilespmem:s17], [sflag:$0x3], $0x80, s28, s19, $0xb8;
	[tilespmem:$0x17400] =	vst v63  }
0x41: {  	_ =	swait.ge [sflag:s13], $0x2800  }
0x42: {  	[sflag:s13] =	ssyncset.done $0x0  }
0x43: {  	s25 =	sadd.s32 $0xA00, s25;
	[sflag:s13] =	ssyncadd.s32 $0xFFFFD800  }
0x44: {  	[tilespmem:s17], [sflag:$0x2] =	stream.linear.gather [hbm4b:s26+s3], $0x2800, $0x38;
	[tilespmem:$0x17400] =	vst v63  }
0x45: {  	_ =	swait.ge [sflag:s18], $0x2800  }
0x46: {  	[sflag:s18] =	ssyncset.done $0x0  }
0x47: {  	[sflag:s18] =	ssyncadd.s32 $0xFFFFD800  }
0x48: {  	[spmem:s2] =	stream.indirect.scatter.add.f32 [tilespmem:s16], [sflag:$0x3], $0x80, s21, s19, $0xb8;
	[tilespmem:$0x17400] =	vst v63  }
0x49: {  	_ =	swait.ge [sflag:s13], $0x2800  }
0x4a: {  	[sflag:s13] =	ssyncset.done $0x0  }
0x4b: {  	[sflag:s13] =	ssyncadd.s32 $0xFFFFD800  }
0x4c: {  	_ =	swait.ge [sflag:s20], $0x2800  }
0x4d: {  	[sflag:s20] =	ssyncset.done $0x0  }
0x4e: {  	[sflag:s20] =	ssyncadd.s32 $0xFFFFD800  }
0x4f: {  	[spmem:s2] =	stream.indirect.scatter.add.f32 [tilespmem:s17], [sflag:$0x3], $0x80, s22, s19, $0xb8;
	[tilespmem:$0x17400] =	vst v63  }
0x50: {  	_ =	swait.ge [sflag:s13], $0x2800  }
0x51: {  	s23 =	sadd.s32 $0x1, s23;
	[sflag:s13] =	ssyncset.done $0x0  }
0x52: {  	p0 =	sne.s32 s23, s10;
	[sflag:s13] =	ssyncadd.s32 $0xFFFFD800  }
.Ltmp1:
0x53: {  	[bflag:$0x0] =	sbarrier.arrive $0xFFFF;
	(pc) =	sbr.rel @p0 .LBB2_1-.Ltmp1, $4  }
0x54: {  	[hbm:s9], [sflag:s14] =	dma.local [spmem:s15], $0x1400  }
0x55: {  	_ =	swait.ge [sflag:s13], $0x1400  }
0x56: {  	[sflag:s13] =	ssyncset.done $0x0  }
0x57: {  	[sflag:s13] =	ssyncadd.s32 $0xFFFFEC00  }
0x58: {  	_ =	sfence.sel $0x180000  }
0x59: {  	[bflag:$0x0] =	sbarrier.arrive $0xFFFF  }
0x5a: {  	p0 =	sne.s32 s1, $0x0;
	_ =	strace $0x9000004D  }
0x5b: {  	s0 =	sadd.s32 @!p0 $0x100000, s0;
	[bflag:$0x2] =	sbarrier.arrive $0xFFFF  }
0x5c: {  	[sflag:s0] =	ssyncadd.tile.s32 @!p0 $0x1;
	_ =	shalt  }
.Lfunc_end2:
_tile_overlayer_lowered:
.L_overlay_start_2:
0x5d: {  	(tag) =	ssettag $0x2  }
0x5e: {  	s0 =	rddreg [dreg:$0x0];
	s2 =	stileid.u32  }
0x5f: {  	s1 =	rddreg [dreg:$0x1];
	p0 =	sne.s32 s2, $0x0  }
0x60: {  	s3 =	rddreg [dreg:$0x2];
	[bflag:$0x3] =	sbarrier.arrive $0xFFFF;
	s2 =	simm.s32 @!p0 $0x1C03  }
0x61: {  	[timem:s3], [sflag:s2] =	dma.local @!p0 [hbm:s0], s1  }
0x62: {  	s0 =	simm.s32 @!p0 $0x3  }
0x63: {  	_ =	swait.ge @!p0 [sflag:s0], s1  }
0x64: {  	s1 =	ssub.s32 @!p0 $0x0, s1;
	[sflag:s0] =	ssyncset.done @!p0 $0x0  }
0x65: {  	[sflag:s0] =	ssyncadd.s32 @!p0 s1  }
0x66: {  	[bflag:$0x3] =	sbarrier.arrive $0xFFFF  }
0x67: {  	_ =	shalt  }

// kernel: kernel.22.cloned.1.call-start
scs
__scs_entry_jumppad:
0x0: {  	(pc) =	sbr.rel $0x88, $3  }
0x1: {  	(tag) =	ssettag $0x0;
	lr =	simm.s32 $0x1  }
0x2: {  	[smem:$0x3F9A] =	sst lr;
	_ =	strace $0xD0000000  }
0x3: {  	_ = 	snop  }
0x4: {  	_ = 	snop  }
0x5: {  	_ = 	snop  }
0x6: {  	_ = 	snop  }
0x7: {  	_ = 	snop  }
__scs_overlays_trampoline_lowered:
0x8: {  	[smem:$0x3FA9] =	sst s0  }
0x9: {  	[smem:$0x3FAA] =	sst s1  }
0xa: {  	[smem:$0x3FAB] =	sst s2  }
0xb: {  	[smem:$0x3FAC] =	sst s3  }
0xc: {  	[smem:$0x3FAD] =	sst s4  }
0xd: {  	[smem:$0x3FAE] =	sst s5  }
0xe: {  	[smem:$0x3FAF] =	sst s6  }
0xf: {  	[smem:$0x3FB0] =	sst s7  }
0x10: {  	[smem:$0x3FB1] =	sst s8  }
0x11: {  	[smem:$0x3FB2] =	sst s9;
	s0 =	simm.s32 @!p0 $0x0  }
0x12: {  	s1 =	sld [smem:$0x3F98];
	s0 =	simm.s32 @p0 $0x1  }
0x13: {  	[smem:$0x3FB3] =	sst s0;
	s0 =	simm.s32 @!p1 $0x0  }
0x14: {  	s2 =	sld [smem:$0x3F97];
	s0 =	simm.s32 @p1 $0x1  }
0x15: {  	[smem:$0x3FB4] =	sst s0;
	s0 =	simm.s32 @!p2 $0x0  }
0x16: {  	s3 =	sld [smem:$0x3FDB];
	s0 =	simm.s32 @p2 $0x1  }
0x17: {  	s4 =	simm.s32 $0x1BF5;
	[smem:$0x3FB6] =	sst s0  }
0x18: {  	s0 =	sld [smem:$0x3F99];
	_ =	swait.ge [sflag:s4], $0x0  }
0x19: {  	s7 =	sld [smem:$0x3F9A]  }
0x1a: {  	s8 =	sadd.s32 $0xFFFFE003, lr  }
0x1b: {  	s9 =	sadd.s32 $0xFFFFFEF7, lr;
	s5 =	simm.s32 $0xFFFFFFFF;
	p2 =	slt.u32 s8, $0xFFFFF086  }
0x1c: {  	p1 =	slt.u32 s9, $0xF7A;
	s5 =	simm.s32 @!p2 $0x0  }
0x1d: {  	s5 =	simm.s32 @p1 $0x1;
	p0 =	seq.s32 s7, s2  }
0x1e: {  	s7 =	smul.u32 @!p0 $0xF7A, s2;
	p2 =	seq.s32 @!p0 s5, $0x0  }
0x1f: {  	s9 =	smul.u32 $0xF7A, s1;
	s8 =	simm.s32 @!p0 $0x1BF5;
	p2 =	por !p2, p0  }
0x20: {  	[sflag:s8] =	ssyncset.s32 @!p0 $0xFFFFF086;
	s6 =	sadd.s32 @!p0 s3, s7;
	s7 =	simm.s32 @!p0 $0x108  }
0x21: {  	s3 =	sadd.s32 s3, s9;
	s6 =	sadd.s32 @!p0 $0x88, s6;
	s7 =	simm.s32 @p2 $0x1082  }
0x22: {  	[simem:s7], [sflag:s8] =	dma.local @!p0 [hbm:s6], $0xF7A  }
0x23: {  	s9 =	sor.u32 $0xD0000000, s2;
	s6 =	simm.s32 $0x108;
	_ =	swait.ge @!p0 [sflag:s8], $0x0  }
0x24: {  	s3 =	sadd.s32 $0x88, s3;
	s6 =	simm.s32 @!p1 $0x1082;
	[sflag:s4] =	ssyncset.s32 $0xFFFFF086  }
0x25: {  	[simem:s6], [sflag:s4] =	dma.local [hbm:s3], $0xF7A  }
0x26: {  	[smem:$0x3F9A] =	sst s1;
	(tag) =	ssettag s2;
	_ =	strace s9  }
0x27: {  	s1 =	sld [smem:$0x3FAA]  }
0x28: {  	s2 =	sld [smem:$0x3FAB]  }
0x29: {  	s4 =	sld [smem:$0x3FAD]  }
0x2a: {  	p0 =	seq.s32 s5, $0x0;
	s5 =	sld [smem:$0x3FAE]  }
0x2b: {  	s6 =	sld [smem:$0x3FAF]  }
0x2c: {  	s7 =	sld [smem:$0x3FB0]  }
0x2d: {  	s3 =	simm.s32 $0x108;
	s8 =	sld [smem:$0x3FB1]  }
0x2e: {  	s3 =	simm.s32 @!p0 $0x1082;
	s9 =	sld [smem:$0x3FB2]  }
0x2f: {  	lr =	sadd.s32 s0, s3;
	s0 =	sld [smem:$0x3FA9]  }
0x30: {  	s3 =	sld [smem:$0x3FAC]  }
0x31: {  	[smem:$0x3FB5] =	sst s10  }
0x32: {  	s10 =	sld [smem:$0x3FB3];
	_ =	sdelay $0x3  }
0x33: {  	p0 =	seq.s32 s10, $0x1;
	s10 =	sld [smem:$0x3FB5];
	_ =	sdelay $0x3  }
0x34: {  	[smem:$0x3FB5] =	sst s10  }
0x35: {  	s10 =	sld [smem:$0x3FB4];
	_ =	sdelay $0x3  }
0x36: {  	p1 =	seq.s32 s10, $0x1;
	s10 =	sld [smem:$0x3FB5];
	_ =	sdelay $0x3  }
0x37: {  	[smem:$0x3FB5] =	sst s10  }
0x38: {  	s10 =	sld [smem:$0x3FB6]  }
0x39: {  	_ = 	snop;
	(pc) =	sbr.ind lr, $3  }
0x3a: {  	_ = 	snop  }
0x3b: {  	_ = 	snop  }
0x3c: {  	p2 =	seq.s32 s10, $0x1;
	s10 =	sld [smem:$0x3FB5]  }
0x3d: {  	_ =	shalt  }
0x3e: {  	_ =	shalt  }
0x3f: {  	_ =	shalt  }
0x40: {  	_ =	shalt  }
0x41: {  	_ =	shalt  }
0x42: {  	_ =	shalt  }
0x43: {  	_ =	shalt  }
0x44: {  	_ =	shalt  }
0x45: {  	_ =	shalt  }
0x46: {  	_ =	shalt  }
0x47: {  	_ =	shalt  }
0x48: {  	_ =	shalt  }
0x49: {  	_ =	shalt  }
0x4a: {  	_ =	shalt  }
0x4b: {  	_ =	shalt  }
0x4c: {  	_ =	shalt  }
0x4d: {  	_ =	shalt  }
0x4e: {  	_ =	shalt  }
0x4f: {  	_ =	shalt  }
0x50: {  	_ =	shalt  }
0x51: {  	_ =	shalt  }
0x52: {  	_ =	shalt  }
0x53: {  	_ =	shalt  }
0x54: {  	_ =	shalt  }
0x55: {  	_ =	shalt  }
0x56: {  	_ =	shalt  }
0x57: {  	_ =	shalt  }
0x58: {  	_ =	shalt  }
0x59: {  	_ =	shalt  }
0x5a: {  	_ =	shalt  }
0x5b: {  	_ =	shalt  }
0x5c: {  	_ =	shalt  }
0x5d: {  	_ =	shalt  }
0x5e: {  	_ =	shalt  }
0x5f: {  	_ =	shalt  }
0x60: {  	_ =	shalt  }
0x61: {  	_ =	shalt  }
0x62: {  	_ =	shalt  }
0x63: {  	_ =	shalt  }
0x64: {  	_ =	shalt  }
0x65: {  	_ =	shalt  }
0x66: {  	_ =	shalt  }
0x67: {  	_ =	shalt  }
0x68: {  	_ =	shalt  }
0x69: {  	_ =	shalt  }
0x6a: {  	_ =	shalt  }
0x6b: {  	_ =	shalt  }
0x6c: {  	_ =	shalt  }
0x6d: {  	_ =	shalt  }
0x6e: {  	_ =	shalt  }
0x6f: {  	_ =	shalt  }
0x70: {  	_ =	shalt  }
0x71: {  	_ =	shalt  }
0x72: {  	_ =	shalt  }
0x73: {  	_ =	shalt  }
0x74: {  	_ =	shalt  }
0x75: {  	_ =	shalt  }
0x76: {  	_ =	shalt  }
0x77: {  	_ =	shalt  }
0x78: {  	_ =	shalt  }
0x79: {  	_ =	shalt  }
0x7a: {  	_ =	shalt  }
0x7b: {  	_ =	shalt  }
0x7c: {  	_ =	shalt  }
0x7d: {  	_ =	shalt  }
0x7e: {  	_ =	shalt  }
0x7f: {  	_ =	shalt  }
0x80: {  	_ =	shalt  }
0x81: {  	_ =	shalt  }
0x82: {  	_ =	shalt  }
0x83: {  	_ =	shalt  }
0x84: {  	_ =	shalt  }
0x85: {  	_ =	shalt  }
0x86: {  	_ =	shalt  }
0x87: {  	_ =	shalt  }
.Lfunc_end0:
.L_simem_size_0:
called_computation.3_lowered:
.L_overlay_start_0:
0x88: {  	s2 =	sld [smem:$0x3FD9]  }
0x89: {  	s3 =	sld [smem:$0x3FFE];
	_ =	sdelay $0x1  }
0x8a: {  	s1 =	srdreg.scid  }
0x8b: {  	s0 =	sand.u32 $0x1, s1  }
0x8c: {  	s17 =	sshll.u32 s0, $0xA;
	s2 =	sadd.s32 s3, s2  }
0x8d: {  	s2 =	sadd.s32 s2, s17  }
0x8e: {  	[smem:$0x3FC1] =	sst s2  }
0x8f: {  	_ = 	snop  }
0x90: {  	s2 =	sld [smem:$0x3FD0];
	(tm) =	ssettm $0x1  }
0x91: {  	s18 =	sld [smem:$0x3FFB];
	_ =	sdelay $0x3  }
0x92: {  	_ =	strace s18  }
0x93: {  	s3 =	sld [smem:$0x3FFC];
	_ =	sdelay $0x3  }
0x94: {  	_ =	strace s3  }
0x95: {  	s3 =	sld [smem:$0x3FFD];
	_ =	sdelay $0x3  }
0x96: {  	_ =	strace s3  }
0x97: {  	_ =	strace $0x8FFFFFFF  }
0x98: {  	s19 =	sld [smem:$0x3FDB];
	_ =	sdelay $0x1  }
0x99: {  	s4 =	simm.s32 $_scs_section_size  }
0x9a: {  	s5 =	simm.s32 $_size__tile_overlayer_lowered;
	s6 =	simm.s32 $_tile_overlayer_lowered  }
0x9b: {  	s22 =	simm.s32 $0x1BFF;
	s21 =	sshll.u32 s6, $0x1;
	s3 =	sadd.s32 s4, s19  }
0x9c: {  	s7 =	simm.s32 $0x0;
	s20 =	sshll.u32 s5, $0x1;
	s5 =	sadd.s32 s21, s3  }
0x9d: {  	[timem:s7], [sflag:s22] =	dma.local [hbm:s5], s20  }
0x9e: {  	_ =	swait.ge [sflag:s22], s20  }
0x9f: {  	s4 =	ssub.s32 $0x0, s20;
	[sflag:s22] =	ssyncset.done $0x0  }
0xa0: {  	[sflag:s22] =	ssyncadd.s32 s4;
	_ =	sdelay $0x1  }
0xa1: {  	s23 =	simm.s32 $0x1B8B  }
0xa2: {  	_ =	swait.ge [sflag:s23], $0x1  }
0xa3: {  	[sflag:s23] =	ssyncset.done $0x0  }
0xa4: {  	s25 =	simm.s32 $0x1B8E;
	s24 =	sld [smem:$0x3FFE];
	[sflag:s23] =	ssyncadd.s32 $0xFFFFFFFF  }
0xa5: {  	s26 =	simm.s32 $execute0_lowered;
	[smem:$0x3FD2] =	sst s25  }
0xa6: {  	s5 =	sshll.u32 s26, $0x1;
	_ =	strace $0x8000004F;
	[dreg:$0x1] =	wrdreg $0xFFFFFFFF  }
0xa7: {  	s28 =	simm.s32 $_size_execute0_lowered;
	s3 =	sadd.s32 s3, s5;
	[dreg:$0x0] =	wrdreg $0x0  }
0xa8: {  	s5 =	sshll.u32 s28, $0x1;
	[dreg:$0x2] =	wrdreg s3  }
0xa9: {  	[dreg:$0x3] =	wrdreg s5  }
0xaa: {  	[dreg:$0x4] =	wrdreg $0xC0  }
0xab: {  	_ =	task [dreg:s7], $0x5FFFF  }
0xac: {  	[dreg:$0x1] =	wrdreg $0xFFFFFFFF  }
0xad: {  	[dreg:$0x0] =	wrdreg $0x60  }
0xae: {  	[dreg:$0x2] =	wrdreg s2  }
0xaf: {  	[dreg:$0x3] =	wrdreg s24  }
0xb0: {  	[dreg:$0x4] =	wrdreg $0x154000  }
0xb1: {  	[dreg:$0x5] =	wrdreg $0x9  }
0xb2: {  	_ =	task.clear_ibuf [dreg:s7], $0x6FFFF;
	_ =	strace $0x9000004F  }
0xb3: {  	s29 =	simm.s32 $0x9;
	_ =	strace $0x80000051  }
0xb4: {  	_ =	swait.ge [sflag:s29], $0x1  }
0xb5: {  	[sflag:s29] =	ssyncadd.s32 $0xFFFFFFFF  }
0xb6: {  	_ =	strace $0x90000051  }
0xb7: {  	_ =	sfence  }
0xb8: {  	s30 =	sld [smem:$0x0];
	_ =	sdelay $0x2  }
0xb9: {  	s31 =	sshll.u32 s1, $0xD;
	s1 =	sshrl.u32 s1, $0x2  }
0xba: {  	s3 =	sand.u32 $0x4000, s31;
	s1 =	sadd.s32 s1, s30  }
0xbb: {  	s0 =	sor.u32 s3, s0;
	s1 =	sshll.u32 s1, $0x11  }
0xbc: {  	s0 =	sor.u32 s1, s0  }
0xbd: {  	s0 =	sadd.s32 $0x8F2B, s0  }
0xbe: {  	[sflag:s0] =	ssyncadd.remote.s32 $0x1  }
0xbf: {  	_ =	sfence.sel $0xFFFF  }
0xc0: {  	[dreg:$0x0] =	wrdreg $0xFFFFFFFF;
	(pc) =	sbr.abs _section_cstart, $3  }
0xc1: {  	[dreg:$0x1] =	wrdreg $0xFFFFFFFF  }
0xc2: {  	_ =	task.clear_ibuf [dreg:s7], $0x2FFFF;
	_ =	strace $0x9FFFFFFF  }
0xc3: {  	(tm) =	ssettm $0x7FFFFFFF  }
tec
execute0_lowered:
.L_overlay_start_1:
0x0: {  	(tag) =	ssettag $0x1  }
0x1: {  	s2 =	rddreg [dreg:$0x0]  }
0x2: {  	s6 =	rddreg [dreg:$0x1]  }
0x3: {  	s3 =	rddreg [dreg:$0x2]  }
0x4: {  	s0 =	rddreg [dreg:$0x3]  }
0x5: {  	s1 =	stileid.u32;
	s5 =	srdreg.scid  }
0x6: {  	s4 =	simm.s32 $0x0;
	s15 =	simm.s32 $0x8000;
	s16 =	simm.s32 $0x50  }
0x7: {  	s17 =	simm.s32 $0x10000;
	s18 =	simm.s32 $0x80;
	s19 =	simm.s32 $0x12800  }
0x8: {  	s20 =	simm.s32 $0x1;
	s21 =	simm.s32 $0x2;
	s22 =	simm.s32 $0xFC00  }
0x9: {  	s23 =	simm.s32 $0xFC80;
	s24 =	simm.s32 $0x0;
	s7 =	smul.u32 $0xA000, s1  }
0xa: {  	s8 =	sand.u32 $0x1, s5;
	[smem:$0x7FF] =	sst s4;
	s25 =	sshll.u32 s1, $0xC  }
0xb: {  	s28 =	smul.u32 $0x28000, s1;
	s5 =	sadd.s32 $0x3A00, s6;
	s31 =	sshll.u32 s1, $0x6  }
0xc: {  	s9 =	smul.u32 $0xA0000, s8;
	_ =	strace $0x80000050;
	s10 =	sadd.s32 s25, s6  }
0xd: {  	s12 =	ssub.s32 $0x2, s8;
	s8 =	sshll.u32 s8, $0x10;
	s26 =	sshrl.u32 s7, $0x3  }
0xe: {  	s29 =	sshrl.u32 s12, $0x1;
	s30 =	sshrl.u32 s28, $0x2;
	s8 =	sadd.s32 s8, s10  }
0xf: {  	s11 =	sadd.s32 s26, s6;
	s7 =	sadd.s32 s7, s9;
	s12 =	ssub.s32 s12, s29  }
0x10: {  	s14 =	sadd.s32 s30, s3;
	s8 =	sadd.s32 $0x3EE00, s8;
	s7 =	sshrl.u32 s7, $0x3  }
0x11: {  	s14 =	sshrl.u32 s14, $0x3;
	s13 =	sadd.s32 s7, s6;
	s6 =	sadd.s32 $0x5EE00, s11  }
0x12: {  	s7 =	sadd.s32 $0x9AE00, s10;
	s10 =	smax.u32 s12, $0x1;
	s11 =	simm.s32 $0x15000  }
0x13: {  	s12 =	simm.s32 $0x3;
	s9 =	sadd.s32 $0xAAE00, s13;
	s13 =	sor.u32 $0x1C03, s31  }
.LBB2_1:
0x14: {  	[tilespmem:s11], [sflag:$0x3] =	stream.linear.gather [hbm4b:s5+s4], $0x400, $0x38;
	[tilespmem:$0x1F400] =	vst v63  }
0x15: {  	_ =	swait.ge [sflag:s12], $0x400  }
0x16: {  	[sflag:s12] =	ssyncset.done $0x0  }
0x17: {  	[sflag:s12] =	ssyncadd.s32 $0xFFFFFC00  }
0x18: {  	[spmem:s14], [sflag:s13] =	dma.local [hbm:s6], $0x1400  }
0x19: {  	_ =	swait.ge [sflag:s12], $0x1400  }
0x1a: {  	[sflag:s12] =	ssyncset.done $0x0  }
0x1b: {  	[sflag:s12] =	ssyncadd.s32 $0xFFFFEC00  }
0x1c: {  	[tilespmem:s4], [sflag:$0x3] =	stream.linear.gather [hbm4b:s7+s4], $0x7D00, $0x38;
	[tilespmem:$0x1F400] =	vst v63  }
0x1d: {  	_ =	swait.ge [sflag:s12], $0x7D00  }
0x1e: {  	[sflag:s12] =	ssyncset.done $0x0  }
0x1f: {  	[sflag:s12] =	ssyncadd.s32 $0xFFFF8300  }
0x20: {  	[tilespmem:s15], [sflag:$0x3] =	stream.linear.gather [hbm4b:s8+s4], $0x7D00, $0x38;
	[tilespmem:$0x1F400] =	vst v63  }
0x21: {  	_ =	swait.ge [sflag:s12], $0x7D00  }
0x22: {  	[sflag:s12] =	ssyncset.done $0x0  }
0x23: {  	[sflag:s12] =	ssyncadd.s32 $0xFFFF8300  }
0x24: {  	[bflag:$0x0] =	sbarrier.arrive $0xFFFF  }
0x25: {  	[tilespmem:s17], [sflag:$0x1] =	stream.indirect.gather [hbm4b:s2+s16], $0x80, s4, s16, $0xb8;
	[tilespmem:$0x1F400] =	vst v63  }
0x26: {  	_ = 	snop  }
0x27: {  	[tilespmem:s19], [sflag:$0x2] =	stream.indirect.gather [hbm4b:s2+s16], $0x80, s18, s16, $0xb8;
	[tilespmem:$0x1F400] =	vst v63  }
0x28: {  	_ =	swait.ge [sflag:s20], $0x2800  }
0x29: {  	[sflag:s20] =	ssyncset.done $0x0  }
0x2a: {  	s25 =	simm.s32 $0x8000;
	[sflag:s20] =	ssyncadd.s32 $0xFFFFD800  }
0x2b: {  	[spmem:s3] =	stream.indirect.scatter.add.f32 [tilespmem:s17], [sflag:$0x3], $0x80, s25, s16, $0xb8;
	[tilespmem:$0x1F400] =	vst v63  }
0x2c: {  	_ =	swait.ge [sflag:s12], $0x2800  }
0x2d: {  	[sflag:s12] =	ssyncset.done $0x0  }
0x2e: {  	s30 =	simm.s32 $0x100;
	[sflag:s12] =	ssyncadd.s32 $0xFFFFD800  }
0x2f: {  	[tilespmem:s17], [sflag:$0x1] =	stream.indirect.gather [hbm4b:s2+s16], $0x80, s30, s16, $0xb8;
	[tilespmem:$0x1F400] =	vst v63  }
0x30: {  	_ =	swait.ge [sflag:s21], $0x2800  }
0x31: {  	[sflag:s21] =	ssyncset.done $0x0  }
0x32: {  	s31 =	simm.s32 $0x8080;
	[sflag:s21] =	ssyncadd.s32 $0xFFFFD800  }
0x33: {  	[spmem:s3] =	stream.indirect.scatter.add.f32 [tilespmem:s19], [sflag:$0x3], $0x80, s31, s16, $0xb8;
	[tilespmem:$0x1F400] =	vst v63  }
0x34: {  	_ =	swait.ge [sflag:s12], $0x2800  }
0x35: {  	[sflag:s12] =	ssyncset.done $0x0  }
0x36: {  	s26 =	simm.s32 $0x180;
	s25 =	simm.s32 $0x400;
	[sflag:s12] =	ssyncadd.s32 $0xFFFFD800  }
.LBB2_2:
0x37: {  	[tilespmem:s19], [sflag:$0x2] =	stream.indirect.gather [hbm4b:s2+s16], $0x80, s26, s16, $0xb8;
	[tilespmem:$0x1F400] =	vst v63  }
0x38: {  	s26 =	smov.u32 s25  }
0x39: {  	p0 =	sne.s32 s25, $0x1EC00;
	s25 =	sadd.s32 $0x400, s25;
	_ =	swait.ge [sflag:s20], $0x2800  }
0x3a: {  	s26 =	sshra.s32 s26, $0x2;
	[sflag:s20] =	ssyncset.done $0x0  }
0x3b: {  	s28 =	sadd.s32 $0x8000, s26;
	[sflag:s20] =	ssyncadd.s32 $0xFFFFD800  }
0x3c: {  	[spmem:s3] =	stream.indirect.scatter.add.f32 [tilespmem:s17], [sflag:$0x3], $0x80, s28, s16, $0xb8;
	[tilespmem:$0x1F400] =	vst v63  }
0x3d: {  	_ =	swait.ge [sflag:s12], $0x2800  }
0x3e: {  	[sflag:s12] =	ssyncset.done $0x0  }
0x3f: {  	s28 =	sadd.s32 $0x100, s26;
	[sflag:s12] =	ssyncadd.s32 $0xFFFFD800  }
0x40: {  	[tilespmem:s17], [sflag:$0x1] =	stream.indirect.gather [hbm4b:s2+s16], $0x80, s28, s16, $0xb8;
	[tilespmem:$0x1F400] =	vst v63  }
0x41: {  	_ =	swait.ge [sflag:s21], $0x2800  }
0x42: {  	[sflag:s21] =	ssyncset.done $0x0  }
.Ltmp0:
0x43: {  	s28 =	sadd.s32 $0x8080, s26;
	[sflag:s21] =	ssyncadd.s32 $0xFFFFD800;
	(pc) =	sbr.rel @p0 .LBB2_2-.Ltmp0, $4  }
0x44: {  	[spmem:s3] =	stream.indirect.scatter.add.f32 [tilespmem:s19], [sflag:$0x3], $0x80, s28, s16, $0xb8;
	[tilespmem:$0x1F400] =	vst v63  }
0x45: {  	_ =	swait.ge [sflag:s12], $0x2800  }
0x46: {  	[sflag:s12] =	ssyncset.done $0x0  }
0x47: {  	s26 =	sadd.s32 $0x180, s26;
	[sflag:s12] =	ssyncadd.s32 $0xFFFFD800  }
0x48: {  	[tilespmem:s19], [sflag:$0x2] =	stream.indirect.gather [hbm4b:s2+s16], $0x80, s26, s16, $0xb8;
	[tilespmem:$0x1F400] =	vst v63  }
0x49: {  	_ =	swait.ge [sflag:s20], $0x2800  }
0x4a: {  	[sflag:s20] =	ssyncset.done $0x0  }
0x4b: {  	[sflag:s20] =	ssyncadd.s32 $0xFFFFD800  }
0x4c: {  	[spmem:s3] =	stream.indirect.scatter.add.f32 [tilespmem:s17], [sflag:$0x3], $0x80, s22, s16, $0xb8;
	[tilespmem:$0x1F400] =	vst v63  }
0x4d: {  	_ =	swait.ge [sflag:s12], $0x2800  }
0x4e: {  	[sflag:s12] =	ssyncset.done $0x0  }
0x4f: {  	[sflag:s12] =	ssyncadd.s32 $0xFFFFD800  }
0x50: {  	_ =	swait.ge [sflag:s21], $0x2800  }
0x51: {  	[sflag:s21] =	ssyncset.done $0x0  }
0x52: {  	[sflag:s21] =	ssyncadd.s32 $0xFFFFD800  }
0x53: {  	[spmem:s3] =	stream.indirect.scatter.add.f32 [tilespmem:s19], [sflag:$0x3], $0x80, s23, s16, $0xb8;
	[tilespmem:$0x1F400] =	vst v63  }
0x54: {  	_ =	swait.ge [sflag:s12], $0x2800  }
0x55: {  	s24 =	sadd.s32 $0x1, s24;
	[sflag:s12] =	ssyncset.done $0x0  }
0x56: {  	p0 =	sne.s32 s24, s10;
	[sflag:s12] =	ssyncadd.s32 $0xFFFFD800  }
.Ltmp1:
0x57: {  	[bflag:$0x0] =	sbarrier.arrive $0xFFFF;
	(pc) =	sbr.rel @p0 .LBB2_1-.Ltmp1, $4  }
0x58: {  	[hbm:s9], [sflag:s13] =	dma.local [spmem:s14], $0x1400  }
0x59: {  	_ =	swait.ge [sflag:s12], $0x1400  }
0x5a: {  	[sflag:s12] =	ssyncset.done $0x0  }
0x5b: {  	[sflag:s12] =	ssyncadd.s32 $0xFFFFEC00  }
0x5c: {  	_ =	sfence.sel $0x180000  }
0x5d: {  	[bflag:$0x0] =	sbarrier.arrive $0xFFFF  }
0x5e: {  	p0 =	sne.s32 s1, $0x0;
	_ =	strace $0x90000050  }
0x5f: {  	s0 =	sadd.s32 @!p0 $0x100000, s0;
	[bflag:$0x2] =	sbarrier.arrive $0xFFFF  }
0x60: {  	[sflag:s0] =	ssyncadd.tile.s32 @!p0 $0x1;
	_ =	shalt  }
.Lfunc_end2:
_tile_overlayer_lowered:
.L_overlay_start_2:
0x61: {  	(tag) =	ssettag $0x2  }
0x62: {  	s0 =	rddreg [dreg:$0x0];
	s2 =	stileid.u32  }
0x63: {  	s1 =	rddreg [dreg:$0x1];
	p0 =	sne.s32 s2, $0x0  }
0x64: {  	s3 =	rddreg [dreg:$0x2];
	[bflag:$0x3] =	sbarrier.arrive $0xFFFF;
	s2 =	simm.s32 @!p0 $0x1C03  }
0x65: {  	[timem:s3], [sflag:s2] =	dma.local @!p0 [hbm:s0], s1  }
0x66: {  	s0 =	simm.s32 @!p0 $0x3  }
0x67: {  	_ =	swait.ge @!p0 [sflag:s0], s1  }
0x68: {  	s1 =	ssub.s32 @!p0 $0x0, s1;
	[sflag:s0] =	ssyncset.done @!p0 $0x0  }
0x69: {  	[sflag:s0] =	ssyncadd.s32 @!p0 s1  }
0x6a: {  	[bflag:$0x3] =	sbarrier.arrive $0xFFFF  }
0x6b: {  	_ =	shalt  }

// kernel: kernel.25.cloned.1.call-start
scs
__scs_entry_jumppad:
0x0: {  	(pc) =	sbr.rel $0x88, $3  }
0x1: {  	(tag) =	ssettag $0x0;
	lr =	simm.s32 $0x1  }
0x2: {  	[smem:$0x3F9A] =	sst lr;
	_ =	strace $0xD0000000  }
0x3: {  	_ = 	snop  }
0x4: {  	_ = 	snop  }
0x5: {  	_ = 	snop  }
0x6: {  	_ = 	snop  }
0x7: {  	_ = 	snop  }
__scs_overlays_trampoline_lowered:
0x8: {  	[smem:$0x3FA9] =	sst s0  }
0x9: {  	[smem:$0x3FAA] =	sst s1  }
0xa: {  	[smem:$0x3FAB] =	sst s2  }
0xb: {  	[smem:$0x3FAC] =	sst s3  }
0xc: {  	[smem:$0x3FAD] =	sst s4  }
0xd: {  	[smem:$0x3FAE] =	sst s5  }
0xe: {  	[smem:$0x3FAF] =	sst s6  }
0xf: {  	[smem:$0x3FB0] =	sst s7  }
0x10: {  	[smem:$0x3FB1] =	sst s8  }
0x11: {  	[smem:$0x3FB2] =	sst s9;
	s0 =	simm.s32 @!p0 $0x0  }
0x12: {  	s1 =	sld [smem:$0x3F98];
	s0 =	simm.s32 @p0 $0x1  }
0x13: {  	[smem:$0x3FB3] =	sst s0;
	s0 =	simm.s32 @!p1 $0x0  }
0x14: {  	s2 =	sld [smem:$0x3F97];
	s0 =	simm.s32 @p1 $0x1  }
0x15: {  	[smem:$0x3FB4] =	sst s0;
	s0 =	simm.s32 @!p2 $0x0  }
0x16: {  	s3 =	sld [smem:$0x3FDB];
	s0 =	simm.s32 @p2 $0x1  }
0x17: {  	s4 =	simm.s32 $0x1BF5;
	[smem:$0x3FB6] =	sst s0  }
0x18: {  	s0 =	sld [smem:$0x3F99];
	_ =	swait.ge [sflag:s4], $0x0  }
0x19: {  	s7 =	sld [smem:$0x3F9A]  }
0x1a: {  	s8 =	sadd.s32 $0xFFFFE003, lr  }
0x1b: {  	s9 =	sadd.s32 $0xFFFFFEF7, lr;
	s5 =	simm.s32 $0xFFFFFFFF;
	p2 =	slt.u32 s8, $0xFFFFF086  }
0x1c: {  	p1 =	slt.u32 s9, $0xF7A;
	s5 =	simm.s32 @!p2 $0x0  }
0x1d: {  	s5 =	simm.s32 @p1 $0x1;
	p0 =	seq.s32 s7, s2  }
0x1e: {  	s7 =	smul.u32 @!p0 $0xF7A, s2;
	p2 =	seq.s32 @!p0 s5, $0x0  }
0x1f: {  	s9 =	smul.u32 $0xF7A, s1;
	s8 =	simm.s32 @!p0 $0x1BF5;
	p2 =	por !p2, p0  }
0x20: {  	[sflag:s8] =	ssyncset.s32 @!p0 $0xFFFFF086;
	s6 =	sadd.s32 @!p0 s3, s7;
	s7 =	simm.s32 @!p0 $0x108  }
0x21: {  	s3 =	sadd.s32 s3, s9;
	s6 =	sadd.s32 @!p0 $0x88, s6;
	s7 =	simm.s32 @p2 $0x1082  }
0x22: {  	[simem:s7], [sflag:s8] =	dma.local @!p0 [hbm:s6], $0xF7A  }
0x23: {  	s9 =	sor.u32 $0xD0000000, s2;
	s6 =	simm.s32 $0x108;
	_ =	swait.ge @!p0 [sflag:s8], $0x0  }
0x24: {  	s3 =	sadd.s32 $0x88, s3;
	s6 =	simm.s32 @!p1 $0x1082;
	[sflag:s4] =	ssyncset.s32 $0xFFFFF086  }
0x25: {  	[simem:s6], [sflag:s4] =	dma.local [hbm:s3], $0xF7A  }
0x26: {  	[smem:$0x3F9A] =	sst s1;
	(tag) =	ssettag s2;
	_ =	strace s9  }
0x27: {  	s1 =	sld [smem:$0x3FAA]  }
0x28: {  	s2 =	sld [smem:$0x3FAB]  }
0x29: {  	s4 =	sld [smem:$0x3FAD]  }
0x2a: {  	p0 =	seq.s32 s5, $0x0;
	s5 =	sld [smem:$0x3FAE]  }
0x2b: {  	s6 =	sld [smem:$0x3FAF]  }
0x2c: {  	s7 =	sld [smem:$0x3FB0]  }
0x2d: {  	s3 =	simm.s32 $0x108;
	s8 =	sld [smem:$0x3FB1]  }
0x2e: {  	s3 =	simm.s32 @!p0 $0x1082;
	s9 =	sld [smem:$0x3FB2]  }
0x2f: {  	lr =	sadd.s32 s0, s3;
	s0 =	sld [smem:$0x3FA9]  }
0x30: {  	s3 =	sld [smem:$0x3FAC]  }
0x31: {  	[smem:$0x3FB5] =	sst s10  }
0x32: {  	s10 =	sld [smem:$0x3FB3];
	_ =	sdelay $0x3  }
0x33: {  	p0 =	seq.s32 s10, $0x1;
	s10 =	sld [smem:$0x3FB5];
	_ =	sdelay $0x3  }
0x34: {  	[smem:$0x3FB5] =	sst s10  }
0x35: {  	s10 =	sld [smem:$0x3FB4];
	_ =	sdelay $0x3  }
0x36: {  	p1 =	seq.s32 s10, $0x1;
	s10 =	sld [smem:$0x3FB5];
	_ =	sdelay $0x3  }
0x37: {  	[smem:$0x3FB5] =	sst s10  }
0x38: {  	s10 =	sld [smem:$0x3FB6]  }
0x39: {  	_ = 	snop;
	(pc) =	sbr.ind lr, $3  }
0x3a: {  	_ = 	snop  }
0x3b: {  	_ = 	snop  }
0x3c: {  	p2 =	seq.s32 s10, $0x1;
	s10 =	sld [smem:$0x3FB5]  }
0x3d: {  	_ =	shalt  }
0x3e: {  	_ =	shalt  }
0x3f: {  	_ =	shalt  }
0x40: {  	_ =	shalt  }
0x41: {  	_ =	shalt  }
0x42: {  	_ =	shalt  }
0x43: {  	_ =	shalt  }
0x44: {  	_ =	shalt  }
0x45: {  	_ =	shalt  }
0x46: {  	_ =	shalt  }
0x47: {  	_ =	shalt  }
0x48: {  	_ =	shalt  }
0x49: {  	_ =	shalt  }
0x4a: {  	_ =	shalt  }
0x4b: {  	_ =	shalt  }
0x4c: {  	_ =	shalt  }
0x4d: {  	_ =	shalt  }
0x4e: {  	_ =	shalt  }
0x4f: {  	_ =	shalt  }
0x50: {  	_ =	shalt  }
0x51: {  	_ =	shalt  }
0x52: {  	_ =	shalt  }
0x53: {  	_ =	shalt  }
0x54: {  	_ =	shalt  }
0x55: {  	_ =	shalt  }
0x56: {  	_ =	shalt  }
0x57: {  	_ =	shalt  }
0x58: {  	_ =	shalt  }
0x59: {  	_ =	shalt  }
0x5a: {  	_ =	shalt  }
0x5b: {  	_ =	shalt  }
0x5c: {  	_ =	shalt  }
0x5d: {  	_ =	shalt  }
0x5e: {  	_ =	shalt  }
0x5f: {  	_ =	shalt  }
0x60: {  	_ =	shalt  }
0x61: {  	_ =	shalt  }
0x62: {  	_ =	shalt  }
0x63: {  	_ =	shalt  }
0x64: {  	_ =	shalt  }
0x65: {  	_ =	shalt  }
0x66: {  	_ =	shalt  }
0x67: {  	_ =	shalt  }
0x68: {  	_ =	shalt  }
0x69: {  	_ =	shalt  }
0x6a: {  	_ =	shalt  }
0x6b: {  	_ =	shalt  }
0x6c: {  	_ =	shalt  }
0x6d: {  	_ =	shalt  }
0x6e: {  	_ =	shalt  }
0x6f: {  	_ =	shalt  }
0x70: {  	_ =	shalt  }
0x71: {  	_ =	shalt  }
0x72: {  	_ =	shalt  }
0x73: {  	_ =	shalt  }
0x74: {  	_ =	shalt  }
0x75: {  	_ =	shalt  }
0x76: {  	_ =	shalt  }
0x77: {  	_ =	shalt  }
0x78: {  	_ =	shalt  }
0x79: {  	_ =	shalt  }
0x7a: {  	_ =	shalt  }
0x7b: {  	_ =	shalt  }
0x7c: {  	_ =	shalt  }
0x7d: {  	_ =	shalt  }
0x7e: {  	_ =	shalt  }
0x7f: {  	_ =	shalt  }
0x80: {  	_ =	shalt  }
0x81: {  	_ =	shalt  }
0x82: {  	_ =	shalt  }
0x83: {  	_ =	shalt  }
0x84: {  	_ =	shalt  }
0x85: {  	_ =	shalt  }
0x86: {  	_ =	shalt  }
0x87: {  	_ =	shalt  }
.Lfunc_end0:
.L_simem_size_0:
called_computation.4_lowered:
.L_overlay_start_0:
0x88: {  	s2 =	sld [smem:$0x3FD9]  }
0x89: {  	s3 =	sld [smem:$0x3FFE];
	_ =	sdelay $0x1  }
0x8a: {  	s1 =	srdreg.scid  }
0x8b: {  	s0 =	sand.u32 $0x1, s1  }
0x8c: {  	s17 =	sshll.u32 s0, $0xA;
	s2 =	sadd.s32 s3, s2  }
0x8d: {  	s2 =	sadd.s32 s2, s17  }
0x8e: {  	[smem:$0x3FC1] =	sst s2  }
0x8f: {  	_ = 	snop  }
0x90: {  	s2 =	sld [smem:$0x3FD0];
	(tm) =	ssettm $0x1  }
0x91: {  	s18 =	sld [smem:$0x3FFB];
	_ =	sdelay $0x3  }
0x92: {  	_ =	strace s18  }
0x93: {  	s3 =	sld [smem:$0x3FFC];
	_ =	sdelay $0x3  }
0x94: {  	_ =	strace s3  }
0x95: {  	s3 =	sld [smem:$0x3FFD];
	_ =	sdelay $0x3  }
0x96: {  	_ =	strace s3  }
0x97: {  	_ =	strace $0x8FFFFFFF  }
0x98: {  	s19 =	sld [smem:$0x3FDB];
	_ =	sdelay $0x1  }
0x99: {  	s4 =	simm.s32 $_scs_section_size  }
0x9a: {  	s5 =	simm.s32 $_size__tile_overlayer_lowered;
	s6 =	simm.s32 $_tile_overlayer_lowered  }
0x9b: {  	s22 =	simm.s32 $0x1BFF;
	s21 =	sshll.u32 s6, $0x1;
	s3 =	sadd.s32 s4, s19  }
0x9c: {  	s7 =	simm.s32 $0x0;
	s20 =	sshll.u32 s5, $0x1;
	s5 =	sadd.s32 s21, s3  }
0x9d: {  	[timem:s7], [sflag:s22] =	dma.local [hbm:s5], s20  }
0x9e: {  	_ =	swait.ge [sflag:s22], s20  }
0x9f: {  	s4 =	ssub.s32 $0x0, s20;
	[sflag:s22] =	ssyncset.done $0x0  }
0xa0: {  	[sflag:s22] =	ssyncadd.s32 s4;
	_ =	sdelay $0x1  }
0xa1: {  	s23 =	simm.s32 $0x1B8B  }
0xa2: {  	_ =	swait.ge [sflag:s23], $0x1  }
0xa3: {  	[sflag:s23] =	ssyncset.done $0x0  }
0xa4: {  	s25 =	simm.s32 $0x1B8E;
	s24 =	sld [smem:$0x3FFE];
	[sflag:s23] =	ssyncadd.s32 $0xFFFFFFFF  }
0xa5: {  	s26 =	simm.s32 $execute0_lowered;
	[smem:$0x3FD2] =	sst s25  }
0xa6: {  	s5 =	sshll.u32 s26, $0x1;
	_ =	strace $0x80000052;
	[dreg:$0x1] =	wrdreg $0xFFFFFFFF  }
0xa7: {  	s28 =	simm.s32 $_size_execute0_lowered;
	s3 =	sadd.s32 s3, s5;
	[dreg:$0x0] =	wrdreg $0x0  }
0xa8: {  	s5 =	sshll.u32 s28, $0x1;
	[dreg:$0x2] =	wrdreg s3  }
0xa9: {  	[dreg:$0x3] =	wrdreg s5  }
0xaa: {  	[dreg:$0x4] =	wrdreg $0xC0  }
0xab: {  	_ =	task [dreg:s7], $0x5FFFF  }
0xac: {  	[dreg:$0x1] =	wrdreg $0xFFFFFFFF  }
0xad: {  	[dreg:$0x0] =	wrdreg $0x60  }
0xae: {  	[dreg:$0x2] =	wrdreg s2  }
0xaf: {  	[dreg:$0x3] =	wrdreg s24  }
0xb0: {  	[dreg:$0x4] =	wrdreg $0x154000  }
0xb1: {  	[dreg:$0x5] =	wrdreg $0x9  }
0xb2: {  	_ =	task.clear_ibuf [dreg:s7], $0x6FFFF;
	_ =	strace $0x90000052  }
0xb3: {  	s29 =	simm.s32 $0x9;
	_ =	strace $0x80000054  }
0xb4: {  	_ =	swait.ge [sflag:s29], $0x1  }
0xb5: {  	[sflag:s29] =	ssyncadd.s32 $0xFFFFFFFF  }
0xb6: {  	_ =	strace $0x90000054  }
0xb7: {  	_ =	sfence  }
0xb8: {  	s30 =	sld [smem:$0x0];
	_ =	sdelay $0x2  }
0xb9: {  	s31 =	sshll.u32 s1, $0xD;
	s1 =	sshrl.u32 s1, $0x2  }
0xba: {  	s3 =	sand.u32 $0x4000, s31;
	s1 =	sadd.s32 s1, s30  }
0xbb: {  	s0 =	sor.u32 s3, s0;
	s1 =	sshll.u32 s1, $0x11  }
0xbc: {  	s0 =	sor.u32 s1, s0  }
0xbd: {  	s0 =	sadd.s32 $0x8F2B, s0  }
0xbe: {  	[sflag:s0] =	ssyncadd.remote.s32 $0x1  }
0xbf: {  	_ =	sfence.sel $0xFFFF  }
0xc0: {  	[dreg:$0x0] =	wrdreg $0xFFFFFFFF;
	(pc) =	sbr.abs _section_cstart, $3  }
0xc1: {  	[dreg:$0x1] =	wrdreg $0xFFFFFFFF  }
0xc2: {  	_ =	task.clear_ibuf [dreg:s7], $0x2FFFF;
	_ =	strace $0x9FFFFFFF  }
0xc3: {  	(tm) =	ssettm $0x7FFFFFFF  }
tec
execute0_lowered:
.L_overlay_start_1:
0x0: {  	(tag) =	ssettag $0x1  }
0x1: {  	s2 =	rddreg [dreg:$0x0]  }
0x2: {  	s6 =	rddreg [dreg:$0x1]  }
0x3: {  	s3 =	rddreg [dreg:$0x2]  }
0x4: {  	s0 =	rddreg [dreg:$0x3]  }
0x5: {  	s1 =	stileid.u32;
	s5 =	srdreg.scid  }
0x6: {  	s4 =	simm.s32 $0x0;
	s15 =	simm.s32 $0x8000;
	s16 =	simm.s32 $0x50  }
0x7: {  	s17 =	simm.s32 $0x10000;
	s18 =	simm.s32 $0x80;
	s19 =	simm.s32 $0x12800  }
0x8: {  	s20 =	simm.s32 $0x1;
	s21 =	simm.s32 $0x2;
	s22 =	simm.s32 $0xFC00  }
0x9: {  	s23 =	simm.s32 $0xFC80;
	s24 =	simm.s32 $0x0;
	s7 =	smul.u32 $0xA000, s1  }
0xa: {  	s8 =	sand.u32 $0x1, s5;
	[smem:$0x7FF] =	sst s4;
	s25 =	sshll.u32 s1, $0xC  }
0xb: {  	s28 =	smul.u32 $0x28000, s1;
	s5 =	sadd.s32 $0x9A000, s6;
	s31 =	sshll.u32 s1, $0x6  }
0xc: {  	s9 =	smul.u32 $0xA0000, s8;
	_ =	strace $0x80000053;
	s10 =	sadd.s32 s25, s6  }
0xd: {  	s12 =	ssub.s32 $0x2, s8;
	s8 =	sshll.u32 s8, $0x10;
	s26 =	sshrl.u32 s7, $0x3  }
0xe: {  	s29 =	sshrl.u32 s12, $0x1;
	s30 =	sshrl.u32 s28, $0x2;
	s8 =	sadd.s32 s8, s10  }
0xf: {  	s11 =	sadd.s32 s26, s6;
	s7 =	sadd.s32 s7, s9;
	s12 =	ssub.s32 s12, s29  }
0x10: {  	s14 =	sadd.s32 s30, s3;
	s8 =	sadd.s32 $0x3EE00, s8;
	s7 =	sshrl.u32 s7, $0x3  }
0x11: {  	s14 =	sshrl.u32 s14, $0x3;
	s13 =	sadd.s32 s7, s6;
	s6 =	sadd.s32 $0x5EE00, s11  }
0x12: {  	s7 =	sadd.s32 $0x9AE00, s10;
	s10 =	smax.u32 s12, $0x1;
	s11 =	simm.s32 $0x15000  }
0x13: {  	s12 =	simm.s32 $0x3;
	s9 =	sadd.s32 $0xAAE00, s13;
	s13 =	sor.u32 $0x1C03, s31  }
.LBB2_1:
0x14: {  	[tilespmem:s11], [sflag:$0x3] =	stream.linear.gather [hbm4b:s5+s4], $0x400, $0x38;
	[tilespmem:$0x1F400] =	vst v63  }
0x15: {  	_ =	swait.ge [sflag:s12], $0x400  }
0x16: {  	[sflag:s12] =	ssyncset.done $0x0  }
0x17: {  	[sflag:s12] =	ssyncadd.s32 $0xFFFFFC00  }
0x18: {  	[spmem:s14], [sflag:s13] =	dma.local [hbm:s6], $0x1400  }
0x19: {  	_ =	swait.ge [sflag:s12], $0x1400  }
0x1a: {  	[sflag:s12] =	ssyncset.done $0x0  }
0x1b: {  	[sflag:s12] =	ssyncadd.s32 $0xFFFFEC00  }
0x1c: {  	[tilespmem:s4], [sflag:$0x3] =	stream.linear.gather [hbm4b:s7+s4], $0x7D00, $0x38;
	[tilespmem:$0x1F400] =	vst v63  }
0x1d: {  	_ =	swait.ge [sflag:s12], $0x7D00  }
0x1e: {  	[sflag:s12] =	ssyncset.done $0x0  }
0x1f: {  	[sflag:s12] =	ssyncadd.s32 $0xFFFF8300  }
0x20: {  	[tilespmem:s15], [sflag:$0x3] =	stream.linear.gather [hbm4b:s8+s4], $0x7D00, $0x38;
	[tilespmem:$0x1F400] =	vst v63  }
0x21: {  	_ =	swait.ge [sflag:s12], $0x7D00  }
0x22: {  	[sflag:s12] =	ssyncset.done $0x0  }
0x23: {  	[sflag:s12] =	ssyncadd.s32 $0xFFFF8300  }
0x24: {  	[bflag:$0x0] =	sbarrier.arrive $0xFFFF  }
0x25: {  	[tilespmem:s17], [sflag:$0x1] =	stream.indirect.gather [hbm4b:s2+s16], $0x80, s4, s16, $0xb8;
	[tilespmem:$0x1F400] =	vst v63  }
0x26: {  	_ = 	snop  }
0x27: {  	[tilespmem:s19], [sflag:$0x2] =	stream.indirect.gather [hbm4b:s2+s16], $0x80, s18, s16, $0xb8;
	[tilespmem:$0x1F400] =	vst v63  }
0x28: {  	_ =	swait.ge [sflag:s20], $0x2800  }
0x29: {  	[sflag:s20] =	ssyncset.done $0x0  }
0x2a: {  	s25 =	simm.s32 $0x8000;
	[sflag:s20] =	ssyncadd.s32 $0xFFFFD800  }
0x2b: {  	[spmem:s3] =	stream.indirect.scatter.add.f32 [tilespmem:s17], [sflag:$0x3], $0x80, s25, s16, $0xb8;
	[tilespmem:$0x1F400] =	vst v63  }
0x2c: {  	_ =	swait.ge [sflag:s12], $0x2800  }
0x2d: {  	[sflag:s12] =	ssyncset.done $0x0  }
0x2e: {  	s30 =	simm.s32 $0x100;
	[sflag:s12] =	ssyncadd.s32 $0xFFFFD800  }
0x2f: {  	[tilespmem:s17], [sflag:$0x1] =	stream.indirect.gather [hbm4b:s2+s16], $0x80, s30, s16, $0xb8;
	[tilespmem:$0x1F400] =	vst v63  }
0x30: {  	_ =	swait.ge [sflag:s21], $0x2800  }
0x31: {  	[sflag:s21] =	ssyncset.done $0x0  }
0x32: {  	s31 =	simm.s32 $0x8080;
	[sflag:s21] =	ssyncadd.s32 $0xFFFFD800  }
0x33: {  	[spmem:s3] =	stream.indirect.scatter.add.f32 [tilespmem:s19], [sflag:$0x3], $0x80, s31, s16, $0xb8;
	[tilespmem:$0x1F400] =	vst v63  }
0x34: {  	_ =	swait.ge [sflag:s12], $0x2800  }
0x35: {  	[sflag:s12] =	ssyncset.done $0x0  }
0x36: {  	s26 =	simm.s32 $0x180;
	s25 =	simm.s32 $0x400;
	[sflag:s12] =	ssyncadd.s32 $0xFFFFD800  }
.LBB2_2:
0x37: {  	[tilespmem:s19], [sflag:$0x2] =	stream.indirect.gather [hbm4b:s2+s16], $0x80, s26, s16, $0xb8;
	[tilespmem:$0x1F400] =	vst v63  }
0x38: {  	s26 =	smov.u32 s25  }
0x39: {  	p0 =	sne.s32 s25, $0x1EC00;
	s25 =	sadd.s32 $0x400, s25;
	_ =	swait.ge [sflag:s20], $0x2800  }
0x3a: {  	s26 =	sshra.s32 s26, $0x2;
	[sflag:s20] =	ssyncset.done $0x0  }
0x3b: {  	s28 =	sadd.s32 $0x8000, s26;
	[sflag:s20] =	ssyncadd.s32 $0xFFFFD800  }
0x3c: {  	[spmem:s3] =	stream.indirect.scatter.add.f32 [tilespmem:s17], [sflag:$0x3], $0x80, s28, s16, $0xb8;
	[tilespmem:$0x1F400] =	vst v63  }
0x3d: {  	_ =	swait.ge [sflag:s12], $0x2800  }
0x3e: {  	[sflag:s12] =	ssyncset.done $0x0  }
0x3f: {  	s28 =	sadd.s32 $0x100, s26;
	[sflag:s12] =	ssyncadd.s32 $0xFFFFD800  }
0x40: {  	[tilespmem:s17], [sflag:$0x1] =	stream.indirect.gather [hbm4b:s2+s16], $0x80, s28, s16, $0xb8;
	[tilespmem:$0x1F400] =	vst v63  }
0x41: {  	_ =	swait.ge [sflag:s21], $0x2800  }
0x42: {  	[sflag:s21] =	ssyncset.done $0x0  }
.Ltmp0:
0x43: {  	s28 =	sadd.s32 $0x8080, s26;
	[sflag:s21] =	ssyncadd.s32 $0xFFFFD800;
	(pc) =	sbr.rel @p0 .LBB2_2-.Ltmp0, $4  }
0x44: {  	[spmem:s3] =	stream.indirect.scatter.add.f32 [tilespmem:s19], [sflag:$0x3], $0x80, s28, s16, $0xb8;
	[tilespmem:$0x1F400] =	vst v63  }
0x45: {  	_ =	swait.ge [sflag:s12], $0x2800  }
0x46: {  	[sflag:s12] =	ssyncset.done $0x0  }
0x47: {  	s26 =	sadd.s32 $0x180, s26;
	[sflag:s12] =	ssyncadd.s32 $0xFFFFD800  }
0x48: {  	[tilespmem:s19], [sflag:$0x2] =	stream.indirect.gather [hbm4b:s2+s16], $0x80, s26, s16, $0xb8;
	[tilespmem:$0x1F400] =	vst v63  }
0x49: {  	_ =	swait.ge [sflag:s20], $0x2800  }
0x4a: {  	[sflag:s20] =	ssyncset.done $0x0  }
0x4b: {  	[sflag:s20] =	ssyncadd.s32 $0xFFFFD800  }
0x4c: {  	[spmem:s3] =	stream.indirect.scatter.add.f32 [tilespmem:s17], [sflag:$0x3], $0x80, s22, s16, $0xb8;
	[tilespmem:$0x1F400] =	vst v63  }
0x4d: {  	_ =	swait.ge [sflag:s12], $0x2800  }
0x4e: {  	[sflag:s12] =	ssyncset.done $0x0  }
0x4f: {  	[sflag:s12] =	ssyncadd.s32 $0xFFFFD800  }
0x50: {  	_ =	swait.ge [sflag:s21], $0x2800  }
0x51: {  	[sflag:s21] =	ssyncset.done $0x0  }
0x52: {  	[sflag:s21] =	ssyncadd.s32 $0xFFFFD800  }
0x53: {  	[spmem:s3] =	stream.indirect.scatter.add.f32 [tilespmem:s19], [sflag:$0x3], $0x80, s23, s16, $0xb8;
	[tilespmem:$0x1F400] =	vst v63  }
0x54: {  	_ =	swait.ge [sflag:s12], $0x2800  }
0x55: {  	s24 =	sadd.s32 $0x1, s24;
	[sflag:s12] =	ssyncset.done $0x0  }
0x56: {  	p0 =	sne.s32 s24, s10;
	[sflag:s12] =	ssyncadd.s32 $0xFFFFD800  }
.Ltmp1:
0x57: {  	[bflag:$0x0] =	sbarrier.arrive $0xFFFF;
	(pc) =	sbr.rel @p0 .LBB2_1-.Ltmp1, $4  }
0x58: {  	[hbm:s9], [sflag:s13] =	dma.local [spmem:s14], $0x1400  }
0x59: {  	_ =	swait.ge [sflag:s12], $0x1400  }
0x5a: {  	[sflag:s12] =	ssyncset.done $0x0  }
0x5b: {  	[sflag:s12] =	ssyncadd.s32 $0xFFFFEC00  }
0x5c: {  	_ =	sfence.sel $0x180000  }
0x5d: {  	[bflag:$0x0] =	sbarrier.arrive $0xFFFF  }
0x5e: {  	p0 =	sne.s32 s1, $0x0;
	_ =	strace $0x90000053  }
0x5f: {  	s0 =	sadd.s32 @!p0 $0x100000, s0;
	[bflag:$0x2] =	sbarrier.arrive $0xFFFF  }
0x60: {  	[sflag:s0] =	ssyncadd.tile.s32 @!p0 $0x1;
	_ =	shalt  }
.Lfunc_end2:
_tile_overlayer_lowered:
.L_overlay_start_2:
0x61: {  	(tag) =	ssettag $0x2  }
0x62: {  	s0 =	rddreg [dreg:$0x0];
	s2 =	stileid.u32  }
0x63: {  	s1 =	rddreg [dreg:$0x1];
	p0 =	sne.s32 s2, $0x0  }
0x64: {  	s3 =	rddreg [dreg:$0x2];
	[bflag:$0x3] =	sbarrier.arrive $0xFFFF;
	s2 =	simm.s32 @!p0 $0x1C03  }
0x65: {  	[timem:s3], [sflag:s2] =	dma.local @!p0 [hbm:s0], s1  }
0x66: {  	s0 =	simm.s32 @!p0 $0x3  }
0x67: {  	_ =	swait.ge @!p0 [sflag:s0], s1  }
0x68: {  	s1 =	ssub.s32 @!p0 $0x0, s1;
	[sflag:s0] =	ssyncset.done @!p0 $0x0  }
0x69: {  	[sflag:s0] =	ssyncadd.s32 @!p0 s1  }
0x6a: {  	[bflag:$0x3] =	sbarrier.arrive $0xFFFF  }
0x6b: {  	_ =	shalt  }

// kernel: kernel.28.cloned.1.call-start
scs
__scs_entry_jumppad:
0x0: {  	(pc) =	sbr.rel $0x88, $3  }
0x1: {  	(tag) =	ssettag $0x0;
	lr =	simm.s32 $0x1  }
0x2: {  	[smem:$0x3F9A] =	sst lr;
	_ =	strace $0xD0000000  }
0x3: {  	_ = 	snop  }
0x4: {  	_ = 	snop  }
0x5: {  	_ = 	snop  }
0x6: {  	_ = 	snop  }
0x7: {  	_ = 	snop  }
__scs_overlays_trampoline_lowered:
0x8: {  	[smem:$0x3FA9] =	sst s0  }
0x9: {  	[smem:$0x3FAA] =	sst s1  }
0xa: {  	[smem:$0x3FAB] =	sst s2  }
0xb: {  	[smem:$0x3FAC] =	sst s3  }
0xc: {  	[smem:$0x3FAD] =	sst s4  }
0xd: {  	[smem:$0x3FAE] =	sst s5  }
0xe: {  	[smem:$0x3FAF] =	sst s6  }
0xf: {  	[smem:$0x3FB0] =	sst s7  }
0x10: {  	[smem:$0x3FB1] =	sst s8  }
0x11: {  	[smem:$0x3FB2] =	sst s9;
	s0 =	simm.s32 @!p0 $0x0  }
0x12: {  	s1 =	sld [smem:$0x3F98];
	s0 =	simm.s32 @p0 $0x1  }
0x13: {  	[smem:$0x3FB3] =	sst s0;
	s0 =	simm.s32 @!p1 $0x0  }
0x14: {  	s2 =	sld [smem:$0x3F97];
	s0 =	simm.s32 @p1 $0x1  }
0x15: {  	[smem:$0x3FB4] =	sst s0;
	s0 =	simm.s32 @!p2 $0x0  }
0x16: {  	s3 =	sld [smem:$0x3FDB];
	s0 =	simm.s32 @p2 $0x1  }
0x17: {  	s4 =	simm.s32 $0x1BF5;
	[smem:$0x3FB6] =	sst s0  }
0x18: {  	s0 =	sld [smem:$0x3F99];
	_ =	swait.ge [sflag:s4], $0x0  }
0x19: {  	s7 =	sld [smem:$0x3F9A]  }
0x1a: {  	s8 =	sadd.s32 $0xFFFFE003, lr  }
0x1b: {  	s9 =	sadd.s32 $0xFFFFFEF7, lr;
	s5 =	simm.s32 $0xFFFFFFFF;
	p2 =	slt.u32 s8, $0xFFFFF086  }
0x1c: {  	p1 =	slt.u32 s9, $0xF7A;
	s5 =	simm.s32 @!p2 $0x0  }
0x1d: {  	s5 =	simm.s32 @p1 $0x1;
	p0 =	seq.s32 s7, s2  }
0x1e: {  	s7 =	smul.u32 @!p0 $0xF7A, s2;
	p2 =	seq.s32 @!p0 s5, $0x0  }
0x1f: {  	s9 =	smul.u32 $0xF7A, s1;
	s8 =	simm.s32 @!p0 $0x1BF5;
	p2 =	por !p2, p0  }
0x20: {  	[sflag:s8] =	ssyncset.s32 @!p0 $0xFFFFF086;
	s6 =	sadd.s32 @!p0 s3, s7;
	s7 =	simm.s32 @!p0 $0x108  }
0x21: {  	s3 =	sadd.s32 s3, s9;
	s6 =	sadd.s32 @!p0 $0x88, s6;
	s7 =	simm.s32 @p2 $0x1082  }
0x22: {  	[simem:s7], [sflag:s8] =	dma.local @!p0 [hbm:s6], $0xF7A  }
0x23: {  	s9 =	sor.u32 $0xD0000000, s2;
	s6 =	simm.s32 $0x108;
	_ =	swait.ge @!p0 [sflag:s8], $0x0  }
0x24: {  	s3 =	sadd.s32 $0x88, s3;
	s6 =	simm.s32 @!p1 $0x1082;
	[sflag:s4] =	ssyncset.s32 $0xFFFFF086  }
0x25: {  	[simem:s6], [sflag:s4] =	dma.local [hbm:s3], $0xF7A  }
0x26: {  	[smem:$0x3F9A] =	sst s1;
	(tag) =	ssettag s2;
	_ =	strace s9  }
0x27: {  	s1 =	sld [smem:$0x3FAA]  }
0x28: {  	s2 =	sld [smem:$0x3FAB]  }
0x29: {  	s4 =	sld [smem:$0x3FAD]  }
0x2a: {  	p0 =	seq.s32 s5, $0x0;
	s5 =	sld [smem:$0x3FAE]  }
0x2b: {  	s6 =	sld [smem:$0x3FAF]  }
0x2c: {  	s7 =	sld [smem:$0x3FB0]  }
0x2d: {  	s3 =	simm.s32 $0x108;
	s8 =	sld [smem:$0x3FB1]  }
0x2e: {  	s3 =	simm.s32 @!p0 $0x1082;
	s9 =	sld [smem:$0x3FB2]  }
0x2f: {  	lr =	sadd.s32 s0, s3;
	s0 =	sld [smem:$0x3FA9]  }
0x30: {  	s3 =	sld [smem:$0x3FAC]  }
0x31: {  	[smem:$0x3FB5] =	sst s10  }
0x32: {  	s10 =	sld [smem:$0x3FB3];
	_ =	sdelay $0x3  }
0x33: {  	p0 =	seq.s32 s10, $0x1;
	s10 =	sld [smem:$0x3FB5];
	_ =	sdelay $0x3  }
0x34: {  	[smem:$0x3FB5] =	sst s10  }
0x35: {  	s10 =	sld [smem:$0x3FB4];
	_ =	sdelay $0x3  }
0x36: {  	p1 =	seq.s32 s10, $0x1;
	s10 =	sld [smem:$0x3FB5];
	_ =	sdelay $0x3  }
0x37: {  	[smem:$0x3FB5] =	sst s10  }
0x38: {  	s10 =	sld [smem:$0x3FB6]  }
0x39: {  	_ = 	snop;
	(pc) =	sbr.ind lr, $3  }
0x3a: {  	_ = 	snop  }
0x3b: {  	_ = 	snop  }
0x3c: {  	p2 =	seq.s32 s10, $0x1;
	s10 =	sld [smem:$0x3FB5]  }
0x3d: {  	_ =	shalt  }
0x3e: {  	_ =	shalt  }
0x3f: {  	_ =	shalt  }
0x40: {  	_ =	shalt  }
0x41: {  	_ =	shalt  }
0x42: {  	_ =	shalt  }
0x43: {  	_ =	shalt  }
0x44: {  	_ =	shalt  }
0x45: {  	_ =	shalt  }
0x46: {  	_ =	shalt  }
0x47: {  	_ =	shalt  }
0x48: {  	_ =	shalt  }
0x49: {  	_ =	shalt  }
0x4a: {  	_ =	shalt  }
0x4b: {  	_ =	shalt  }
0x4c: {  	_ =	shalt  }
0x4d: {  	_ =	shalt  }
0x4e: {  	_ =	shalt  }
0x4f: {  	_ =	shalt  }
0x50: {  	_ =	shalt  }
0x51: {  	_ =	shalt  }
0x52: {  	_ =	shalt  }
0x53: {  	_ =	shalt  }
0x54: {  	_ =	shalt  }
0x55: {  	_ =	shalt  }
0x56: {  	_ =	shalt  }
0x57: {  	_ =	shalt  }
0x58: {  	_ =	shalt  }
0x59: {  	_ =	shalt  }
0x5a: {  	_ =	shalt  }
0x5b: {  	_ =	shalt  }
0x5c: {  	_ =	shalt  }
0x5d: {  	_ =	shalt  }
0x5e: {  	_ =	shalt  }
0x5f: {  	_ =	shalt  }
0x60: {  	_ =	shalt  }
0x61: {  	_ =	shalt  }
0x62: {  	_ =	shalt  }
0x63: {  	_ =	shalt  }
0x64: {  	_ =	shalt  }
0x65: {  	_ =	shalt  }
0x66: {  	_ =	shalt  }
0x67: {  	_ =	shalt  }
0x68: {  	_ =	shalt  }
0x69: {  	_ =	shalt  }
0x6a: {  	_ =	shalt  }
0x6b: {  	_ =	shalt  }
0x6c: {  	_ =	shalt  }
0x6d: {  	_ =	shalt  }
0x6e: {  	_ =	shalt  }
0x6f: {  	_ =	shalt  }
0x70: {  	_ =	shalt  }
0x71: {  	_ =	shalt  }
0x72: {  	_ =	shalt  }
0x73: {  	_ =	shalt  }
0x74: {  	_ =	shalt  }
0x75: {  	_ =	shalt  }
0x76: {  	_ =	shalt  }
0x77: {  	_ =	shalt  }
0x78: {  	_ =	shalt  }
0x79: {  	_ =	shalt  }
0x7a: {  	_ =	shalt  }
0x7b: {  	_ =	shalt  }
0x7c: {  	_ =	shalt  }
0x7d: {  	_ =	shalt  }
0x7e: {  	_ =	shalt  }
0x7f: {  	_ =	shalt  }
0x80: {  	_ =	shalt  }
0x81: {  	_ =	shalt  }
0x82: {  	_ =	shalt  }
0x83: {  	_ =	shalt  }
0x84: {  	_ =	shalt  }
0x85: {  	_ =	shalt  }
0x86: {  	_ =	shalt  }
0x87: {  	_ =	shalt  }
.Lfunc_end0:
.L_simem_size_0:
called_computation.5_lowered:
.L_overlay_start_0:
0x88: {  	s2 =	sld [smem:$0x3FD9]  }
0x89: {  	s3 =	sld [smem:$0x3FFE];
	_ =	sdelay $0x1  }
0x8a: {  	s1 =	srdreg.scid  }
0x8b: {  	s0 =	sand.u32 $0x1, s1  }
0x8c: {  	s17 =	sshll.u32 s0, $0xA;
	s2 =	sadd.s32 s3, s2  }
0x8d: {  	s2 =	sadd.s32 s2, s17  }
0x8e: {  	[smem:$0x3FC1] =	sst s2  }
0x8f: {  	_ = 	snop  }
0x90: {  	s2 =	sld [smem:$0x3FD0];
	(tm) =	ssettm $0x1  }
0x91: {  	s18 =	sld [smem:$0x3FFB];
	_ =	sdelay $0x3  }
0x92: {  	_ =	strace s18  }
0x93: {  	s3 =	sld [smem:$0x3FFC];
	_ =	sdelay $0x3  }
0x94: {  	_ =	strace s3  }
0x95: {  	s3 =	sld [smem:$0x3FFD];
	_ =	sdelay $0x3  }
0x96: {  	_ =	strace s3  }
0x97: {  	_ =	strace $0x8FFFFFFF  }
0x98: {  	s19 =	sld [smem:$0x3FDB];
	_ =	sdelay $0x1  }
0x99: {  	s4 =	simm.s32 $_scs_section_size  }
0x9a: {  	s5 =	simm.s32 $_size__tile_overlayer_lowered;
	s6 =	simm.s32 $_tile_overlayer_lowered  }
0x9b: {  	s22 =	simm.s32 $0x1BFF;
	s21 =	sshll.u32 s6, $0x1;
	s3 =	sadd.s32 s4, s19  }
0x9c: {  	s7 =	simm.s32 $0x0;
	s20 =	sshll.u32 s5, $0x1;
	s5 =	sadd.s32 s21, s3  }
0x9d: {  	[timem:s7], [sflag:s22] =	dma.local [hbm:s5], s20  }
0x9e: {  	_ =	swait.ge [sflag:s22], s20  }
0x9f: {  	s4 =	ssub.s32 $0x0, s20;
	[sflag:s22] =	ssyncset.done $0x0  }
0xa0: {  	[sflag:s22] =	ssyncadd.s32 s4;
	_ =	sdelay $0x1  }
0xa1: {  	s23 =	simm.s32 $0x1B8B  }
0xa2: {  	_ =	swait.ge [sflag:s23], $0x1  }
0xa3: {  	[sflag:s23] =	ssyncset.done $0x0  }
0xa4: {  	s25 =	simm.s32 $0x1B8E;
	s24 =	sld [smem:$0x3FFE];
	[sflag:s23] =	ssyncadd.s32 $0xFFFFFFFF  }
0xa5: {  	s26 =	simm.s32 $execute0_lowered;
	[smem:$0x3FD2] =	sst s25  }
0xa6: {  	s5 =	sshll.u32 s26, $0x1;
	_ =	strace $0x80000055;
	[dreg:$0x1] =	wrdreg $0xFFFFFFFF  }
0xa7: {  	s28 =	simm.s32 $_size_execute0_lowered;
	s3 =	sadd.s32 s3, s5;
	[dreg:$0x0] =	wrdreg $0x0  }
0xa8: {  	s5 =	sshll.u32 s28, $0x1;
	[dreg:$0x2] =	wrdreg s3  }
0xa9: {  	[dreg:$0x3] =	wrdreg s5  }
0xaa: {  	[dreg:$0x4] =	wrdreg $0xC0  }
0xab: {  	_ =	task [dreg:s7], $0x5FFFF  }
0xac: {  	[dreg:$0x1] =	wrdreg $0xFFFFFFFF  }
0xad: {  	[dreg:$0x0] =	wrdreg $0x60  }
0xae: {  	[dreg:$0x2] =	wrdreg s2  }
0xaf: {  	[dreg:$0x3] =	wrdreg s24  }
0xb0: {  	[dreg:$0x4] =	wrdreg $0x154000  }
0xb1: {  	[dreg:$0x5] =	wrdreg $0x9  }
0xb2: {  	_ =	task.clear_ibuf [dreg:s7], $0x6FFFF;
	_ =	strace $0x90000055  }
0xb3: {  	s29 =	simm.s32 $0x9;
	_ =	strace $0x80000057  }
0xb4: {  	_ =	swait.ge [sflag:s29], $0x1  }
0xb5: {  	[sflag:s29] =	ssyncadd.s32 $0xFFFFFFFF  }
0xb6: {  	_ =	strace $0x90000057  }
0xb7: {  	_ =	sfence  }
0xb8: {  	s30 =	sld [smem:$0x0];
	_ =	sdelay $0x2  }
0xb9: {  	s31 =	sshll.u32 s1, $0xD;
	s1 =	sshrl.u32 s1, $0x2  }
0xba: {  	s3 =	sand.u32 $0x4000, s31;
	s1 =	sadd.s32 s1, s30  }
0xbb: {  	s0 =	sor.u32 s3, s0;
	s1 =	sshll.u32 s1, $0x11  }
0xbc: {  	s0 =	sor.u32 s1, s0  }
0xbd: {  	s0 =	sadd.s32 $0x8F2B, s0  }
0xbe: {  	[sflag:s0] =	ssyncadd.remote.s32 $0x1  }
0xbf: {  	_ =	sfence.sel $0xFFFF  }
0xc0: {  	[dreg:$0x0] =	wrdreg $0xFFFFFFFF;
	(pc) =	sbr.abs _section_cstart, $3  }
0xc1: {  	[dreg:$0x1] =	wrdreg $0xFFFFFFFF  }
0xc2: {  	_ =	task.clear_ibuf [dreg:s7], $0x2FFFF;
	_ =	strace $0x9FFFFFFF  }
0xc3: {  	(tm) =	ssettm $0x7FFFFFFF  }
tec
execute0_lowered:
.L_overlay_start_1:
0x0: {  	(tag) =	ssettag $0x1  }
0x1: {  	s2 =	rddreg [dreg:$0x0]  }
0x2: {  	s6 =	rddreg [dreg:$0x1]  }
0x3: {  	s3 =	rddreg [dreg:$0x2]  }
0x4: {  	s0 =	rddreg [dreg:$0x3]  }
0x5: {  	s1 =	stileid.u32;
	s5 =	srdreg.scid  }
0x6: {  	s4 =	simm.s32 $0x0;
	s15 =	simm.s32 $0x8000;
	s16 =	simm.s32 $0x50  }
0x7: {  	s17 =	simm.s32 $0x10000;
	s18 =	simm.s32 $0x80;
	s19 =	simm.s32 $0x12800  }
0x8: {  	s20 =	simm.s32 $0x1;
	s21 =	simm.s32 $0x2;
	s22 =	simm.s32 $0xFC00  }
0x9: {  	s23 =	simm.s32 $0xFC80;
	s24 =	simm.s32 $0x0;
	s7 =	smul.u32 $0xA000, s1  }
0xa: {  	s8 =	sand.u32 $0x1, s5;
	[smem:$0x7FF] =	sst s4;
	s25 =	sshll.u32 s1, $0xC  }
0xb: {  	s28 =	smul.u32 $0x28000, s1;
	s5 =	sadd.s32 $0x9A000, s6;
	s31 =	sshll.u32 s1, $0x6  }
0xc: {  	s9 =	smul.u32 $0xA0000, s8;
	_ =	strace $0x80000056;
	s10 =	sadd.s32 s25, s6  }
0xd: {  	s12 =	ssub.s32 $0x2, s8;
	s8 =	sshll.u32 s8, $0x10;
	s26 =	sshrl.u32 s7, $0x3  }
0xe: {  	s29 =	sshrl.u32 s12, $0x1;
	s30 =	sshrl.u32 s28, $0x2;
	s8 =	sadd.s32 s8, s10  }
0xf: {  	s11 =	sadd.s32 s26, s6;
	s7 =	sadd.s32 s7, s9;
	s12 =	ssub.s32 s12, s29  }
0x10: {  	s14 =	sadd.s32 s30, s3;
	s8 =	sadd.s32 $0x3EE00, s8;
	s7 =	sshrl.u32 s7, $0x3  }
0x11: {  	s14 =	sshrl.u32 s14, $0x3;
	s13 =	sadd.s32 s7, s6;
	s6 =	sadd.s32 $0x5EE00, s11  }
0x12: {  	s7 =	sadd.s32 $0x9AE00, s10;
	s10 =	smax.u32 s12, $0x1;
	s11 =	simm.s32 $0x15000  }
0x13: {  	s12 =	simm.s32 $0x3;
	s9 =	sadd.s32 $0xAAE00, s13;
	s13 =	sor.u32 $0x1C03, s31  }
.LBB2_1:
0x14: {  	[tilespmem:s11], [sflag:$0x3] =	stream.linear.gather [hbm4b:s5+s4], $0x400, $0x38;
	[tilespmem:$0x1F400] =	vst v63  }
0x15: {  	_ =	swait.ge [sflag:s12], $0x400  }
0x16: {  	[sflag:s12] =	ssyncset.done $0x0  }
0x17: {  	[sflag:s12] =	ssyncadd.s32 $0xFFFFFC00  }
0x18: {  	[spmem:s14], [sflag:s13] =	dma.local [hbm:s6], $0x1400  }
0x19: {  	_ =	swait.ge [sflag:s12], $0x1400  }
0x1a: {  	[sflag:s12] =	ssyncset.done $0x0  }
0x1b: {  	[sflag:s12] =	ssyncadd.s32 $0xFFFFEC00  }
0x1c: {  	[tilespmem:s4], [sflag:$0x3] =	stream.linear.gather [hbm4b:s7+s4], $0x7D00, $0x38;
	[tilespmem:$0x1F400] =	vst v63  }
0x1d: {  	_ =	swait.ge [sflag:s12], $0x7D00  }
0x1e: {  	[sflag:s12] =	ssyncset.done $0x0  }
0x1f: {  	[sflag:s12] =	ssyncadd.s32 $0xFFFF8300  }
0x20: {  	[tilespmem:s15], [sflag:$0x3] =	stream.linear.gather [hbm4b:s8+s4], $0x7D00, $0x38;
	[tilespmem:$0x1F400] =	vst v63  }
0x21: {  	_ =	swait.ge [sflag:s12], $0x7D00  }
0x22: {  	[sflag:s12] =	ssyncset.done $0x0  }
0x23: {  	[sflag:s12] =	ssyncadd.s32 $0xFFFF8300  }
0x24: {  	[bflag:$0x0] =	sbarrier.arrive $0xFFFF  }
0x25: {  	[tilespmem:s17], [sflag:$0x1] =	stream.indirect.gather [hbm4b:s2+s16], $0x80, s4, s16, $0xb8;
	[tilespmem:$0x1F400] =	vst v63  }
0x26: {  	_ = 	snop  }
0x27: {  	[tilespmem:s19], [sflag:$0x2] =	stream.indirect.gather [hbm4b:s2+s16], $0x80, s18, s16, $0xb8;
	[tilespmem:$0x1F400] =	vst v63  }
0x28: {  	_ =	swait.ge [sflag:s20], $0x2800  }
0x29: {  	[sflag:s20] =	ssyncset.done $0x0  }
0x2a: {  	s25 =	simm.s32 $0x8000;
	[sflag:s20] =	ssyncadd.s32 $0xFFFFD800  }
0x2b: {  	[spmem:s3] =	stream.indirect.scatter.add.f32 [tilespmem:s17], [sflag:$0x3], $0x80, s25, s16, $0xb8;
	[tilespmem:$0x1F400] =	vst v63  }
0x2c: {  	_ =	swait.ge [sflag:s12], $0x2800  }
0x2d: {  	[sflag:s12] =	ssyncset.done $0x0  }
0x2e: {  	s30 =	simm.s32 $0x100;
	[sflag:s12] =	ssyncadd.s32 $0xFFFFD800  }
0x2f: {  	[tilespmem:s17], [sflag:$0x1] =	stream.indirect.gather [hbm4b:s2+s16], $0x80, s30, s16, $0xb8;
	[tilespmem:$0x1F400] =	vst v63  }
0x30: {  	_ =	swait.ge [sflag:s21], $0x2800  }
0x31: {  	[sflag:s21] =	ssyncset.done $0x0  }
0x32: {  	s31 =	simm.s32 $0x8080;
	[sflag:s21] =	ssyncadd.s32 $0xFFFFD800  }
0x33: {  	[spmem:s3] =	stream.indirect.scatter.add.f32 [tilespmem:s19], [sflag:$0x3], $0x80, s31, s16, $0xb8;
	[tilespmem:$0x1F400] =	vst v63  }
0x34: {  	_ =	swait.ge [sflag:s12], $0x2800  }
0x35: {  	[sflag:s12] =	ssyncset.done $0x0  }
0x36: {  	s26 =	simm.s32 $0x180;
	s25 =	simm.s32 $0x400;
	[sflag:s12] =	ssyncadd.s32 $0xFFFFD800  }
.LBB2_2:
0x37: {  	[tilespmem:s19], [sflag:$0x2] =	stream.indirect.gather [hbm4b:s2+s16], $0x80, s26, s16, $0xb8;
	[tilespmem:$0x1F400] =	vst v63  }
0x38: {  	s26 =	smov.u32 s25  }
0x39: {  	p0 =	sne.s32 s25, $0x1EC00;
	s25 =	sadd.s32 $0x400, s25;
	_ =	swait.ge [sflag:s20], $0x2800  }
0x3a: {  	s26 =	sshra.s32 s26, $0x2;
	[sflag:s20] =	ssyncset.done $0x0  }
0x3b: {  	s28 =	sadd.s32 $0x8000, s26;
	[sflag:s20] =	ssyncadd.s32 $0xFFFFD800  }
0x3c: {  	[spmem:s3] =	stream.indirect.scatter.add.f32 [tilespmem:s17], [sflag:$0x3], $0x80, s28, s16, $0xb8;
	[tilespmem:$0x1F400] =	vst v63  }
0x3d: {  	_ =	swait.ge [sflag:s12], $0x2800  }
0x3e: {  	[sflag:s12] =	ssyncset.done $0x0  }
0x3f: {  	s28 =	sadd.s32 $0x100, s26;
	[sflag:s12] =	ssyncadd.s32 $0xFFFFD800  }
0x40: {  	[tilespmem:s17], [sflag:$0x1] =	stream.indirect.gather [hbm4b:s2+s16], $0x80, s28, s16, $0xb8;
	[tilespmem:$0x1F400] =	vst v63  }
0x41: {  	_ =	swait.ge [sflag:s21], $0x2800  }
0x42: {  	[sflag:s21] =	ssyncset.done $0x0  }
.Ltmp0:
0x43: {  	s28 =	sadd.s32 $0x8080, s26;
	[sflag:s21] =	ssyncadd.s32 $0xFFFFD800;
	(pc) =	sbr.rel @p0 .LBB2_2-.Ltmp0, $4  }
0x44: {  	[spmem:s3] =	stream.indirect.scatter.add.f32 [tilespmem:s19], [sflag:$0x3], $0x80, s28, s16, $0xb8;
	[tilespmem:$0x1F400] =	vst v63  }
0x45: {  	_ =	swait.ge [sflag:s12], $0x2800  }
0x46: {  	[sflag:s12] =	ssyncset.done $0x0  }
0x47: {  	s26 =	sadd.s32 $0x180, s26;
	[sflag:s12] =	ssyncadd.s32 $0xFFFFD800  }
0x48: {  	[tilespmem:s19], [sflag:$0x2] =	stream.indirect.gather [hbm4b:s2+s16], $0x80, s26, s16, $0xb8;
	[tilespmem:$0x1F400] =	vst v63  }
0x49: {  	_ =	swait.ge [sflag:s20], $0x2800  }
0x4a: {  	[sflag:s20] =	ssyncset.done $0x0  }
0x4b: {  	[sflag:s20] =	ssyncadd.s32 $0xFFFFD800  }
0x4c: {  	[spmem:s3] =	stream.indirect.scatter.add.f32 [tilespmem:s17], [sflag:$0x3], $0x80, s22, s16, $0xb8;
	[tilespmem:$0x1F400] =	vst v63  }
0x4d: {  	_ =	swait.ge [sflag:s12], $0x2800  }
0x4e: {  	[sflag:s12] =	ssyncset.done $0x0  }
0x4f: {  	[sflag:s12] =	ssyncadd.s32 $0xFFFFD800  }
0x50: {  	_ =	swait.ge [sflag:s21], $0x2800  }
0x51: {  	[sflag:s21] =	ssyncset.done $0x0  }
0x52: {  	[sflag:s21] =	ssyncadd.s32 $0xFFFFD800  }
0x53: {  	[spmem:s3] =	stream.indirect.scatter.add.f32 [tilespmem:s19], [sflag:$0x3], $0x80, s23, s16, $0xb8;
	[tilespmem:$0x1F400] =	vst v63  }
0x54: {  	_ =	swait.ge [sflag:s12], $0x2800  }
0x55: {  	s24 =	sadd.s32 $0x1, s24;
	[sflag:s12] =	ssyncset.done $0x0  }
0x56: {  	p0 =	sne.s32 s24, s10;
	[sflag:s12] =	ssyncadd.s32 $0xFFFFD800  }
.Ltmp1:
0x57: {  	[bflag:$0x0] =	sbarrier.arrive $0xFFFF;
	(pc) =	sbr.rel @p0 .LBB2_1-.Ltmp1, $4  }
0x58: {  	[hbm:s9], [sflag:s13] =	dma.local [spmem:s14], $0x1400  }
0x59: {  	_ =	swait.ge [sflag:s12], $0x1400  }
0x5a: {  	[sflag:s12] =	ssyncset.done $0x0  }
0x5b: {  	[sflag:s12] =	ssyncadd.s32 $0xFFFFEC00  }
0x5c: {  	_ =	sfence.sel $0x180000  }
0x5d: {  	[bflag:$0x0] =	sbarrier.arrive $0xFFFF  }
0x5e: {  	p0 =	sne.s32 s1, $0x0;
	_ =	strace $0x90000056  }
0x5f: {  	s0 =	sadd.s32 @!p0 $0x100000, s0;
	[bflag:$0x2] =	sbarrier.arrive $0xFFFF  }
0x60: {  	[sflag:s0] =	ssyncadd.tile.s32 @!p0 $0x1;
	_ =	shalt  }
.Lfunc_end2:
_tile_overlayer_lowered:
.L_overlay_start_2:
0x61: {  	(tag) =	ssettag $0x2  }
0x62: {  	s0 =	rddreg [dreg:$0x0];
	s2 =	stileid.u32  }
0x63: {  	s1 =	rddreg [dreg:$0x1];
	p0 =	sne.s32 s2, $0x0  }
0x64: {  	s3 =	rddreg [dreg:$0x2];
	[bflag:$0x3] =	sbarrier.arrive $0xFFFF;
	s2 =	simm.s32 @!p0 $0x1C03  }
0x65: {  	[timem:s3], [sflag:s2] =	dma.local @!p0 [hbm:s0], s1  }
0x66: {  	s0 =	simm.s32 @!p0 $0x3  }
0x67: {  	_ =	swait.ge @!p0 [sflag:s0], s1  }
0x68: {  	s1 =	ssub.s32 @!p0 $0x0, s1;
	[sflag:s0] =	ssyncset.done @!p0 $0x0  }
0x69: {  	[sflag:s0] =	ssyncadd.s32 @!p0 s1  }
0x6a: {  	[bflag:$0x3] =	sbarrier.arrive $0xFFFF  }
0x6b: {  	_ =	shalt  }

</sc_bundles>
